<compile_context>
chip_gen: v7x
topology: tpu7x:2x2x1
jax: 0.10.2.dev20260603
libtpu: 0.0.44.dev20260713+nightly
codegen_flags: <defaults>
</compile_context>

<pallas_src>
import functools

import jax
import jax.numpy as jnp
from jax import lax
from jax.experimental import pallas as pl
from jax.experimental.pallas import tpu as pltpu
from jax.experimental.pallas import tpu_sc as plsc

N = 10000
NPAD = 10240
D = 128
E = 320000
NC = 2
NS = 16
NW = NC * NS
CH = 64
NCH = 158
EPAD = NW * NCH * CH
DEGW = 16
ROWS_PER_SUB = NPAD // NS
ZCH = ROWS_PER_SUB // CH


def _agg_body(with_deg, *refs):
    if with_deg:
        (table, srci, dsti, zbuf_h, ones_h, zdeg_h,
         acc_out, deg_out,
         acc_sh, deg_sh, srcv, dstv, rows, onesv, zdegv, gsem) = refs
    else:
        (table, srci, dsti, zbuf_h,
         acc_out,
         acc_sh, srcv, dstv, rows, gsem) = refs

    c = lax.axis_index("c")
    s = lax.axis_index("s")
    wid = s * NC + c

    pltpu.sync_copy(zbuf_h, rows)
    if with_deg:
        pltpu.sync_copy(ones_h, onesv)
        pltpu.sync_copy(zdeg_h, zdegv)
    for k in range(ZCH):
        row0 = s * ROWS_PER_SUB + k * CH
        pltpu.sync_copy(rows, acc_sh.at[pl.ds(row0, CH)])
        if with_deg:
            pltpu.sync_copy(zdegv, deg_sh.at[pl.ds(row0, CH)])
    plsc.subcore_barrier()

    pltpu.sync_copy(srci.at[wid], srcv)
    pltpu.sync_copy(dsti.at[wid], dstv)

    def body(i, carry):
        pltpu.async_copy(table.at[srcv.at[i]], rows, gsem).wait()
        pltpu.sync_copy(rows, acc_sh.at[dstv.at[i]], add=True)
        if with_deg:
            pltpu.sync_copy(onesv, deg_sh.at[dstv.at[i]], add=True)
        return carry

    lax.fori_loop(0, NCH, body, 0)
    plsc.subcore_barrier()

    for k in range(ZCH):
        row0 = s * ROWS_PER_SUB + k * CH
        pltpu.sync_copy(acc_sh.at[pl.ds(row0, CH)], rows)
        pltpu.sync_copy(rows, acc_out.at[c, pl.ds(row0, CH)])
        if with_deg:
            pltpu.sync_copy(deg_sh.at[pl.ds(row0, CH)], zdegv)
            pltpu.sync_copy(zdegv, deg_out.at[c, pl.ds(row0, CH)])


def _make_agg(with_deg):
    mesh = plsc.VectorSubcoreMesh(core_axis_name="c", subcore_axis_name="s")
    out_type = [jax.ShapeDtypeStruct((NC, NPAD, D), jnp.float32)]
    scratch = [
        pltpu.VMEM_SHARED((NPAD, D), jnp.float32),
    ]
    if with_deg:
        out_type.append(jax.ShapeDtypeStruct((NC, NPAD, DEGW), jnp.float32))
        scratch.append(pltpu.VMEM_SHARED((NPAD, DEGW), jnp.float32))
    scratch += [
        pltpu.VMEM((NCH, CH), jnp.int32),
        pltpu.VMEM((NCH, CH), jnp.int32),
        pltpu.VMEM((CH, D), jnp.float32),
    ]
    if with_deg:
        scratch += [
            pltpu.VMEM((CH, DEGW), jnp.float32),
            pltpu.VMEM((CH, DEGW), jnp.float32),
        ]
    scratch.append(pltpu.SemaphoreType.DMA)
    return pl.kernel(
        functools.partial(_agg_body, with_deg),
        out_type=tuple(out_type),
        mesh=mesh,
        scratch_types=tuple(scratch),
        compiler_params=pltpu.CompilerParams(use_tc_tiling_on_sc=False),
    )


ROWT = 512
GRID = NPAD // ROWT


def _tc1_body(x_ref, a0_ref, a1_ref, d0_ref, d1_ref,
              w1s_ref, w1n_ref, b1_ref, w2s_ref, w2n_ref,
              s2_ref, p2_ref):
    deg = d0_ref[:, :1] + d1_ref[:, :1]
    inv = 1.0 / jnp.maximum(deg, 1.0)
    agg = (a0_ref[...] + a1_ref[...]) * inv
    h = jnp.dot(x_ref[...], w1s_ref[...], preferred_element_type=jnp.float32)
    h = h + jnp.dot(agg, w1n_ref[...], preferred_element_type=jnp.float32)
    h = jnp.maximum(h + b1_ref[...], 0.0)
    s2_ref[...] = jnp.dot(h, w2s_ref[...], preferred_element_type=jnp.float32)
    p2_ref[...] = jnp.dot(h, w2n_ref[...], preferred_element_type=jnp.float32)


def _tc2_body(s2_ref, a0_ref, a1_ref, d0_ref, d1_ref, b2_ref, o_ref):
    deg = d0_ref[:, :1] + d1_ref[:, :1]
    inv = 1.0 / jnp.maximum(deg, 1.0)
    agg = (a0_ref[...] + a1_ref[...]) * inv
    o_ref[...] = jnp.maximum(s2_ref[...] + agg + b2_ref[...], 0.0)


def _row_spec(w):
    return pl.BlockSpec((ROWT, w), lambda i: (i, 0))


def _full_spec(shape):
    return pl.BlockSpec(shape, lambda i: tuple(0 for _ in shape))


_tc1 = pl.pallas_call(
    _tc1_body,
    grid=(GRID,),
    in_specs=[
        _row_spec(D), _row_spec(D), _row_spec(D),
        _row_spec(DEGW), _row_spec(DEGW),
        _full_spec((D, 2 * D)), _full_spec((D, 2 * D)), _full_spec((1, 2 * D)),
        _full_spec((2 * D, D)), _full_spec((2 * D, D)),
    ],
    out_specs=[_row_spec(D), _row_spec(D)],
    out_shape=[
        jax.ShapeDtypeStruct((NPAD, D), jnp.float32),
        jax.ShapeDtypeStruct((NPAD, D), jnp.float32),
    ],
)

_tc2 = pl.pallas_call(
    _tc2_body,
    grid=(GRID,),
    in_specs=[
        _row_spec(D), _row_spec(D), _row_spec(D),
        _row_spec(DEGW), _row_spec(DEGW),
        _full_spec((1, D)),
    ],
    out_specs=_row_spec(D),
    out_shape=jax.ShapeDtypeStruct((NPAD, D), jnp.float32),
)


def kernel(x, edge_index, W1_self, W1_neigh, b1, W2_self, W2_neigh, b2):
    src = edge_index[0].astype(jnp.int32)
    dst = edge_index[1].astype(jnp.int32)
    pad = EPAD - E
    src_p = jnp.concatenate(
        [src, jnp.zeros((pad,), jnp.int32)]).reshape(NW, NCH, CH)
    dst_p = jnp.concatenate(
        [dst, jnp.full((pad,), N, jnp.int32)]).reshape(NW, NCH, CH)
    x_p = jnp.pad(x, ((0, NPAD - N), (0, 0)))

    zrow = jnp.zeros((CH, D), jnp.float32)
    ones_c = jnp.zeros((CH, DEGW), jnp.float32).at[:, 0].set(1.0)
    zdeg = jnp.zeros((CH, DEGW), jnp.float32)

    agg_deg = _make_agg(True)
    agg_only = _make_agg(False)

    accA, degt = agg_deg(x_p, src_p, dst_p, zrow, ones_c, zdeg)
    s2, p2 = _tc1(x_p, accA[0], accA[1], degt[0], degt[1],
                  W1_self, W1_neigh, b1.reshape(1, -1), W2_self, W2_neigh)
    accB, = agg_only(p2, src_p, dst_p, zrow)
    out = _tc2(s2, accB[0], accB[1], degt[0], degt[1], b2.reshape(1, -1))
    return out[:N]

# --- scband reference (transcript-rebuilt; emitter-appended) ---
"""Pipeline reference for scband-gcn-4604204942077 (READ-ONLY COPY).

The authoritative reference and input builder live on the scoring server;
editing this copy changes nothing except your own understanding.
"""

import jax, jax.numpy as jnp
import numpy as np

N_NODES = 10000
N_EDGES = 320000
D_IN = 128
D_HID = 256  # out_size * 2
D_OUT = 128


def setup_inputs(seed: int = 0) -> dict:
    key = jax.random.key(seed)
    ks = jax.random.split(key, 10)
    x = jax.random.normal(ks[0], (N_NODES, D_IN), dtype=jnp.float32)
    edge_index = jax.random.randint(ks[1], (2, N_EDGES), 0, N_NODES, dtype=jnp.int64)
    # SAGEConv layer 1: in_size -> out_size*2
    W1_self = jax.random.normal(ks[2], (D_IN, D_HID), dtype=jnp.float32) * (1.0 / np.sqrt(D_IN))
    W1_neigh = jax.random.normal(ks[3], (D_IN, D_HID), dtype=jnp.float32) * (1.0 / np.sqrt(D_IN))
    b1 = jnp.zeros((D_HID,), dtype=jnp.float32)
    # SAGEConv layer 2: out_size*2 -> out_size
    W2_self = jax.random.normal(ks[4], (D_HID, D_OUT), dtype=jnp.float32) * (1.0 / np.sqrt(D_HID))
    W2_neigh = jax.random.normal(ks[5], (D_HID, D_OUT), dtype=jnp.float32) * (1.0 / np.sqrt(D_HID))
    b2 = jnp.zeros((D_OUT,), dtype=jnp.float32)
    return {"x": x, "edge_index": edge_index,
            "W1_self": W1_self, "W1_neigh": W1_neigh, "b1": b1,
            "W2_self": W2_self, "W2_neigh": W2_neigh, "b2": b2}


def _sage_conv(h, src, dst, W_self, W_neigh, b, n_nodes):
    # DGL SAGEConv with 'mean' aggregator:
    # h_neigh = mean over in-neighbors of src features; out = fc_self(h) + fc_neigh(h_neigh) + b
    msgs = h[src]  # gather src features per edge
    summed = jax.ops.segment_sum(msgs, dst, num_segments=n_nodes)
    deg = jax.ops.segment_sum(jnp.ones((src.shape[0],), dtype=h.dtype), dst, num_segments=n_nodes)
    h_neigh = summed / jnp.clip(deg, 1.0, None)[:, None]
    return h @ W_self + h_neigh @ W_neigh + b


def reference(x, edge_index, W1_self, W1_neigh, b1, W2_self, W2_neigh, b2):
    src = edge_index[0]
    dst = edge_index[1]
    n = x.shape[0]
    h = jax.nn.relu(_sage_conv(x, src, dst, W1_self, W1_neigh, b1, n))
    h = jax.nn.relu(_sage_conv(h, src, dst, W2_self, W2_neigh, b2, n))
    return h

if __name__ == "__main__":
    import jax
    _d = setup_inputs()
    print(jax.jit(kernel)(*tuple(_d.values())))

</pallas_src>

<mosaic_0001>
#map = affine_map<(d0, d1) -> (0, 0)>
#map1 = affine_map<(d0, d1) -> (0, 0, 0)>
module attributes {stable_mosaic.version = 14 : i64} {
  func.func @_agg_body(%arg0: i32, %arg1: i32, %arg2: memref<10240x128xf32, #tpu.memory_space<hbm>>, %arg3: memref<32x158x64xi32, #tpu.memory_space<hbm>>, %arg4: memref<32x158x64xi32, #tpu.memory_space<hbm>>, %arg5: memref<64x128xf32, #tpu.memory_space<hbm>>, %arg6: memref<2x10240x128xf32, #tpu.memory_space<hbm>>, %arg7: memref<10240x128xf32, #tpu.memory_space<vmem_shared>>, %arg8: memref<158x64xi32, #tpu.memory_space<vmem>>, %arg9: memref<158x64xi32, #tpu.memory_space<vmem>>, %arg10: memref<64x128xf32, #tpu.memory_space<vmem>>, %arg11: memref<!tpu.dma_semaphore, #tpu.memory_space<semaphore_mem>>) attributes {dimension_semantics = [#tpu.dimension_semantics<core_parallel>, #tpu.dimension_semantics<subcore_parallel>], iteration_bounds = array<i64: 2, 16>, scalar_prefetch = 0 : i64, scratch_operands = 5 : i64, tpu.core_type = #tpu.core_type<sc_vector_subcore>, window_params = [{transform_indices = #map}, {transform_indices = #map1}, {transform_indices = #map1}, {transform_indices = #map}, {transform_indices = #map1}]} {
    %mul3A = arith.constant 2 : i32
    %mul3A_0 = arith.muli %arg1, %mul3A : i32
    %add3A = arith.addi %mul3A_0, %arg0 : i32
    "tpu.region"() ({
      %run_scoped3A = tpu.sem_alloc : memref<!tpu.dma_semaphore, #tpu.memory_space<semaphore_mem>>
      tpu.enqueue_dma source(%arg5 : memref<64x128xf32, #tpu.memory_space<hbm>>) target(%arg10 : memref<64x128xf32, #tpu.memory_space<vmem>>) target_semaphore(%run_scoped3A : memref<!tpu.dma_semaphore, #tpu.memory_space<semaphore_mem>>)
      tpu.wait_dma2 semaphore(%run_scoped3A : memref<!tpu.dma_semaphore, #tpu.memory_space<semaphore_mem>>) src(%arg5 : memref<64x128xf32, #tpu.memory_space<hbm>>) dst(%arg10 : memref<64x128xf32, #tpu.memory_space<vmem>>)
      tpu.yield
    }) : () -> ()
    %mul3A_1 = arith.constant 640 : i32
    %mul3A_2 = arith.muli %arg1, %mul3A_1 : i32
    %add3A_3 = arith.constant 0 : i32
    %add3A_4 = arith.addi %mul3A_2, %add3A_3 : i32
    "tpu.region"() ({
      %run_scoped3A = tpu.sem_alloc : memref<!tpu.dma_semaphore, #tpu.memory_space<semaphore_mem>>
      %dma_start3A = arith.constant 0 : i32
      %dma_start3A_87 = tpu.memref_slice %arg7[%add3A_4, %dma_start3A] : memref<10240x128xf32, #tpu.memory_space<vmem_shared>> -> memref<64x128xf32, #tpu.memory_space<vmem_shared>>
      %dma_start3A_88 = arith.constant 0 : i32
      %dma_start3A_89 = tpu.memref_slice %arg7[%add3A_4, %dma_start3A_88] : memref<10240x128xf32, #tpu.memory_space<vmem_shared>> -> memref<64x128xf32, #tpu.memory_space<vmem_shared>>
      tpu.enqueue_dma source(%arg10 : memref<64x128xf32, #tpu.memory_space<vmem>>) target(%dma_start3A_89 : memref<64x128xf32, #tpu.memory_space<vmem_shared>>) target_semaphore(%run_scoped3A : memref<!tpu.dma_semaphore, #tpu.memory_space<semaphore_mem>>)
      %dma_wait3A = arith.constant 0 : i32
      %dma_wait3A_90 = tpu.memref_slice %arg7[%add3A_4, %dma_wait3A] : memref<10240x128xf32, #tpu.memory_space<vmem_shared>> -> memref<64x128xf32, #tpu.memory_space<vmem_shared>>
      %dma_wait3A_91 = arith.constant 0 : i32
      %dma_wait3A_92 = tpu.memref_slice %arg7[%add3A_4, %dma_wait3A_91] : memref<10240x128xf32, #tpu.memory_space<vmem_shared>> -> memref<64x128xf32, #tpu.memory_space<vmem_shared>>
      tpu.wait_dma2 semaphore(%run_scoped3A : memref<!tpu.dma_semaphore, #tpu.memory_space<semaphore_mem>>) src(%arg10 : memref<64x128xf32, #tpu.memory_space<vmem>>) dst(%dma_wait3A_92 : memref<64x128xf32, #tpu.memory_space<vmem_shared>>)
      tpu.yield
    }) : () -> ()
    %mul3A_5 = arith.constant 640 : i32
    %mul3A_6 = arith.muli %arg1, %mul3A_5 : i32
    %add3A_7 = arith.constant 64 : i32
    %add3A_8 = arith.addi %mul3A_6, %add3A_7 : i32
    "tpu.region"() ({
      %run_scoped3A = tpu.sem_alloc : memref<!tpu.dma_semaphore, #tpu.memory_space<semaphore_mem>>
      %dma_start3A = arith.constant 0 : i32
      %dma_start3A_87 = tpu.memref_slice %arg7[%add3A_8, %dma_start3A] : memref<10240x128xf32, #tpu.memory_space<vmem_shared>> -> memref<64x128xf32, #tpu.memory_space<vmem_shared>>
      %dma_start3A_88 = arith.constant 0 : i32
      %dma_start3A_89 = tpu.memref_slice %arg7[%add3A_8, %dma_start3A_88] : memref<10240x128xf32, #tpu.memory_space<vmem_shared>> -> memref<64x128xf32, #tpu.memory_space<vmem_shared>>
      tpu.enqueue_dma source(%arg10 : memref<64x128xf32, #tpu.memory_space<vmem>>) target(%dma_start3A_89 : memref<64x128xf32, #tpu.memory_space<vmem_shared>>) target_semaphore(%run_scoped3A : memref<!tpu.dma_semaphore, #tpu.memory_space<semaphore_mem>>)
      %dma_wait3A = arith.constant 0 : i32
      %dma_wait3A_90 = tpu.memref_slice %arg7[%add3A_8, %dma_wait3A] : memref<10240x128xf32, #tpu.memory_space<vmem_shared>> -> memref<64x128xf32, #tpu.memory_space<vmem_shared>>
      %dma_wait3A_91 = arith.constant 0 : i32
      %dma_wait3A_92 = tpu.memref_slice %arg7[%add3A_8, %dma_wait3A_91] : memref<10240x128xf32, #tpu.memory_space<vmem_shared>> -> memref<64x128xf32, #tpu.memory_space<vmem_shared>>
      tpu.wait_dma2 semaphore(%run_scoped3A : memref<!tpu.dma_semaphore, #tpu.memory_space<semaphore_mem>>) src(%arg10 : memref<64x128xf32, #tpu.memory_space<vmem>>) dst(%dma_wait3A_92 : memref<64x128xf32, #tpu.memory_space<vmem_shared>>)
      tpu.yield
    }) : () -> ()
    %mul3A_9 = arith.constant 640 : i32
    %mul3A_10 = arith.muli %arg1, %mul3A_9 : i32
    %add3A_11 = arith.constant 128 : i32
    %add3A_12 = arith.addi %mul3A_10, %add3A_11 : i32
    "tpu.region"() ({
      %run_scoped3A = tpu.sem_alloc : memref<!tpu.dma_semaphore, #tpu.memory_space<semaphore_mem>>
      %dma_start3A = arith.constant 0 : i32
      %dma_start3A_87 = tpu.memref_slice %arg7[%add3A_12, %dma_start3A] : memref<10240x128xf32, #tpu.memory_space<vmem_shared>> -> memref<64x128xf32, #tpu.memory_space<vmem_shared>>
      %dma_start3A_88 = arith.constant 0 : i32
      %dma_start3A_89 = tpu.memref_slice %arg7[%add3A_12, %dma_start3A_88] : memref<10240x128xf32, #tpu.memory_space<vmem_shared>> -> memref<64x128xf32, #tpu.memory_space<vmem_shared>>
      tpu.enqueue_dma source(%arg10 : memref<64x128xf32, #tpu.memory_space<vmem>>) target(%dma_start3A_89 : memref<64x128xf32, #tpu.memory_space<vmem_shared>>) target_semaphore(%run_scoped3A : memref<!tpu.dma_semaphore, #tpu.memory_space<semaphore_mem>>)
      %dma_wait3A = arith.constant 0 : i32
      %dma_wait3A_90 = tpu.memref_slice %arg7[%add3A_12, %dma_wait3A] : memref<10240x128xf32, #tpu.memory_space<vmem_shared>> -> memref<64x128xf32, #tpu.memory_space<vmem_shared>>
      %dma_wait3A_91 = arith.constant 0 : i32
      %dma_wait3A_92 = tpu.memref_slice %arg7[%add3A_12, %dma_wait3A_91] : memref<10240x128xf32, #tpu.memory_space<vmem_shared>> -> memref<64x128xf32, #tpu.memory_space<vmem_shared>>
      tpu.wait_dma2 semaphore(%run_scoped3A : memref<!tpu.dma_semaphore, #tpu.memory_space<semaphore_mem>>) src(%arg10 : memref<64x128xf32, #tpu.memory_space<vmem>>) dst(%dma_wait3A_92 : memref<64x128xf32, #tpu.memory_space<vmem_shared>>)
      tpu.yield
    }) : () -> ()
    %mul3A_13 = arith.constant 640 : i32
    %mul3A_14 = arith.muli %arg1, %mul3A_13 : i32
    %add3A_15 = arith.constant 192 : i32
    %add3A_16 = arith.addi %mul3A_14, %add3A_15 : i32
    "tpu.region"() ({
      %run_scoped3A = tpu.sem_alloc : memref<!tpu.dma_semaphore, #tpu.memory_space<semaphore_mem>>
      %dma_start3A = arith.constant 0 : i32
      %dma_start3A_87 = tpu.memref_slice %arg7[%add3A_16, %dma_start3A] : memref<10240x128xf32, #tpu.memory_space<vmem_shared>> -> memref<64x128xf32, #tpu.memory_space<vmem_shared>>
      %dma_start3A_88 = arith.constant 0 : i32
      %dma_start3A_89 = tpu.memref_slice %arg7[%add3A_16, %dma_start3A_88] : memref<10240x128xf32, #tpu.memory_space<vmem_shared>> -> memref<64x128xf32, #tpu.memory_space<vmem_shared>>
      tpu.enqueue_dma source(%arg10 : memref<64x128xf32, #tpu.memory_space<vmem>>) target(%dma_start3A_89 : memref<64x128xf32, #tpu.memory_space<vmem_shared>>) target_semaphore(%run_scoped3A : memref<!tpu.dma_semaphore, #tpu.memory_space<semaphore_mem>>)
      %dma_wait3A = arith.constant 0 : i32
      %dma_wait3A_90 = tpu.memref_slice %arg7[%add3A_16, %dma_wait3A] : memref<10240x128xf32, #tpu.memory_space<vmem_shared>> -> memref<64x128xf32, #tpu.memory_space<vmem_shared>>
      %dma_wait3A_91 = arith.constant 0 : i32
      %dma_wait3A_92 = tpu.memref_slice %arg7[%add3A_16, %dma_wait3A_91] : memref<10240x128xf32, #tpu.memory_space<vmem_shared>> -> memref<64x128xf32, #tpu.memory_space<vmem_shared>>
      tpu.wait_dma2 semaphore(%run_scoped3A : memref<!tpu.dma_semaphore, #tpu.memory_space<semaphore_mem>>) src(%arg10 : memref<64x128xf32, #tpu.memory_space<vmem>>) dst(%dma_wait3A_92 : memref<64x128xf32, #tpu.memory_space<vmem_shared>>)
      tpu.yield
    }) : () -> ()
    %mul3A_17 = arith.constant 640 : i32
    %mul3A_18 = arith.muli %arg1, %mul3A_17 : i32
    %add3A_19 = arith.constant 256 : i32
    %add3A_20 = arith.addi %mul3A_18, %add3A_19 : i32
    "tpu.region"() ({
      %run_scoped3A = tpu.sem_alloc : memref<!tpu.dma_semaphore, #tpu.memory_space<semaphore_mem>>
      %dma_start3A = arith.constant 0 : i32
      %dma_start3A_87 = tpu.memref_slice %arg7[%add3A_20, %dma_start3A] : memref<10240x128xf32, #tpu.memory_space<vmem_shared>> -> memref<64x128xf32, #tpu.memory_space<vmem_shared>>
      %dma_start3A_88 = arith.constant 0 : i32
      %dma_start3A_89 = tpu.memref_slice %arg7[%add3A_20, %dma_start3A_88] : memref<10240x128xf32, #tpu.memory_space<vmem_shared>> -> memref<64x128xf32, #tpu.memory_space<vmem_shared>>
      tpu.enqueue_dma source(%arg10 : memref<64x128xf32, #tpu.memory_space<vmem>>) target(%dma_start3A_89 : memref<64x128xf32, #tpu.memory_space<vmem_shared>>) target_semaphore(%run_scoped3A : memref<!tpu.dma_semaphore, #tpu.memory_space<semaphore_mem>>)
      %dma_wait3A = arith.constant 0 : i32
      %dma_wait3A_90 = tpu.memref_slice %arg7[%add3A_20, %dma_wait3A] : memref<10240x128xf32, #tpu.memory_space<vmem_shared>> -> memref<64x128xf32, #tpu.memory_space<vmem_shared>>
      %dma_wait3A_91 = arith.constant 0 : i32
      %dma_wait3A_92 = tpu.memref_slice %arg7[%add3A_20, %dma_wait3A_91] : memref<10240x128xf32, #tpu.memory_space<vmem_shared>> -> memref<64x128xf32, #tpu.memory_space<vmem_shared>>
      tpu.wait_dma2 semaphore(%run_scoped3A : memref<!tpu.dma_semaphore, #tpu.memory_space<semaphore_mem>>) src(%arg10 : memref<64x128xf32, #tpu.memory_space<vmem>>) dst(%dma_wait3A_92 : memref<64x128xf32, #tpu.memory_space<vmem_shared>>)
      tpu.yield
    }) : () -> ()
    %mul3A_21 = arith.constant 640 : i32
    %mul3A_22 = arith.muli %arg1, %mul3A_21 : i32
    %add3A_23 = arith.constant 320 : i32
    %add3A_24 = arith.addi %mul3A_22, %add3A_23 : i32
    "tpu.region"() ({
      %run_scoped3A = tpu.sem_alloc : memref<!tpu.dma_semaphore, #tpu.memory_space<semaphore_mem>>
      %dma_start3A = arith.constant 0 : i32
      %dma_start3A_87 = tpu.memref_slice %arg7[%add3A_24, %dma_start3A] : memref<10240x128xf32, #tpu.memory_space<vmem_shared>> -> memref<64x128xf32, #tpu.memory_space<vmem_shared>>
      %dma_start3A_88 = arith.constant 0 : i32
      %dma_start3A_89 = tpu.memref_slice %arg7[%add3A_24, %dma_start3A_88] : memref<10240x128xf32, #tpu.memory_space<vmem_shared>> -> memref<64x128xf32, #tpu.memory_space<vmem_shared>>
      tpu.enqueue_dma source(%arg10 : memref<64x128xf32, #tpu.memory_space<vmem>>) target(%dma_start3A_89 : memref<64x128xf32, #tpu.memory_space<vmem_shared>>) target_semaphore(%run_scoped3A : memref<!tpu.dma_semaphore, #tpu.memory_space<semaphore_mem>>)
      %dma_wait3A = arith.constant 0 : i32
      %dma_wait3A_90 = tpu.memref_slice %arg7[%add3A_24, %dma_wait3A] : memref<10240x128xf32, #tpu.memory_space<vmem_shared>> -> memref<64x128xf32, #tpu.memory_space<vmem_shared>>
      %dma_wait3A_91 = arith.constant 0 : i32
      %dma_wait3A_92 = tpu.memref_slice %arg7[%add3A_24, %dma_wait3A_91] : memref<10240x128xf32, #tpu.memory_space<vmem_shared>> -> memref<64x128xf32, #tpu.memory_space<vmem_shared>>
      tpu.wait_dma2 semaphore(%run_scoped3A : memref<!tpu.dma_semaphore, #tpu.memory_space<semaphore_mem>>) src(%arg10 : memref<64x128xf32, #tpu.memory_space<vmem>>) dst(%dma_wait3A_92 : memref<64x128xf32, #tpu.memory_space<vmem_shared>>)
      tpu.yield
    }) : () -> ()
    %mul3A_25 = arith.constant 640 : i32
    %mul3A_26 = arith.muli %arg1, %mul3A_25 : i32
    %add3A_27 = arith.constant 384 : i32
    %add3A_28 = arith.addi %mul3A_26, %add3A_27 : i32
    "tpu.region"() ({
      %run_scoped3A = tpu.sem_alloc : memref<!tpu.dma_semaphore, #tpu.memory_space<semaphore_mem>>
      %dma_start3A = arith.constant 0 : i32
      %dma_start3A_87 = tpu.memref_slice %arg7[%add3A_28, %dma_start3A] : memref<10240x128xf32, #tpu.memory_space<vmem_shared>> -> memref<64x128xf32, #tpu.memory_space<vmem_shared>>
      %dma_start3A_88 = arith.constant 0 : i32
      %dma_start3A_89 = tpu.memref_slice %arg7[%add3A_28, %dma_start3A_88] : memref<10240x128xf32, #tpu.memory_space<vmem_shared>> -> memref<64x128xf32, #tpu.memory_space<vmem_shared>>
      tpu.enqueue_dma source(%arg10 : memref<64x128xf32, #tpu.memory_space<vmem>>) target(%dma_start3A_89 : memref<64x128xf32, #tpu.memory_space<vmem_shared>>) target_semaphore(%run_scoped3A : memref<!tpu.dma_semaphore, #tpu.memory_space<semaphore_mem>>)
      %dma_wait3A = arith.constant 0 : i32
      %dma_wait3A_90 = tpu.memref_slice %arg7[%add3A_28, %dma_wait3A] : memref<10240x128xf32, #tpu.memory_space<vmem_shared>> -> memref<64x128xf32, #tpu.memory_space<vmem_shared>>
      %dma_wait3A_91 = arith.constant 0 : i32
      %dma_wait3A_92 = tpu.memref_slice %arg7[%add3A_28, %dma_wait3A_91] : memref<10240x128xf32, #tpu.memory_space<vmem_shared>> -> memref<64x128xf32, #tpu.memory_space<vmem_shared>>
      tpu.wait_dma2 semaphore(%run_scoped3A : memref<!tpu.dma_semaphore, #tpu.memory_space<semaphore_mem>>) src(%arg10 : memref<64x128xf32, #tpu.memory_space<vmem>>) dst(%dma_wait3A_92 : memref<64x128xf32, #tpu.memory_space<vmem_shared>>)
      tpu.yield
    }) : () -> ()
    %mul3A_29 = arith.constant 640 : i32
    %mul3A_30 = arith.muli %arg1, %mul3A_29 : i32
    %add3A_31 = arith.constant 448 : i32
    %add3A_32 = arith.addi %mul3A_30, %add3A_31 : i32
    "tpu.region"() ({
      %run_scoped3A = tpu.sem_alloc : memref<!tpu.dma_semaphore, #tpu.memory_space<semaphore_mem>>
      %dma_start3A = arith.constant 0 : i32
      %dma_start3A_87 = tpu.memref_slice %arg7[%add3A_32, %dma_start3A] : memref<10240x128xf32, #tpu.memory_space<vmem_shared>> -> memref<64x128xf32, #tpu.memory_space<vmem_shared>>
      %dma_start3A_88 = arith.constant 0 : i32
      %dma_start3A_89 = tpu.memref_slice %arg7[%add3A_32, %dma_start3A_88] : memref<10240x128xf32, #tpu.memory_space<vmem_shared>> -> memref<64x128xf32, #tpu.memory_space<vmem_shared>>
      tpu.enqueue_dma source(%arg10 : memref<64x128xf32, #tpu.memory_space<vmem>>) target(%dma_start3A_89 : memref<64x128xf32, #tpu.memory_space<vmem_shared>>) target_semaphore(%run_scoped3A : memref<!tpu.dma_semaphore, #tpu.memory_space<semaphore_mem>>)
      %dma_wait3A = arith.constant 0 : i32
      %dma_wait3A_90 = tpu.memref_slice %arg7[%add3A_32, %dma_wait3A] : memref<10240x128xf32, #tpu.memory_space<vmem_shared>> -> memref<64x128xf32, #tpu.memory_space<vmem_shared>>
      %dma_wait3A_91 = arith.constant 0 : i32
      %dma_wait3A_92 = tpu.memref_slice %arg7[%add3A_32, %dma_wait3A_91] : memref<10240x128xf32, #tpu.memory_space<vmem_shared>> -> memref<64x128xf32, #tpu.memory_space<vmem_shared>>
      tpu.wait_dma2 semaphore(%run_scoped3A : memref<!tpu.dma_semaphore, #tpu.memory_space<semaphore_mem>>) src(%arg10 : memref<64x128xf32, #tpu.memory_space<vmem>>) dst(%dma_wait3A_92 : memref<64x128xf32, #tpu.memory_space<vmem_shared>>)
      tpu.yield
    }) : () -> ()
    %mul3A_33 = arith.constant 640 : i32
    %mul3A_34 = arith.muli %arg1, %mul3A_33 : i32
    %add3A_35 = arith.constant 512 : i32
    %add3A_36 = arith.addi %mul3A_34, %add3A_35 : i32
    "tpu.region"() ({
      %run_scoped3A = tpu.sem_alloc : memref<!tpu.dma_semaphore, #tpu.memory_space<semaphore_mem>>
      %dma_start3A = arith.constant 0 : i32
      %dma_start3A_87 = tpu.memref_slice %arg7[%add3A_36, %dma_start3A] : memref<10240x128xf32, #tpu.memory_space<vmem_shared>> -> memref<64x128xf32, #tpu.memory_space<vmem_shared>>
      %dma_start3A_88 = arith.constant 0 : i32
      %dma_start3A_89 = tpu.memref_slice %arg7[%add3A_36, %dma_start3A_88] : memref<10240x128xf32, #tpu.memory_space<vmem_shared>> -> memref<64x128xf32, #tpu.memory_space<vmem_shared>>
      tpu.enqueue_dma source(%arg10 : memref<64x128xf32, #tpu.memory_space<vmem>>) target(%dma_start3A_89 : memref<64x128xf32, #tpu.memory_space<vmem_shared>>) target_semaphore(%run_scoped3A : memref<!tpu.dma_semaphore, #tpu.memory_space<semaphore_mem>>)
      %dma_wait3A = arith.constant 0 : i32
      %dma_wait3A_90 = tpu.memref_slice %arg7[%add3A_36, %dma_wait3A] : memref<10240x128xf32, #tpu.memory_space<vmem_shared>> -> memref<64x128xf32, #tpu.memory_space<vmem_shared>>
      %dma_wait3A_91 = arith.constant 0 : i32
      %dma_wait3A_92 = tpu.memref_slice %arg7[%add3A_36, %dma_wait3A_91] : memref<10240x128xf32, #tpu.memory_space<vmem_shared>> -> memref<64x128xf32, #tpu.memory_space<vmem_shared>>
      tpu.wait_dma2 semaphore(%run_scoped3A : memref<!tpu.dma_semaphore, #tpu.memory_space<semaphore_mem>>) src(%arg10 : memref<64x128xf32, #tpu.memory_space<vmem>>) dst(%dma_wait3A_92 : memref<64x128xf32, #tpu.memory_space<vmem_shared>>)
      tpu.yield
    }) : () -> ()
    %mul3A_37 = arith.constant 640 : i32
    %mul3A_38 = arith.muli %arg1, %mul3A_37 : i32
    %add3A_39 = arith.constant 576 : i32
    %add3A_40 = arith.addi %mul3A_38, %add3A_39 : i32
    "tpu.region"() ({
      %run_scoped3A = tpu.sem_alloc : memref<!tpu.dma_semaphore, #tpu.memory_space<semaphore_mem>>
      %dma_start3A = arith.constant 0 : i32
      %dma_start3A_87 = tpu.memref_slice %arg7[%add3A_40, %dma_start3A] : memref<10240x128xf32, #tpu.memory_space<vmem_shared>> -> memref<64x128xf32, #tpu.memory_space<vmem_shared>>
      %dma_start3A_88 = arith.constant 0 : i32
      %dma_start3A_89 = tpu.memref_slice %arg7[%add3A_40, %dma_start3A_88] : memref<10240x128xf32, #tpu.memory_space<vmem_shared>> -> memref<64x128xf32, #tpu.memory_space<vmem_shared>>
      tpu.enqueue_dma source(%arg10 : memref<64x128xf32, #tpu.memory_space<vmem>>) target(%dma_start3A_89 : memref<64x128xf32, #tpu.memory_space<vmem_shared>>) target_semaphore(%run_scoped3A : memref<!tpu.dma_semaphore, #tpu.memory_space<semaphore_mem>>)
      %dma_wait3A = arith.constant 0 : i32
      %dma_wait3A_90 = tpu.memref_slice %arg7[%add3A_40, %dma_wait3A] : memref<10240x128xf32, #tpu.memory_space<vmem_shared>> -> memref<64x128xf32, #tpu.memory_space<vmem_shared>>
      %dma_wait3A_91 = arith.constant 0 : i32
      %dma_wait3A_92 = tpu.memref_slice %arg7[%add3A_40, %dma_wait3A_91] : memref<10240x128xf32, #tpu.memory_space<vmem_shared>> -> memref<64x128xf32, #tpu.memory_space<vmem_shared>>
      tpu.wait_dma2 semaphore(%run_scoped3A : memref<!tpu.dma_semaphore, #tpu.memory_space<semaphore_mem>>) src(%arg10 : memref<64x128xf32, #tpu.memory_space<vmem>>) dst(%dma_wait3A_92 : memref<64x128xf32, #tpu.memory_space<vmem_shared>>)
      tpu.yield
    }) : () -> ()
    %barrier3A = arith.constant 0 : index
    tpu.barrier barrier_id(%barrier3A)
    "tpu.region"() ({
      %run_scoped3A = tpu.sem_alloc : memref<!tpu.dma_semaphore, #tpu.memory_space<semaphore_mem>>
      %dma_start3A = arith.constant 0 : i32
      %dma_start3A_87 = arith.constant 0 : i32
      %dma_start3A_88 = tpu.memref_slice %arg3[%add3A, %dma_start3A, %dma_start3A_87] : memref<32x158x64xi32, #tpu.memory_space<hbm>> -> memref<1x158x64xi32, #tpu.memory_space<hbm>>
      %dma_start3A_89 = tpu.memref_squeeze %dma_start3A_88 : memref<1x158x64xi32, #tpu.memory_space<hbm>> -> memref<158x64xi32, #tpu.memory_space<hbm>>
      %dma_start3A_90 = arith.constant 0 : i32
      %dma_start3A_91 = arith.constant 0 : i32
      %dma_start3A_92 = tpu.memref_slice %arg3[%add3A, %dma_start3A_90, %dma_start3A_91] : memref<32x158x64xi32, #tpu.memory_space<hbm>> -> memref<1x158x64xi32, #tpu.memory_space<hbm>>
      %dma_start3A_93 = tpu.memref_squeeze %dma_start3A_92 : memref<1x158x64xi32, #tpu.memory_space<hbm>> -> memref<158x64xi32, #tpu.memory_space<hbm>>
      tpu.enqueue_dma source(%dma_start3A_93 : memref<158x64xi32, #tpu.memory_space<hbm>>) target(%arg8 : memref<158x64xi32, #tpu.memory_space<vmem>>) target_semaphore(%run_scoped3A : memref<!tpu.dma_semaphore, #tpu.memory_space<semaphore_mem>>)
      %dma_wait3A = arith.constant 0 : i32
      %dma_wait3A_94 = arith.constant 0 : i32
      %dma_wait3A_95 = tpu.memref_slice %arg3[%add3A, %dma_wait3A, %dma_wait3A_94] : memref<32x158x64xi32, #tpu.memory_space<hbm>> -> memref<1x158x64xi32, #tpu.memory_space<hbm>>
      %dma_wait3A_96 = tpu.memref_squeeze %dma_wait3A_95 : memref<1x158x64xi32, #tpu.memory_space<hbm>> -> memref<158x64xi32, #tpu.memory_space<hbm>>
      %dma_wait3A_97 = arith.constant 0 : i32
      %dma_wait3A_98 = arith.constant 0 : i32
      %dma_wait3A_99 = tpu.memref_slice %arg3[%add3A, %dma_wait3A_97, %dma_wait3A_98] : memref<32x158x64xi32, #tpu.memory_space<hbm>> -> memref<1x158x64xi32, #tpu.memory_space<hbm>>
      %dma_wait3A_100 = tpu.memref_squeeze %dma_wait3A_99 : memref<1x158x64xi32, #tpu.memory_space<hbm>> -> memref<158x64xi32, #tpu.memory_space<hbm>>
      tpu.wait_dma2 semaphore(%run_scoped3A : memref<!tpu.dma_semaphore, #tpu.memory_space<semaphore_mem>>) src(%dma_wait3A_100 : memref<158x64xi32, #tpu.memory_space<hbm>>) dst(%arg8 : memref<158x64xi32, #tpu.memory_space<vmem>>)
      tpu.yield
    }) : () -> ()
    "tpu.region"() ({
      %run_scoped3A = tpu.sem_alloc : memref<!tpu.dma_semaphore, #tpu.memory_space<semaphore_mem>>
      %dma_start3A = arith.constant 0 : i32
      %dma_start3A_87 = arith.constant 0 : i32
      %dma_start3A_88 = tpu.memref_slice %arg4[%add3A, %dma_start3A, %dma_start3A_87] : memref<32x158x64xi32, #tpu.memory_space<hbm>> -> memref<1x158x64xi32, #tpu.memory_space<hbm>>
      %dma_start3A_89 = tpu.memref_squeeze %dma_start3A_88 : memref<1x158x64xi32, #tpu.memory_space<hbm>> -> memref<158x64xi32, #tpu.memory_space<hbm>>
      %dma_start3A_90 = arith.constant 0 : i32
      %dma_start3A_91 = arith.constant 0 : i32
      %dma_start3A_92 = tpu.memref_slice %arg4[%add3A, %dma_start3A_90, %dma_start3A_91] : memref<32x158x64xi32, #tpu.memory_space<hbm>> -> memref<1x158x64xi32, #tpu.memory_space<hbm>>
      %dma_start3A_93 = tpu.memref_squeeze %dma_start3A_92 : memref<1x158x64xi32, #tpu.memory_space<hbm>> -> memref<158x64xi32, #tpu.memory_space<hbm>>
      tpu.enqueue_dma source(%dma_start3A_93 : memref<158x64xi32, #tpu.memory_space<hbm>>) target(%arg9 : memref<158x64xi32, #tpu.memory_space<vmem>>) target_semaphore(%run_scoped3A : memref<!tpu.dma_semaphore, #tpu.memory_space<semaphore_mem>>)
      %dma_wait3A = arith.constant 0 : i32
      %dma_wait3A_94 = arith.constant 0 : i32
      %dma_wait3A_95 = tpu.memref_slice %arg4[%add3A, %dma_wait3A, %dma_wait3A_94] : memref<32x158x64xi32, #tpu.memory_space<hbm>> -> memref<1x158x64xi32, #tpu.memory_space<hbm>>
      %dma_wait3A_96 = tpu.memref_squeeze %dma_wait3A_95 : memref<1x158x64xi32, #tpu.memory_space<hbm>> -> memref<158x64xi32, #tpu.memory_space<hbm>>
      %dma_wait3A_97 = arith.constant 0 : i32
      %dma_wait3A_98 = arith.constant 0 : i32
      %dma_wait3A_99 = tpu.memref_slice %arg4[%add3A, %dma_wait3A_97, %dma_wait3A_98] : memref<32x158x64xi32, #tpu.memory_space<hbm>> -> memref<1x158x64xi32, #tpu.memory_space<hbm>>
      %dma_wait3A_100 = tpu.memref_squeeze %dma_wait3A_99 : memref<1x158x64xi32, #tpu.memory_space<hbm>> -> memref<158x64xi32, #tpu.memory_space<hbm>>
      tpu.wait_dma2 semaphore(%run_scoped3A : memref<!tpu.dma_semaphore, #tpu.memory_space<semaphore_mem>>) src(%dma_wait3A_100 : memref<158x64xi32, #tpu.memory_space<hbm>>) dst(%arg9 : memref<158x64xi32, #tpu.memory_space<vmem>>)
      tpu.yield
    }) : () -> ()
    %scan3A = arith.constant 0 : i32
    %scan3A_41 = arith.constant 0 : i32
    %scan3A_42 = arith.constant 158 : i32
    %scan3A_43 = arith.addi %scan3A_41, %scan3A_42 : i32
    %scan3A_44 = arith.constant 1 : i32
    scf.for %scan3A_87 = %scan3A_41 to %scan3A_43 step %scan3A_44  : i32 {
      %dma_start3A = arith.constant 0 : i32
      %dma_start3A_88 = tpu.memref_slice %arg8[%scan3A_87, %dma_start3A] : memref<158x64xi32, #tpu.memory_space<vmem>> -> memref<1x64xi32, #tpu.memory_space<vmem>>
      %dma_start3A_89 = tpu.memref_squeeze %dma_start3A_88 : memref<1x64xi32, #tpu.memory_space<vmem>> -> memref<64xi32, #tpu.memory_space<vmem>>
      %dma_start3A_90 = arith.constant 0 : i32
      %dma_start3A_91 = arith.constant 0 : i32
      %dma_start3A_92 = tpu.memref_slice %arg2[%dma_start3A_90, %dma_start3A_91] : memref<10240x128xf32, #tpu.memory_space<hbm>> -> memref<10240x128xf32, #tpu.memory_space<hbm>>
      tpu.enqueue_indirect_dma source(%dma_start3A_92 : memref<10240x128xf32, #tpu.memory_space<hbm>>) target(%arg10 : memref<64x128xf32, #tpu.memory_space<vmem>>) offsets(%dma_start3A_89 : memref<64xi32, #tpu.memory_space<vmem>>) semaphore(%arg11 : memref<!tpu.dma_semaphore, #tpu.memory_space<semaphore_mem>>)
      %dma_wait3A = arith.constant 0 : i32
      %dma_wait3A_93 = tpu.memref_slice %arg8[%scan3A_87, %dma_wait3A] : memref<158x64xi32, #tpu.memory_space<vmem>> -> memref<1x64xi32, #tpu.memory_space<vmem>>
      %dma_wait3A_94 = tpu.memref_squeeze %dma_wait3A_93 : memref<1x64xi32, #tpu.memory_space<vmem>> -> memref<64xi32, #tpu.memory_space<vmem>>
      %dma_wait3A_95 = arith.constant 0 : i32
      %dma_wait3A_96 = arith.constant 0 : i32
      %dma_wait3A_97 = tpu.memref_slice %arg2[%dma_wait3A_95, %dma_wait3A_96] : memref<10240x128xf32, #tpu.memory_space<hbm>> -> memref<10240x128xf32, #tpu.memory_space<hbm>>
      tpu.wait_indirect_dma semaphore(%arg11 : memref<!tpu.dma_semaphore, #tpu.memory_space<semaphore_mem>>) src(%dma_wait3A_97 : memref<10240x128xf32, #tpu.memory_space<hbm>>) dst(%arg10 : memref<64x128xf32, #tpu.memory_space<vmem>>)
      "tpu.region"() ({
        %run_scoped3A = tpu.sem_alloc : memref<!tpu.dma_semaphore, #tpu.memory_space<semaphore_mem>>
        %dma_start3A_98 = arith.constant 0 : i32
        %dma_start3A_99 = tpu.memref_slice %arg9[%scan3A_87, %dma_start3A_98] : memref<158x64xi32, #tpu.memory_space<vmem>> -> memref<1x64xi32, #tpu.memory_space<vmem>>
        %dma_start3A_100 = tpu.memref_squeeze %dma_start3A_99 : memref<1x64xi32, #tpu.memory_space<vmem>> -> memref<64xi32, #tpu.memory_space<vmem>>
        %dma_start3A_101 = arith.constant 0 : i32
        %dma_start3A_102 = arith.constant 0 : i32
        %dma_start3A_103 = tpu.memref_slice %arg7[%dma_start3A_101, %dma_start3A_102] : memref<10240x128xf32, #tpu.memory_space<vmem_shared>> -> memref<10240x128xf32, #tpu.memory_space<vmem_shared>>
        tpu.enqueue_indirect_dma source(%arg10 : memref<64x128xf32, #tpu.memory_space<vmem>>) target(%dma_start3A_103 : memref<10240x128xf32, #tpu.memory_space<vmem_shared>>) offsets(%dma_start3A_100 : memref<64xi32, #tpu.memory_space<vmem>>) semaphore(%run_scoped3A : memref<!tpu.dma_semaphore, #tpu.memory_space<semaphore_mem>>) {add = true}
        %dma_wait3A_104 = arith.constant 0 : i32
        %dma_wait3A_105 = tpu.memref_slice %arg9[%scan3A_87, %dma_wait3A_104] : memref<158x64xi32, #tpu.memory_space<vmem>> -> memref<1x64xi32, #tpu.memory_space<vmem>>
        %dma_wait3A_106 = tpu.memref_squeeze %dma_wait3A_105 : memref<1x64xi32, #tpu.memory_space<vmem>> -> memref<64xi32, #tpu.memory_space<vmem>>
        %dma_wait3A_107 = arith.constant 0 : i32
        %dma_wait3A_108 = arith.constant 0 : i32
        %dma_wait3A_109 = tpu.memref_slice %arg7[%dma_wait3A_107, %dma_wait3A_108] : memref<10240x128xf32, #tpu.memory_space<vmem_shared>> -> memref<10240x128xf32, #tpu.memory_space<vmem_shared>>
        tpu.wait_indirect_dma semaphore(%run_scoped3A : memref<!tpu.dma_semaphore, #tpu.memory_space<semaphore_mem>>) src(%arg10 : memref<64x128xf32, #tpu.memory_space<vmem>>) dst(%dma_wait3A_109 : memref<10240x128xf32, #tpu.memory_space<vmem_shared>>)
        tpu.yield
      }) : () -> ()
    }
    %scan3A_45 = arith.constant 158 : i32
    %barrier3A_46 = arith.constant 0 : index
    tpu.barrier barrier_id(%barrier3A_46)
    %mul3A_47 = arith.constant 640 : i32
    %mul3A_48 = arith.muli %arg1, %mul3A_47 : i32
    %add3A_49 = arith.constant 0 : i32
    %add3A_50 = arith.addi %mul3A_48, %add3A_49 : i32
    "tpu.region"() ({
      %run_scoped3A = tpu.sem_alloc : memref<!tpu.dma_semaphore, #tpu.memory_space<semaphore_mem>>
      %dma_start3A = arith.constant 0 : i32
      %dma_start3A_87 = tpu.memref_slice %arg7[%add3A_50, %dma_start3A] : memref<10240x128xf32, #tpu.memory_space<vmem_shared>> -> memref<64x128xf32, #tpu.memory_space<vmem_shared>>
      %dma_start3A_88 = arith.constant 0 : i32
      %dma_start3A_89 = tpu.memref_slice %arg7[%add3A_50, %dma_start3A_88] : memref<10240x128xf32, #tpu.memory_space<vmem_shared>> -> memref<64x128xf32, #tpu.memory_space<vmem_shared>>
      tpu.enqueue_dma source(%dma_start3A_89 : memref<64x128xf32, #tpu.memory_space<vmem_shared>>) target(%arg10 : memref<64x128xf32, #tpu.memory_space<vmem>>) target_semaphore(%run_scoped3A : memref<!tpu.dma_semaphore, #tpu.memory_space<semaphore_mem>>)
      %dma_wait3A = arith.constant 0 : i32
      %dma_wait3A_90 = tpu.memref_slice %arg7[%add3A_50, %dma_wait3A] : memref<10240x128xf32, #tpu.memory_space<vmem_shared>> -> memref<64x128xf32, #tpu.memory_space<vmem_shared>>
      %dma_wait3A_91 = arith.constant 0 : i32
      %dma_wait3A_92 = tpu.memref_slice %arg7[%add3A_50, %dma_wait3A_91] : memref<10240x128xf32, #tpu.memory_space<vmem_shared>> -> memref<64x128xf32, #tpu.memory_space<vmem_shared>>
      tpu.wait_dma2 semaphore(%run_scoped3A : memref<!tpu.dma_semaphore, #tpu.memory_space<semaphore_mem>>) src(%dma_wait3A_92 : memref<64x128xf32, #tpu.memory_space<vmem_shared>>) dst(%arg10 : memref<64x128xf32, #tpu.memory_space<vmem>>)
      tpu.yield
    }) : () -> ()
    "tpu.region"() ({
      %run_scoped3A = tpu.sem_alloc : memref<!tpu.dma_semaphore, #tpu.memory_space<semaphore_mem>>
      %dma_start3A = arith.constant 0 : i32
      %dma_start3A_87 = tpu.memref_slice %arg6[%arg0, %add3A_50, %dma_start3A] : memref<2x10240x128xf32, #tpu.memory_space<hbm>> -> memref<1x64x128xf32, #tpu.memory_space<hbm>>
      %dma_start3A_88 = tpu.memref_squeeze %dma_start3A_87 : memref<1x64x128xf32, #tpu.memory_space<hbm>> -> memref<64x128xf32, #tpu.memory_space<hbm>>
      %dma_start3A_89 = arith.constant 0 : i32
      %dma_start3A_90 = tpu.memref_slice %arg6[%arg0, %add3A_50, %dma_start3A_89] : memref<2x10240x128xf32, #tpu.memory_space<hbm>> -> memref<1x64x128xf32, #tpu.memory_space<hbm>>
      %dma_start3A_91 = tpu.memref_squeeze %dma_start3A_90 : memref<1x64x128xf32, #tpu.memory_space<hbm>> -> memref<64x128xf32, #tpu.memory_space<hbm>>
      tpu.enqueue_dma source(%arg10 : memref<64x128xf32, #tpu.memory_space<vmem>>) target(%dma_start3A_91 : memref<64x128xf32, #tpu.memory_space<hbm>>) target_semaphore(%run_scoped3A : memref<!tpu.dma_semaphore, #tpu.memory_space<semaphore_mem>>)
      %dma_wait3A = arith.constant 0 : i32
      %dma_wait3A_92 = tpu.memref_slice %arg6[%arg0, %add3A_50, %dma_wait3A] : memref<2x10240x128xf32, #tpu.memory_space<hbm>> -> memref<1x64x128xf32, #tpu.memory_space<hbm>>
      %dma_wait3A_93 = tpu.memref_squeeze %dma_wait3A_92 : memref<1x64x128xf32, #tpu.memory_space<hbm>> -> memref<64x128xf32, #tpu.memory_space<hbm>>
      %dma_wait3A_94 = arith.constant 0 : i32
      %dma_wait3A_95 = tpu.memref_slice %arg6[%arg0, %add3A_50, %dma_wait3A_94] : memref<2x10240x128xf32, #tpu.memory_space<hbm>> -> memref<1x64x128xf32, #tpu.memory_space<hbm>>
      %dma_wait3A_96 = tpu.memref_squeeze %dma_wait3A_95 : memref<1x64x128xf32, #tpu.memory_space<hbm>> -> memref<64x128xf32, #tpu.memory_space<hbm>>
      tpu.wait_dma2 semaphore(%run_scoped3A : memref<!tpu.dma_semaphore, #tpu.memory_space<semaphore_mem>>) src(%arg10 : memref<64x128xf32, #tpu.memory_space<vmem>>) dst(%dma_wait3A_96 : memref<64x128xf32, #tpu.memory_space<hbm>>)
      tpu.yield
    }) : () -> ()
    %mul3A_51 = arith.constant 640 : i32
    %mul3A_52 = arith.muli %arg1, %mul3A_51 : i32
    %add3A_53 = arith.constant 64 : i32
    %add3A_54 = arith.addi %mul3A_52, %add3A_53 : i32
    "tpu.region"() ({
      %run_scoped3A = tpu.sem_alloc : memref<!tpu.dma_semaphore, #tpu.memory_space<semaphore_mem>>
      %dma_start3A = arith.constant 0 : i32
      %dma_start3A_87 = tpu.memref_slice %arg7[%add3A_54, %dma_start3A] : memref<10240x128xf32, #tpu.memory_space<vmem_shared>> -> memref<64x128xf32, #tpu.memory_space<vmem_shared>>
      %dma_start3A_88 = arith.constant 0 : i32
      %dma_start3A_89 = tpu.memref_slice %arg7[%add3A_54, %dma_start3A_88] : memref<10240x128xf32, #tpu.memory_space<vmem_shared>> -> memref<64x128xf32, #tpu.memory_space<vmem_shared>>
      tpu.enqueue_dma source(%dma_start3A_89 : memref<64x128xf32, #tpu.memory_space<vmem_shared>>) target(%arg10 : memref<64x128xf32, #tpu.memory_space<vmem>>) target_semaphore(%run_scoped3A : memref<!tpu.dma_semaphore, #tpu.memory_space<semaphore_mem>>)
      %dma_wait3A = arith.constant 0 : i32
      %dma_wait3A_90 = tpu.memref_slice %arg7[%add3A_54, %dma_wait3A] : memref<10240x128xf32, #tpu.memory_space<vmem_shared>> -> memref<64x128xf32, #tpu.memory_space<vmem_shared>>
      %dma_wait3A_91 = arith.constant 0 : i32
      %dma_wait3A_92 = tpu.memref_slice %arg7[%add3A_54, %dma_wait3A_91] : memref<10240x128xf32, #tpu.memory_space<vmem_shared>> -> memref<64x128xf32, #tpu.memory_space<vmem_shared>>
      tpu.wait_dma2 semaphore(%run_scoped3A : memref<!tpu.dma_semaphore, #tpu.memory_space<semaphore_mem>>) src(%dma_wait3A_92 : memref<64x128xf32, #tpu.memory_space<vmem_shared>>) dst(%arg10 : memref<64x128xf32, #tpu.memory_space<vmem>>)
      tpu.yield
    }) : () -> ()
    "tpu.region"() ({
      %run_scoped3A = tpu.sem_alloc : memref<!tpu.dma_semaphore, #tpu.memory_space<semaphore_mem>>
      %dma_start3A = arith.constant 0 : i32
      %dma_start3A_87 = tpu.memref_slice %arg6[%arg0, %add3A_54, %dma_start3A] : memref<2x10240x128xf32, #tpu.memory_space<hbm>> -> memref<1x64x128xf32, #tpu.memory_space<hbm>>
      %dma_start3A_88 = tpu.memref_squeeze %dma_start3A_87 : memref<1x64x128xf32, #tpu.memory_space<hbm>> -> memref<64x128xf32, #tpu.memory_space<hbm>>
      %dma_start3A_89 = arith.constant 0 : i32
      %dma_start3A_90 = tpu.memref_slice %arg6[%arg0, %add3A_54, %dma_start3A_89] : memref<2x10240x128xf32, #tpu.memory_space<hbm>> -> memref<1x64x128xf32, #tpu.memory_space<hbm>>
      %dma_start3A_91 = tpu.memref_squeeze %dma_start3A_90 : memref<1x64x128xf32, #tpu.memory_space<hbm>> -> memref<64x128xf32, #tpu.memory_space<hbm>>
      tpu.enqueue_dma source(%arg10 : memref<64x128xf32, #tpu.memory_space<vmem>>) target(%dma_start3A_91 : memref<64x128xf32, #tpu.memory_space<hbm>>) target_semaphore(%run_scoped3A : memref<!tpu.dma_semaphore, #tpu.memory_space<semaphore_mem>>)
      %dma_wait3A = arith.constant 0 : i32
      %dma_wait3A_92 = tpu.memref_slice %arg6[%arg0, %add3A_54, %dma_wait3A] : memref<2x10240x128xf32, #tpu.memory_space<hbm>> -> memref<1x64x128xf32, #tpu.memory_space<hbm>>
      %dma_wait3A_93 = tpu.memref_squeeze %dma_wait3A_92 : memref<1x64x128xf32, #tpu.memory_space<hbm>> -> memref<64x128xf32, #tpu.memory_space<hbm>>
      %dma_wait3A_94 = arith.constant 0 : i32
      %dma_wait3A_95 = tpu.memref_slice %arg6[%arg0, %add3A_54, %dma_wait3A_94] : memref<2x10240x128xf32, #tpu.memory_space<hbm>> -> memref<1x64x128xf32, #tpu.memory_space<hbm>>
      %dma_wait3A_96 = tpu.memref_squeeze %dma_wait3A_95 : memref<1x64x128xf32, #tpu.memory_space<hbm>> -> memref<64x128xf32, #tpu.memory_space<hbm>>
      tpu.wait_dma2 semaphore(%run_scoped3A : memref<!tpu.dma_semaphore, #tpu.memory_space<semaphore_mem>>) src(%arg10 : memref<64x128xf32, #tpu.memory_space<vmem>>) dst(%dma_wait3A_96 : memref<64x128xf32, #tpu.memory_space<hbm>>)
      tpu.yield
    }) : () -> ()
    %mul3A_55 = arith.constant 640 : i32
    %mul3A_56 = arith.muli %arg1, %mul3A_55 : i32
    %add3A_57 = arith.constant 128 : i32
    %add3A_58 = arith.addi %mul3A_56, %add3A_57 : i32
    "tpu.region"() ({
      %run_scoped3A = tpu.sem_alloc : memref<!tpu.dma_semaphore, #tpu.memory_space<semaphore_mem>>
      %dma_start3A = arith.constant 0 : i32
      %dma_start3A_87 = tpu.memref_slice %arg7[%add3A_58, %dma_start3A] : memref<10240x128xf32, #tpu.memory_space<vmem_shared>> -> memref<64x128xf32, #tpu.memory_space<vmem_shared>>
      %dma_start3A_88 = arith.constant 0 : i32
      %dma_start3A_89 = tpu.memref_slice %arg7[%add3A_58, %dma_start3A_88] : memref<10240x128xf32, #tpu.memory_space<vmem_shared>> -> memref<64x128xf32, #tpu.memory_space<vmem_shared>>
      tpu.enqueue_dma source(%dma_start3A_89 : memref<64x128xf32, #tpu.memory_space<vmem_shared>>) target(%arg10 : memref<64x128xf32, #tpu.memory_space<vmem>>) target_semaphore(%run_scoped3A : memref<!tpu.dma_semaphore, #tpu.memory_space<semaphore_mem>>)
      %dma_wait3A = arith.constant 0 : i32
      %dma_wait3A_90 = tpu.memref_slice %arg7[%add3A_58, %dma_wait3A] : memref<10240x128xf32, #tpu.memory_space<vmem_shared>> -> memref<64x128xf32, #tpu.memory_space<vmem_shared>>
      %dma_wait3A_91 = arith.constant 0 : i32
      %dma_wait3A_92 = tpu.memref_slice %arg7[%add3A_58, %dma_wait3A_91] : memref<10240x128xf32, #tpu.memory_space<vmem_shared>> -> memref<64x128xf32, #tpu.memory_space<vmem_shared>>
      tpu.wait_dma2 semaphore(%run_scoped3A : memref<!tpu.dma_semaphore, #tpu.memory_space<semaphore_mem>>) src(%dma_wait3A_92 : memref<64x128xf32, #tpu.memory_space<vmem_shared>>) dst(%arg10 : memref<64x128xf32, #tpu.memory_space<vmem>>)
      tpu.yield
    }) : () -> ()
    "tpu.region"() ({
      %run_scoped3A = tpu.sem_alloc : memref<!tpu.dma_semaphore, #tpu.memory_space<semaphore_mem>>
      %dma_start3A = arith.constant 0 : i32
      %dma_start3A_87 = tpu.memref_slice %arg6[%arg0, %add3A_58, %dma_start3A] : memref<2x10240x128xf32, #tpu.memory_space<hbm>> -> memref<1x64x128xf32, #tpu.memory_space<hbm>>
      %dma_start3A_88 = tpu.memref_squeeze %dma_start3A_87 : memref<1x64x128xf32, #tpu.memory_space<hbm>> -> memref<64x128xf32, #tpu.memory_space<hbm>>
      %dma_start3A_89 = arith.constant 0 : i32
      %dma_start3A_90 = tpu.memref_slice %arg6[%arg0, %add3A_58, %dma_start3A_89] : memref<2x10240x128xf32, #tpu.memory_space<hbm>> -> memref<1x64x128xf32, #tpu.memory_space<hbm>>
      %dma_start3A_91 = tpu.memref_squeeze %dma_start3A_90 : memref<1x64x128xf32, #tpu.memory_space<hbm>> -> memref<64x128xf32, #tpu.memory_space<hbm>>
      tpu.enqueue_dma source(%arg10 : memref<64x128xf32, #tpu.memory_space<vmem>>) target(%dma_start3A_91 : memref<64x128xf32, #tpu.memory_space<hbm>>) target_semaphore(%run_scoped3A : memref<!tpu.dma_semaphore, #tpu.memory_space<semaphore_mem>>)
      %dma_wait3A = arith.constant 0 : i32
      %dma_wait3A_92 = tpu.memref_slice %arg6[%arg0, %add3A_58, %dma_wait3A] : memref<2x10240x128xf32, #tpu.memory_space<hbm>> -> memref<1x64x128xf32, #tpu.memory_space<hbm>>
      %dma_wait3A_93 = tpu.memref_squeeze %dma_wait3A_92 : memref<1x64x128xf32, #tpu.memory_space<hbm>> -> memref<64x128xf32, #tpu.memory_space<hbm>>
      %dma_wait3A_94 = arith.constant 0 : i32
      %dma_wait3A_95 = tpu.memref_slice %arg6[%arg0, %add3A_58, %dma_wait3A_94] : memref<2x10240x128xf32, #tpu.memory_space<hbm>> -> memref<1x64x128xf32, #tpu.memory_space<hbm>>
      %dma_wait3A_96 = tpu.memref_squeeze %dma_wait3A_95 : memref<1x64x128xf32, #tpu.memory_space<hbm>> -> memref<64x128xf32, #tpu.memory_space<hbm>>
      tpu.wait_dma2 semaphore(%run_scoped3A : memref<!tpu.dma_semaphore, #tpu.memory_space<semaphore_mem>>) src(%arg10 : memref<64x128xf32, #tpu.memory_space<vmem>>) dst(%dma_wait3A_96 : memref<64x128xf32, #tpu.memory_space<hbm>>)
      tpu.yield
    }) : () -> ()
    %mul3A_59 = arith.constant 640 : i32
    %mul3A_60 = arith.muli %arg1, %mul3A_59 : i32
    %add3A_61 = arith.constant 192 : i32
    %add3A_62 = arith.addi %mul3A_60, %add3A_61 : i32
    "tpu.region"() ({
      %run_scoped3A = tpu.sem_alloc : memref<!tpu.dma_semaphore, #tpu.memory_space<semaphore_mem>>
      %dma_start3A = arith.constant 0 : i32
      %dma_start3A_87 = tpu.memref_slice %arg7[%add3A_62, %dma_start3A] : memref<10240x128xf32, #tpu.memory_space<vmem_shared>> -> memref<64x128xf32, #tpu.memory_space<vmem_shared>>
      %dma_start3A_88 = arith.constant 0 : i32
      %dma_start3A_89 = tpu.memref_slice %arg7[%add3A_62, %dma_start3A_88] : memref<10240x128xf32, #tpu.memory_space<vmem_shared>> -> memref<64x128xf32, #tpu.memory_space<vmem_shared>>
      tpu.enqueue_dma source(%dma_start3A_89 : memref<64x128xf32, #tpu.memory_space<vmem_shared>>) target(%arg10 : memref<64x128xf32, #tpu.memory_space<vmem>>) target_semaphore(%run_scoped3A : memref<!tpu.dma_semaphore, #tpu.memory_space<semaphore_mem>>)
      %dma_wait3A = arith.constant 0 : i32
      %dma_wait3A_90 = tpu.memref_slice %arg7[%add3A_62, %dma_wait3A] : memref<10240x128xf32, #tpu.memory_space<vmem_shared>> -> memref<64x128xf32, #tpu.memory_space<vmem_shared>>
      %dma_wait3A_91 = arith.constant 0 : i32
      %dma_wait3A_92 = tpu.memref_slice %arg7[%add3A_62, %dma_wait3A_91] : memref<10240x128xf32, #tpu.memory_space<vmem_shared>> -> memref<64x128xf32, #tpu.memory_space<vmem_shared>>
      tpu.wait_dma2 semaphore(%run_scoped3A : memref<!tpu.dma_semaphore, #tpu.memory_space<semaphore_mem>>) src(%dma_wait3A_92 : memref<64x128xf32, #tpu.memory_space<vmem_shared>>) dst(%arg10 : memref<64x128xf32, #tpu.memory_space<vmem>>)
      tpu.yield
    }) : () -> ()
    "tpu.region"() ({
      %run_scoped3A = tpu.sem_alloc : memref<!tpu.dma_semaphore, #tpu.memory_space<semaphore_mem>>
      %dma_start3A = arith.constant 0 : i32
      %dma_start3A_87 = tpu.memref_slice %arg6[%arg0, %add3A_62, %dma_start3A] : memref<2x10240x128xf32, #tpu.memory_space<hbm>> -> memref<1x64x128xf32, #tpu.memory_space<hbm>>
      %dma_start3A_88 = tpu.memref_squeeze %dma_start3A_87 : memref<1x64x128xf32, #tpu.memory_space<hbm>> -> memref<64x128xf32, #tpu.memory_space<hbm>>
      %dma_start3A_89 = arith.constant 0 : i32
      %dma_start3A_90 = tpu.memref_slice %arg6[%arg0, %add3A_62, %dma_start3A_89] : memref<2x10240x128xf32, #tpu.memory_space<hbm>> -> memref<1x64x128xf32, #tpu.memory_space<hbm>>
      %dma_start3A_91 = tpu.memref_squeeze %dma_start3A_90 : memref<1x64x128xf32, #tpu.memory_space<hbm>> -> memref<64x128xf32, #tpu.memory_space<hbm>>
      tpu.enqueue_dma source(%arg10 : memref<64x128xf32, #tpu.memory_space<vmem>>) target(%dma_start3A_91 : memref<64x128xf32, #tpu.memory_space<hbm>>) target_semaphore(%run_scoped3A : memref<!tpu.dma_semaphore, #tpu.memory_space<semaphore_mem>>)
      %dma_wait3A = arith.constant 0 : i32
      %dma_wait3A_92 = tpu.memref_slice %arg6[%arg0, %add3A_62, %dma_wait3A] : memref<2x10240x128xf32, #tpu.memory_space<hbm>> -> memref<1x64x128xf32, #tpu.memory_space<hbm>>
      %dma_wait3A_93 = tpu.memref_squeeze %dma_wait3A_92 : memref<1x64x128xf32, #tpu.memory_space<hbm>> -> memref<64x128xf32, #tpu.memory_space<hbm>>
      %dma_wait3A_94 = arith.constant 0 : i32
      %dma_wait3A_95 = tpu.memref_slice %arg6[%arg0, %add3A_62, %dma_wait3A_94] : memref<2x10240x128xf32, #tpu.memory_space<hbm>> -> memref<1x64x128xf32, #tpu.memory_space<hbm>>
      %dma_wait3A_96 = tpu.memref_squeeze %dma_wait3A_95 : memref<1x64x128xf32, #tpu.memory_space<hbm>> -> memref<64x128xf32, #tpu.memory_space<hbm>>
      tpu.wait_dma2 semaphore(%run_scoped3A : memref<!tpu.dma_semaphore, #tpu.memory_space<semaphore_mem>>) src(%arg10 : memref<64x128xf32, #tpu.memory_space<vmem>>) dst(%dma_wait3A_96 : memref<64x128xf32, #tpu.memory_space<hbm>>)
      tpu.yield
    }) : () -> ()
    %mul3A_63 = arith.constant 640 : i32
    %mul3A_64 = arith.muli %arg1, %mul3A_63 : i32
    %add3A_65 = arith.constant 256 : i32
    %add3A_66 = arith.addi %mul3A_64, %add3A_65 : i32
    "tpu.region"() ({
      %run_scoped3A = tpu.sem_alloc : memref<!tpu.dma_semaphore, #tpu.memory_space<semaphore_mem>>
      %dma_start3A = arith.constant 0 : i32
      %dma_start3A_87 = tpu.memref_slice %arg7[%add3A_66, %dma_start3A] : memref<10240x128xf32, #tpu.memory_space<vmem_shared>> -> memref<64x128xf32, #tpu.memory_space<vmem_shared>>
      %dma_start3A_88 = arith.constant 0 : i32
      %dma_start3A_89 = tpu.memref_slice %arg7[%add3A_66, %dma_start3A_88] : memref<10240x128xf32, #tpu.memory_space<vmem_shared>> -> memref<64x128xf32, #tpu.memory_space<vmem_shared>>
      tpu.enqueue_dma source(%dma_start3A_89 : memref<64x128xf32, #tpu.memory_space<vmem_shared>>) target(%arg10 : memref<64x128xf32, #tpu.memory_space<vmem>>) target_semaphore(%run_scoped3A : memref<!tpu.dma_semaphore, #tpu.memory_space<semaphore_mem>>)
      %dma_wait3A = arith.constant 0 : i32
      %dma_wait3A_90 = tpu.memref_slice %arg7[%add3A_66, %dma_wait3A] : memref<10240x128xf32, #tpu.memory_space<vmem_shared>> -> memref<64x128xf32, #tpu.memory_space<vmem_shared>>
      %dma_wait3A_91 = arith.constant 0 : i32
      %dma_wait3A_92 = tpu.memref_slice %arg7[%add3A_66, %dma_wait3A_91] : memref<10240x128xf32, #tpu.memory_space<vmem_shared>> -> memref<64x128xf32, #tpu.memory_space<vmem_shared>>
      tpu.wait_dma2 semaphore(%run_scoped3A : memref<!tpu.dma_semaphore, #tpu.memory_space<semaphore_mem>>) src(%dma_wait3A_92 : memref<64x128xf32, #tpu.memory_space<vmem_shared>>) dst(%arg10 : memref<64x128xf32, #tpu.memory_space<vmem>>)
      tpu.yield
    }) : () -> ()
    "tpu.region"() ({
      %run_scoped3A = tpu.sem_alloc : memref<!tpu.dma_semaphore, #tpu.memory_space<semaphore_mem>>
      %dma_start3A = arith.constant 0 : i32
      %dma_start3A_87 = tpu.memref_slice %arg6[%arg0, %add3A_66, %dma_start3A] : memref<2x10240x128xf32, #tpu.memory_space<hbm>> -> memref<1x64x128xf32, #tpu.memory_space<hbm>>
      %dma_start3A_88 = tpu.memref_squeeze %dma_start3A_87 : memref<1x64x128xf32, #tpu.memory_space<hbm>> -> memref<64x128xf32, #tpu.memory_space<hbm>>
      %dma_start3A_89 = arith.constant 0 : i32
      %dma_start3A_90 = tpu.memref_slice %arg6[%arg0, %add3A_66, %dma_start3A_89] : memref<2x10240x128xf32, #tpu.memory_space<hbm>> -> memref<1x64x128xf32, #tpu.memory_space<hbm>>
      %dma_start3A_91 = tpu.memref_squeeze %dma_start3A_90 : memref<1x64x128xf32, #tpu.memory_space<hbm>> -> memref<64x128xf32, #tpu.memory_space<hbm>>
      tpu.enqueue_dma source(%arg10 : memref<64x128xf32, #tpu.memory_space<vmem>>) target(%dma_start3A_91 : memref<64x128xf32, #tpu.memory_space<hbm>>) target_semaphore(%run_scoped3A : memref<!tpu.dma_semaphore, #tpu.memory_space<semaphore_mem>>)
      %dma_wait3A = arith.constant 0 : i32
      %dma_wait3A_92 = tpu.memref_slice %arg6[%arg0, %add3A_66, %dma_wait3A] : memref<2x10240x128xf32, #tpu.memory_space<hbm>> -> memref<1x64x128xf32, #tpu.memory_space<hbm>>
      %dma_wait3A_93 = tpu.memref_squeeze %dma_wait3A_92 : memref<1x64x128xf32, #tpu.memory_space<hbm>> -> memref<64x128xf32, #tpu.memory_space<hbm>>
      %dma_wait3A_94 = arith.constant 0 : i32
      %dma_wait3A_95 = tpu.memref_slice %arg6[%arg0, %add3A_66, %dma_wait3A_94] : memref<2x10240x128xf32, #tpu.memory_space<hbm>> -> memref<1x64x128xf32, #tpu.memory_space<hbm>>
      %dma_wait3A_96 = tpu.memref_squeeze %dma_wait3A_95 : memref<1x64x128xf32, #tpu.memory_space<hbm>> -> memref<64x128xf32, #tpu.memory_space<hbm>>
      tpu.wait_dma2 semaphore(%run_scoped3A : memref<!tpu.dma_semaphore, #tpu.memory_space<semaphore_mem>>) src(%arg10 : memref<64x128xf32, #tpu.memory_space<vmem>>) dst(%dma_wait3A_96 : memref<64x128xf32, #tpu.memory_space<hbm>>)
      tpu.yield
    }) : () -> ()
    %mul3A_67 = arith.constant 640 : i32
    %mul3A_68 = arith.muli %arg1, %mul3A_67 : i32
    %add3A_69 = arith.constant 320 : i32
    %add3A_70 = arith.addi %mul3A_68, %add3A_69 : i32
    "tpu.region"() ({
      %run_scoped3A = tpu.sem_alloc : memref<!tpu.dma_semaphore, #tpu.memory_space<semaphore_mem>>
      %dma_start3A = arith.constant 0 : i32
      %dma_start3A_87 = tpu.memref_slice %arg7[%add3A_70, %dma_start3A] : memref<10240x128xf32, #tpu.memory_space<vmem_shared>> -> memref<64x128xf32, #tpu.memory_space<vmem_shared>>
      %dma_start3A_88 = arith.constant 0 : i32
      %dma_start3A_89 = tpu.memref_slice %arg7[%add3A_70, %dma_start3A_88] : memref<10240x128xf32, #tpu.memory_space<vmem_shared>> -> memref<64x128xf32, #tpu.memory_space<vmem_shared>>
      tpu.enqueue_dma source(%dma_start3A_89 : memref<64x128xf32, #tpu.memory_space<vmem_shared>>) target(%arg10 : memref<64x128xf32, #tpu.memory_space<vmem>>) target_semaphore(%run_scoped3A : memref<!tpu.dma_semaphore, #tpu.memory_space<semaphore_mem>>)
      %dma_wait3A = arith.constant 0 : i32
      %dma_wait3A_90 = tpu.memref_slice %arg7[%add3A_70, %dma_wait3A] : memref<10240x128xf32, #tpu.memory_space<vmem_shared>> -> memref<64x128xf32, #tpu.memory_space<vmem_shared>>
      %dma_wait3A_91 = arith.constant 0 : i32
      %dma_wait3A_92 = tpu.memref_slice %arg7[%add3A_70, %dma_wait3A_91] : memref<10240x128xf32, #tpu.memory_space<vmem_shared>> -> memref<64x128xf32, #tpu.memory_space<vmem_shared>>
      tpu.wait_dma2 semaphore(%run_scoped3A : memref<!tpu.dma_semaphore, #tpu.memory_space<semaphore_mem>>) src(%dma_wait3A_92 : memref<64x128xf32, #tpu.memory_space<vmem_shared>>) dst(%arg10 : memref<64x128xf32, #tpu.memory_space<vmem>>)
      tpu.yield
    }) : () -> ()
    "tpu.region"() ({
      %run_scoped3A = tpu.sem_alloc : memref<!tpu.dma_semaphore, #tpu.memory_space<semaphore_mem>>
      %dma_start3A = arith.constant 0 : i32
      %dma_start3A_87 = tpu.memref_slice %arg6[%arg0, %add3A_70, %dma_start3A] : memref<2x10240x128xf32, #tpu.memory_space<hbm>> -> memref<1x64x128xf32, #tpu.memory_space<hbm>>
      %dma_start3A_88 = tpu.memref_squeeze %dma_start3A_87 : memref<1x64x128xf32, #tpu.memory_space<hbm>> -> memref<64x128xf32, #tpu.memory_space<hbm>>
      %dma_start3A_89 = arith.constant 0 : i32
      %dma_start3A_90 = tpu.memref_slice %arg6[%arg0, %add3A_70, %dma_start3A_89] : memref<2x10240x128xf32, #tpu.memory_space<hbm>> -> memref<1x64x128xf32, #tpu.memory_space<hbm>>
      %dma_start3A_91 = tpu.memref_squeeze %dma_start3A_90 : memref<1x64x128xf32, #tpu.memory_space<hbm>> -> memref<64x128xf32, #tpu.memory_space<hbm>>
      tpu.enqueue_dma source(%arg10 : memref<64x128xf32, #tpu.memory_space<vmem>>) target(%dma_start3A_91 : memref<64x128xf32, #tpu.memory_space<hbm>>) target_semaphore(%run_scoped3A : memref<!tpu.dma_semaphore, #tpu.memory_space<semaphore_mem>>)
      %dma_wait3A = arith.constant 0 : i32
      %dma_wait3A_92 = tpu.memref_slice %arg6[%arg0, %add3A_70, %dma_wait3A] : memref<2x10240x128xf32, #tpu.memory_space<hbm>> -> memref<1x64x128xf32, #tpu.memory_space<hbm>>
      %dma_wait3A_93 = tpu.memref_squeeze %dma_wait3A_92 : memref<1x64x128xf32, #tpu.memory_space<hbm>> -> memref<64x128xf32, #tpu.memory_space<hbm>>
      %dma_wait3A_94 = arith.constant 0 : i32
      %dma_wait3A_95 = tpu.memref_slice %arg6[%arg0, %add3A_70, %dma_wait3A_94] : memref<2x10240x128xf32, #tpu.memory_space<hbm>> -> memref<1x64x128xf32, #tpu.memory_space<hbm>>
      %dma_wait3A_96 = tpu.memref_squeeze %dma_wait3A_95 : memref<1x64x128xf32, #tpu.memory_space<hbm>> -> memref<64x128xf32, #tpu.memory_space<hbm>>
      tpu.wait_dma2 semaphore(%run_scoped3A : memref<!tpu.dma_semaphore, #tpu.memory_space<semaphore_mem>>) src(%arg10 : memref<64x128xf32, #tpu.memory_space<vmem>>) dst(%dma_wait3A_96 : memref<64x128xf32, #tpu.memory_space<hbm>>)
      tpu.yield
    }) : () -> ()
    %mul3A_71 = arith.constant 640 : i32
    %mul3A_72 = arith.muli %arg1, %mul3A_71 : i32
    %add3A_73 = arith.constant 384 : i32
    %add3A_74 = arith.addi %mul3A_72, %add3A_73 : i32
    "tpu.region"() ({
      %run_scoped3A = tpu.sem_alloc : memref<!tpu.dma_semaphore, #tpu.memory_space<semaphore_mem>>
      %dma_start3A = arith.constant 0 : i32
      %dma_start3A_87 = tpu.memref_slice %arg7[%add3A_74, %dma_start3A] : memref<10240x128xf32, #tpu.memory_space<vmem_shared>> -> memref<64x128xf32, #tpu.memory_space<vmem_shared>>
      %dma_start3A_88 = arith.constant 0 : i32
      %dma_start3A_89 = tpu.memref_slice %arg7[%add3A_74, %dma_start3A_88] : memref<10240x128xf32, #tpu.memory_space<vmem_shared>> -> memref<64x128xf32, #tpu.memory_space<vmem_shared>>
      tpu.enqueue_dma source(%dma_start3A_89 : memref<64x128xf32, #tpu.memory_space<vmem_shared>>) target(%arg10 : memref<64x128xf32, #tpu.memory_space<vmem>>) target_semaphore(%run_scoped3A : memref<!tpu.dma_semaphore, #tpu.memory_space<semaphore_mem>>)
      %dma_wait3A = arith.constant 0 : i32
      %dma_wait3A_90 = tpu.memref_slice %arg7[%add3A_74, %dma_wait3A] : memref<10240x128xf32, #tpu.memory_space<vmem_shared>> -> memref<64x128xf32, #tpu.memory_space<vmem_shared>>
      %dma_wait3A_91 = arith.constant 0 : i32
      %dma_wait3A_92 = tpu.memref_slice %arg7[%add3A_74, %dma_wait3A_91] : memref<10240x128xf32, #tpu.memory_space<vmem_shared>> -> memref<64x128xf32, #tpu.memory_space<vmem_shared>>
      tpu.wait_dma2 semaphore(%run_scoped3A : memref<!tpu.dma_semaphore, #tpu.memory_space<semaphore_mem>>) src(%dma_wait3A_92 : memref<64x128xf32, #tpu.memory_space<vmem_shared>>) dst(%arg10 : memref<64x128xf32, #tpu.memory_space<vmem>>)
      tpu.yield
    }) : () -> ()
    "tpu.region"() ({
      %run_scoped3A = tpu.sem_alloc : memref<!tpu.dma_semaphore, #tpu.memory_space<semaphore_mem>>
      %dma_start3A = arith.constant 0 : i32
      %dma_start3A_87 = tpu.memref_slice %arg6[%arg0, %add3A_74, %dma_start3A] : memref<2x10240x128xf32, #tpu.memory_space<hbm>> -> memref<1x64x128xf32, #tpu.memory_space<hbm>>
      %dma_start3A_88 = tpu.memref_squeeze %dma_start3A_87 : memref<1x64x128xf32, #tpu.memory_space<hbm>> -> memref<64x128xf32, #tpu.memory_space<hbm>>
      %dma_start3A_89 = arith.constant 0 : i32
      %dma_start3A_90 = tpu.memref_slice %arg6[%arg0, %add3A_74, %dma_start3A_89] : memref<2x10240x128xf32, #tpu.memory_space<hbm>> -> memref<1x64x128xf32, #tpu.memory_space<hbm>>
      %dma_start3A_91 = tpu.memref_squeeze %dma_start3A_90 : memref<1x64x128xf32, #tpu.memory_space<hbm>> -> memref<64x128xf32, #tpu.memory_space<hbm>>
      tpu.enqueue_dma source(%arg10 : memref<64x128xf32, #tpu.memory_space<vmem>>) target(%dma_start3A_91 : memref<64x128xf32, #tpu.memory_space<hbm>>) target_semaphore(%run_scoped3A : memref<!tpu.dma_semaphore, #tpu.memory_space<semaphore_mem>>)
      %dma_wait3A = arith.constant 0 : i32
      %dma_wait3A_92 = tpu.memref_slice %arg6[%arg0, %add3A_74, %dma_wait3A] : memref<2x10240x128xf32, #tpu.memory_space<hbm>> -> memref<1x64x128xf32, #tpu.memory_space<hbm>>
      %dma_wait3A_93 = tpu.memref_squeeze %dma_wait3A_92 : memref<1x64x128xf32, #tpu.memory_space<hbm>> -> memref<64x128xf32, #tpu.memory_space<hbm>>
      %dma_wait3A_94 = arith.constant 0 : i32
      %dma_wait3A_95 = tpu.memref_slice %arg6[%arg0, %add3A_74, %dma_wait3A_94] : memref<2x10240x128xf32, #tpu.memory_space<hbm>> -> memref<1x64x128xf32, #tpu.memory_space<hbm>>
      %dma_wait3A_96 = tpu.memref_squeeze %dma_wait3A_95 : memref<1x64x128xf32, #tpu.memory_space<hbm>> -> memref<64x128xf32, #tpu.memory_space<hbm>>
      tpu.wait_dma2 semaphore(%run_scoped3A : memref<!tpu.dma_semaphore, #tpu.memory_space<semaphore_mem>>) src(%arg10 : memref<64x128xf32, #tpu.memory_space<vmem>>) dst(%dma_wait3A_96 : memref<64x128xf32, #tpu.memory_space<hbm>>)
      tpu.yield
    }) : () -> ()
    %mul3A_75 = arith.constant 640 : i32
    %mul3A_76 = arith.muli %arg1, %mul3A_75 : i32
    %add3A_77 = arith.constant 448 : i32
    %add3A_78 = arith.addi %mul3A_76, %add3A_77 : i32
    "tpu.region"() ({
      %run_scoped3A = tpu.sem_alloc : memref<!tpu.dma_semaphore, #tpu.memory_space<semaphore_mem>>
      %dma_start3A = arith.constant 0 : i32
      %dma_start3A_87 = tpu.memref_slice %arg7[%add3A_78, %dma_start3A] : memref<10240x128xf32, #tpu.memory_space<vmem_shared>> -> memref<64x128xf32, #tpu.memory_space<vmem_shared>>
      %dma_start3A_88 = arith.constant 0 : i32
      %dma_start3A_89 = tpu.memref_slice %arg7[%add3A_78, %dma_start3A_88] : memref<10240x128xf32, #tpu.memory_space<vmem_shared>> -> memref<64x128xf32, #tpu.memory_space<vmem_shared>>
      tpu.enqueue_dma source(%dma_start3A_89 : memref<64x128xf32, #tpu.memory_space<vmem_shared>>) target(%arg10 : memref<64x128xf32, #tpu.memory_space<vmem>>) target_semaphore(%run_scoped3A : memref<!tpu.dma_semaphore, #tpu.memory_space<semaphore_mem>>)
      %dma_wait3A = arith.constant 0 : i32
      %dma_wait3A_90 = tpu.memref_slice %arg7[%add3A_78, %dma_wait3A] : memref<10240x128xf32, #tpu.memory_space<vmem_shared>> -> memref<64x128xf32, #tpu.memory_space<vmem_shared>>
      %dma_wait3A_91 = arith.constant 0 : i32
      %dma_wait3A_92 = tpu.memref_slice %arg7[%add3A_78, %dma_wait3A_91] : memref<10240x128xf32, #tpu.memory_space<vmem_shared>> -> memref<64x128xf32, #tpu.memory_space<vmem_shared>>
      tpu.wait_dma2 semaphore(%run_scoped3A : memref<!tpu.dma_semaphore, #tpu.memory_space<semaphore_mem>>) src(%dma_wait3A_92 : memref<64x128xf32, #tpu.memory_space<vmem_shared>>) dst(%arg10 : memref<64x128xf32, #tpu.memory_space<vmem>>)
      tpu.yield
    }) : () -> ()
    "tpu.region"() ({
      %run_scoped3A = tpu.sem_alloc : memref<!tpu.dma_semaphore, #tpu.memory_space<semaphore_mem>>
      %dma_start3A = arith.constant 0 : i32
      %dma_start3A_87 = tpu.memref_slice %arg6[%arg0, %add3A_78, %dma_start3A] : memref<2x10240x128xf32, #tpu.memory_space<hbm>> -> memref<1x64x128xf32, #tpu.memory_space<hbm>>
      %dma_start3A_88 = tpu.memref_squeeze %dma_start3A_87 : memref<1x64x128xf32, #tpu.memory_space<hbm>> -> memref<64x128xf32, #tpu.memory_space<hbm>>
      %dma_start3A_89 = arith.constant 0 : i32
      %dma_start3A_90 = tpu.memref_slice %arg6[%arg0, %add3A_78, %dma_start3A_89] : memref<2x10240x128xf32, #tpu.memory_space<hbm>> -> memref<1x64x128xf32, #tpu.memory_space<hbm>>
      %dma_start3A_91 = tpu.memref_squeeze %dma_start3A_90 : memref<1x64x128xf32, #tpu.memory_space<hbm>> -> memref<64x128xf32, #tpu.memory_space<hbm>>
      tpu.enqueue_dma source(%arg10 : memref<64x128xf32, #tpu.memory_space<vmem>>) target(%dma_start3A_91 : memref<64x128xf32, #tpu.memory_space<hbm>>) target_semaphore(%run_scoped3A : memref<!tpu.dma_semaphore, #tpu.memory_space<semaphore_mem>>)
      %dma_wait3A = arith.constant 0 : i32
      %dma_wait3A_92 = tpu.memref_slice %arg6[%arg0, %add3A_78, %dma_wait3A] : memref<2x10240x128xf32, #tpu.memory_space<hbm>> -> memref<1x64x128xf32, #tpu.memory_space<hbm>>
      %dma_wait3A_93 = tpu.memref_squeeze %dma_wait3A_92 : memref<1x64x128xf32, #tpu.memory_space<hbm>> -> memref<64x128xf32, #tpu.memory_space<hbm>>
      %dma_wait3A_94 = arith.constant 0 : i32
      %dma_wait3A_95 = tpu.memref_slice %arg6[%arg0, %add3A_78, %dma_wait3A_94] : memref<2x10240x128xf32, #tpu.memory_space<hbm>> -> memref<1x64x128xf32, #tpu.memory_space<hbm>>
      %dma_wait3A_96 = tpu.memref_squeeze %dma_wait3A_95 : memref<1x64x128xf32, #tpu.memory_space<hbm>> -> memref<64x128xf32, #tpu.memory_space<hbm>>
      tpu.wait_dma2 semaphore(%run_scoped3A : memref<!tpu.dma_semaphore, #tpu.memory_space<semaphore_mem>>) src(%arg10 : memref<64x128xf32, #tpu.memory_space<vmem>>) dst(%dma_wait3A_96 : memref<64x128xf32, #tpu.memory_space<hbm>>)
      tpu.yield
    }) : () -> ()
    %mul3A_79 = arith.constant 640 : i32
    %mul3A_80 = arith.muli %arg1, %mul3A_79 : i32
    %add3A_81 = arith.constant 512 : i32
    %add3A_82 = arith.addi %mul3A_80, %add3A_81 : i32
    "tpu.region"() ({
      %run_scoped3A = tpu.sem_alloc : memref<!tpu.dma_semaphore, #tpu.memory_space<semaphore_mem>>
      %dma_start3A = arith.constant 0 : i32
      %dma_start3A_87 = tpu.memref_slice %arg7[%add3A_82, %dma_start3A] : memref<10240x128xf32, #tpu.memory_space<vmem_shared>> -> memref<64x128xf32, #tpu.memory_space<vmem_shared>>
      %dma_start3A_88 = arith.constant 0 : i32
      %dma_start3A_89 = tpu.memref_slice %arg7[%add3A_82, %dma_start3A_88] : memref<10240x128xf32, #tpu.memory_space<vmem_shared>> -> memref<64x128xf32, #tpu.memory_space<vmem_shared>>
      tpu.enqueue_dma source(%dma_start3A_89 : memref<64x128xf32, #tpu.memory_space<vmem_shared>>) target(%arg10 : memref<64x128xf32, #tpu.memory_space<vmem>>) target_semaphore(%run_scoped3A : memref<!tpu.dma_semaphore, #tpu.memory_space<semaphore_mem>>)
      %dma_wait3A = arith.constant 0 : i32
      %dma_wait3A_90 = tpu.memref_slice %arg7[%add3A_82, %dma_wait3A] : memref<10240x128xf32, #tpu.memory_space<vmem_shared>> -> memref<64x128xf32, #tpu.memory_space<vmem_shared>>
      %dma_wait3A_91 = arith.constant 0 : i32
      %dma_wait3A_92 = tpu.memref_slice %arg7[%add3A_82, %dma_wait3A_91] : memref<10240x128xf32, #tpu.memory_space<vmem_shared>> -> memref<64x128xf32, #tpu.memory_space<vmem_shared>>
      tpu.wait_dma2 semaphore(%run_scoped3A : memref<!tpu.dma_semaphore, #tpu.memory_space<semaphore_mem>>) src(%dma_wait3A_92 : memref<64x128xf32, #tpu.memory_space<vmem_shared>>) dst(%arg10 : memref<64x128xf32, #tpu.memory_space<vmem>>)
      tpu.yield
    }) : () -> ()
    "tpu.region"() ({
      %run_scoped3A = tpu.sem_alloc : memref<!tpu.dma_semaphore, #tpu.memory_space<semaphore_mem>>
      %dma_start3A = arith.constant 0 : i32
      %dma_start3A_87 = tpu.memref_slice %arg6[%arg0, %add3A_82, %dma_start3A] : memref<2x10240x128xf32, #tpu.memory_space<hbm>> -> memref<1x64x128xf32, #tpu.memory_space<hbm>>
      %dma_start3A_88 = tpu.memref_squeeze %dma_start3A_87 : memref<1x64x128xf32, #tpu.memory_space<hbm>> -> memref<64x128xf32, #tpu.memory_space<hbm>>
      %dma_start3A_89 = arith.constant 0 : i32
      %dma_start3A_90 = tpu.memref_slice %arg6[%arg0, %add3A_82, %dma_start3A_89] : memref<2x10240x128xf32, #tpu.memory_space<hbm>> -> memref<1x64x128xf32, #tpu.memory_space<hbm>>
      %dma_start3A_91 = tpu.memref_squeeze %dma_start3A_90 : memref<1x64x128xf32, #tpu.memory_space<hbm>> -> memref<64x128xf32, #tpu.memory_space<hbm>>
      tpu.enqueue_dma source(%arg10 : memref<64x128xf32, #tpu.memory_space<vmem>>) target(%dma_start3A_91 : memref<64x128xf32, #tpu.memory_space<hbm>>) target_semaphore(%run_scoped3A : memref<!tpu.dma_semaphore, #tpu.memory_space<semaphore_mem>>)
      %dma_wait3A = arith.constant 0 : i32
      %dma_wait3A_92 = tpu.memref_slice %arg6[%arg0, %add3A_82, %dma_wait3A] : memref<2x10240x128xf32, #tpu.memory_space<hbm>> -> memref<1x64x128xf32, #tpu.memory_space<hbm>>
      %dma_wait3A_93 = tpu.memref_squeeze %dma_wait3A_92 : memref<1x64x128xf32, #tpu.memory_space<hbm>> -> memref<64x128xf32, #tpu.memory_space<hbm>>
      %dma_wait3A_94 = arith.constant 0 : i32
      %dma_wait3A_95 = tpu.memref_slice %arg6[%arg0, %add3A_82, %dma_wait3A_94] : memref<2x10240x128xf32, #tpu.memory_space<hbm>> -> memref<1x64x128xf32, #tpu.memory_space<hbm>>
      %dma_wait3A_96 = tpu.memref_squeeze %dma_wait3A_95 : memref<1x64x128xf32, #tpu.memory_space<hbm>> -> memref<64x128xf32, #tpu.memory_space<hbm>>
      tpu.wait_dma2 semaphore(%run_scoped3A : memref<!tpu.dma_semaphore, #tpu.memory_space<semaphore_mem>>) src(%arg10 : memref<64x128xf32, #tpu.memory_space<vmem>>) dst(%dma_wait3A_96 : memref<64x128xf32, #tpu.memory_space<hbm>>)
      tpu.yield
    }) : () -> ()
    %mul3A_83 = arith.constant 640 : i32
    %mul3A_84 = arith.muli %arg1, %mul3A_83 : i32
    %add3A_85 = arith.constant 576 : i32
    %add3A_86 = arith.addi %mul3A_84, %add3A_85 : i32
    "tpu.region"() ({
      %run_scoped3A = tpu.sem_alloc : memref<!tpu.dma_semaphore, #tpu.memory_space<semaphore_mem>>
      %dma_start3A = arith.constant 0 : i32
      %dma_start3A_87 = tpu.memref_slice %arg7[%add3A_86, %dma_start3A] : memref<10240x128xf32, #tpu.memory_space<vmem_shared>> -> memref<64x128xf32, #tpu.memory_space<vmem_shared>>
      %dma_start3A_88 = arith.constant 0 : i32
      %dma_start3A_89 = tpu.memref_slice %arg7[%add3A_86, %dma_start3A_88] : memref<10240x128xf32, #tpu.memory_space<vmem_shared>> -> memref<64x128xf32, #tpu.memory_space<vmem_shared>>
      tpu.enqueue_dma source(%dma_start3A_89 : memref<64x128xf32, #tpu.memory_space<vmem_shared>>) target(%arg10 : memref<64x128xf32, #tpu.memory_space<vmem>>) target_semaphore(%run_scoped3A : memref<!tpu.dma_semaphore, #tpu.memory_space<semaphore_mem>>)
      %dma_wait3A = arith.constant 0 : i32
      %dma_wait3A_90 = tpu.memref_slice %arg7[%add3A_86, %dma_wait3A] : memref<10240x128xf32, #tpu.memory_space<vmem_shared>> -> memref<64x128xf32, #tpu.memory_space<vmem_shared>>
      %dma_wait3A_91 = arith.constant 0 : i32
      %dma_wait3A_92 = tpu.memref_slice %arg7[%add3A_86, %dma_wait3A_91] : memref<10240x128xf32, #tpu.memory_space<vmem_shared>> -> memref<64x128xf32, #tpu.memory_space<vmem_shared>>
      tpu.wait_dma2 semaphore(%run_scoped3A : memref<!tpu.dma_semaphore, #tpu.memory_space<semaphore_mem>>) src(%dma_wait3A_92 : memref<64x128xf32, #tpu.memory_space<vmem_shared>>) dst(%arg10 : memref<64x128xf32, #tpu.memory_space<vmem>>)
      tpu.yield
    }) : () -> ()
    "tpu.region"() ({
      %run_scoped3A = tpu.sem_alloc : memref<!tpu.dma_semaphore, #tpu.memory_space<semaphore_mem>>
      %dma_start3A = arith.constant 0 : i32
      %dma_start3A_87 = tpu.memref_slice %arg6[%arg0, %add3A_86, %dma_start3A] : memref<2x10240x128xf32, #tpu.memory_space<hbm>> -> memref<1x64x128xf32, #tpu.memory_space<hbm>>
      %dma_start3A_88 = tpu.memref_squeeze %dma_start3A_87 : memref<1x64x128xf32, #tpu.memory_space<hbm>> -> memref<64x128xf32, #tpu.memory_space<hbm>>
      %dma_start3A_89 = arith.constant 0 : i32
      %dma_start3A_90 = tpu.memref_slice %arg6[%arg0, %add3A_86, %dma_start3A_89] : memref<2x10240x128xf32, #tpu.memory_space<hbm>> -> memref<1x64x128xf32, #tpu.memory_space<hbm>>
      %dma_start3A_91 = tpu.memref_squeeze %dma_start3A_90 : memref<1x64x128xf32, #tpu.memory_space<hbm>> -> memref<64x128xf32, #tpu.memory_space<hbm>>
      tpu.enqueue_dma source(%arg10 : memref<64x128xf32, #tpu.memory_space<vmem>>) target(%dma_start3A_91 : memref<64x128xf32, #tpu.memory_space<hbm>>) target_semaphore(%run_scoped3A : memref<!tpu.dma_semaphore, #tpu.memory_space<semaphore_mem>>)
      %dma_wait3A = arith.constant 0 : i32
      %dma_wait3A_92 = tpu.memref_slice %arg6[%arg0, %add3A_86, %dma_wait3A] : memref<2x10240x128xf32, #tpu.memory_space<hbm>> -> memref<1x64x128xf32, #tpu.memory_space<hbm>>
      %dma_wait3A_93 = tpu.memref_squeeze %dma_wait3A_92 : memref<1x64x128xf32, #tpu.memory_space<hbm>> -> memref<64x128xf32, #tpu.memory_space<hbm>>
      %dma_wait3A_94 = arith.constant 0 : i32
      %dma_wait3A_95 = tpu.memref_slice %arg6[%arg0, %add3A_86, %dma_wait3A_94] : memref<2x10240x128xf32, #tpu.memory_space<hbm>> -> memref<1x64x128xf32, #tpu.memory_space<hbm>>
      %dma_wait3A_96 = tpu.memref_squeeze %dma_wait3A_95 : memref<1x64x128xf32, #tpu.memory_space<hbm>> -> memref<64x128xf32, #tpu.memory_space<hbm>>
      tpu.wait_dma2 semaphore(%run_scoped3A : memref<!tpu.dma_semaphore, #tpu.memory_space<semaphore_mem>>) src(%arg10 : memref<64x128xf32, #tpu.memory_space<vmem>>) dst(%dma_wait3A_96 : memref<64x128xf32, #tpu.memory_space<hbm>>)
      tpu.yield
    }) : () -> ()
    return
  }
}

#map = affine_map<(d0, d1) -> (0, 0)>
#map1 = affine_map<(d0, d1) -> (0, 0, 0)>
module attributes {stable_mosaic.version = 14 : i64} {
  func.func @_agg_body(%arg0: i32, %arg1: i32, %arg2: memref<10240x128xf32, #tpu.memory_space<hbm>>, %arg3: memref<32x158x64xi32, #tpu.memory_space<hbm>>, %arg4: memref<32x158x64xi32, #tpu.memory_space<hbm>>, %arg5: memref<64x128xf32, #tpu.memory_space<hbm>>, %arg6: memref<64x16xf32, #tpu.memory_space<hbm>>, %arg7: memref<64x16xf32, #tpu.memory_space<hbm>>, %arg8: memref<2x10240x128xf32, #tpu.memory_space<hbm>>, %arg9: memref<2x10240x16xf32, #tpu.memory_space<hbm>>, %arg10: memref<10240x128xf32, #tpu.memory_space<vmem_shared>>, %arg11: memref<10240x16xf32, #tpu.memory_space<vmem_shared>>, %arg12: memref<158x64xi32, #tpu.memory_space<vmem>>, %arg13: memref<158x64xi32, #tpu.memory_space<vmem>>, %arg14: memref<64x128xf32, #tpu.memory_space<vmem>>, %arg15: memref<64x16xf32, #tpu.memory_space<vmem>>, %arg16: memref<64x16xf32, #tpu.memory_space<vmem>>, %arg17: memref<!tpu.dma_semaphore, #tpu.memory_space<semaphore_mem>>) attributes {dimension_semantics = [#tpu.dimension_semantics<core_parallel>, #tpu.dimension_semantics<subcore_parallel>], iteration_bounds = array<i64: 2, 16>, scalar_prefetch = 0 : i64, scratch_operands = 8 : i64, tpu.core_type = #tpu.core_type<sc_vector_subcore>, window_params = [{transform_indices = #map}, {transform_indices = #map1}, {transform_indices = #map1}, {transform_indices = #map}, {transform_indices = #map}, {transform_indices = #map}, {transform_indices = #map1}, {transform_indices = #map1}]} {
    %mul3A = arith.constant 2 : i32
    %mul3A_0 = arith.muli %arg1, %mul3A : i32
    %add3A = arith.addi %mul3A_0, %arg0 : i32
    "tpu.region"() ({
      %run_scoped3A = tpu.sem_alloc : memref<!tpu.dma_semaphore, #tpu.memory_space<semaphore_mem>>
      tpu.enqueue_dma source(%arg5 : memref<64x128xf32, #tpu.memory_space<hbm>>) target(%arg14 : memref<64x128xf32, #tpu.memory_space<vmem>>) target_semaphore(%run_scoped3A : memref<!tpu.dma_semaphore, #tpu.memory_space<semaphore_mem>>)
      tpu.wait_dma2 semaphore(%run_scoped3A : memref<!tpu.dma_semaphore, #tpu.memory_space<semaphore_mem>>) src(%arg5 : memref<64x128xf32, #tpu.memory_space<hbm>>) dst(%arg14 : memref<64x128xf32, #tpu.memory_space<vmem>>)
      tpu.yield
    }) : () -> ()
    "tpu.region"() ({
      %run_scoped3A = tpu.sem_alloc : memref<!tpu.dma_semaphore, #tpu.memory_space<semaphore_mem>>
      tpu.enqueue_dma source(%arg6 : memref<64x16xf32, #tpu.memory_space<hbm>>) target(%arg15 : memref<64x16xf32, #tpu.memory_space<vmem>>) target_semaphore(%run_scoped3A : memref<!tpu.dma_semaphore, #tpu.memory_space<semaphore_mem>>)
      tpu.wait_dma2 semaphore(%run_scoped3A : memref<!tpu.dma_semaphore, #tpu.memory_space<semaphore_mem>>) src(%arg6 : memref<64x16xf32, #tpu.memory_space<hbm>>) dst(%arg15 : memref<64x16xf32, #tpu.memory_space<vmem>>)
      tpu.yield
    }) : () -> ()
    "tpu.region"() ({
      %run_scoped3A = tpu.sem_alloc : memref<!tpu.dma_semaphore, #tpu.memory_space<semaphore_mem>>
      tpu.enqueue_dma source(%arg7 : memref<64x16xf32, #tpu.memory_space<hbm>>) target(%arg16 : memref<64x16xf32, #tpu.memory_space<vmem>>) target_semaphore(%run_scoped3A : memref<!tpu.dma_semaphore, #tpu.memory_space<semaphore_mem>>)
      tpu.wait_dma2 semaphore(%run_scoped3A : memref<!tpu.dma_semaphore, #tpu.memory_space<semaphore_mem>>) src(%arg7 : memref<64x16xf32, #tpu.memory_space<hbm>>) dst(%arg16 : memref<64x16xf32, #tpu.memory_space<vmem>>)
      tpu.yield
    }) : () -> ()
    %mul3A_1 = arith.constant 640 : i32
    %mul3A_2 = arith.muli %arg1, %mul3A_1 : i32
    %add3A_3 = arith.constant 0 : i32
    %add3A_4 = arith.addi %mul3A_2, %add3A_3 : i32
    "tpu.region"() ({
      %run_scoped3A = tpu.sem_alloc : memref<!tpu.dma_semaphore, #tpu.memory_space<semaphore_mem>>
      %dma_start3A = arith.constant 0 : i32
      %dma_start3A_87 = tpu.memref_slice %arg10[%add3A_4, %dma_start3A] : memref<10240x128xf32, #tpu.memory_space<vmem_shared>> -> memref<64x128xf32, #tpu.memory_space<vmem_shared>>
      %dma_start3A_88 = arith.constant 0 : i32
      %dma_start3A_89 = tpu.memref_slice %arg10[%add3A_4, %dma_start3A_88] : memref<10240x128xf32, #tpu.memory_space<vmem_shared>> -> memref<64x128xf32, #tpu.memory_space<vmem_shared>>
      tpu.enqueue_dma source(%arg14 : memref<64x128xf32, #tpu.memory_space<vmem>>) target(%dma_start3A_89 : memref<64x128xf32, #tpu.memory_space<vmem_shared>>) target_semaphore(%run_scoped3A : memref<!tpu.dma_semaphore, #tpu.memory_space<semaphore_mem>>)
      %dma_wait3A = arith.constant 0 : i32
      %dma_wait3A_90 = tpu.memref_slice %arg10[%add3A_4, %dma_wait3A] : memref<10240x128xf32, #tpu.memory_space<vmem_shared>> -> memref<64x128xf32, #tpu.memory_space<vmem_shared>>
      %dma_wait3A_91 = arith.constant 0 : i32
      %dma_wait3A_92 = tpu.memref_slice %arg10[%add3A_4, %dma_wait3A_91] : memref<10240x128xf32, #tpu.memory_space<vmem_shared>> -> memref<64x128xf32, #tpu.memory_space<vmem_shared>>
      tpu.wait_dma2 semaphore(%run_scoped3A : memref<!tpu.dma_semaphore, #tpu.memory_space<semaphore_mem>>) src(%arg14 : memref<64x128xf32, #tpu.memory_space<vmem>>) dst(%dma_wait3A_92 : memref<64x128xf32, #tpu.memory_space<vmem_shared>>)
      tpu.yield
    }) : () -> ()
    "tpu.region"() ({
      %run_scoped3A = tpu.sem_alloc : memref<!tpu.dma_semaphore, #tpu.memory_space<semaphore_mem>>
      %dma_start3A = arith.constant 0 : i32
      %dma_start3A_87 = tpu.memref_slice %arg11[%add3A_4, %dma_start3A] : memref<10240x16xf32, #tpu.memory_space<vmem_shared>> -> memref<64x16xf32, #tpu.memory_space<vmem_shared>>
      %dma_start3A_88 = arith.constant 0 : i32
      %dma_start3A_89 = tpu.memref_slice %arg11[%add3A_4, %dma_start3A_88] : memref<10240x16xf32, #tpu.memory_space<vmem_shared>> -> memref<64x16xf32, #tpu.memory_space<vmem_shared>>
      tpu.enqueue_dma source(%arg16 : memref<64x16xf32, #tpu.memory_space<vmem>>) target(%dma_start3A_89 : memref<64x16xf32, #tpu.memory_space<vmem_shared>>) target_semaphore(%run_scoped3A : memref<!tpu.dma_semaphore, #tpu.memory_space<semaphore_mem>>)
      %dma_wait3A = arith.constant 0 : i32
      %dma_wait3A_90 = tpu.memref_slice %arg11[%add3A_4, %dma_wait3A] : memref<10240x16xf32, #tpu.memory_space<vmem_shared>> -> memref<64x16xf32, #tpu.memory_space<vmem_shared>>
      %dma_wait3A_91 = arith.constant 0 : i32
      %dma_wait3A_92 = tpu.memref_slice %arg11[%add3A_4, %dma_wait3A_91] : memref<10240x16xf32, #tpu.memory_space<vmem_shared>> -> memref<64x16xf32, #tpu.memory_space<vmem_shared>>
      tpu.wait_dma2 semaphore(%run_scoped3A : memref<!tpu.dma_semaphore, #tpu.memory_space<semaphore_mem>>) src(%arg16 : memref<64x16xf32, #tpu.memory_space<vmem>>) dst(%dma_wait3A_92 : memref<64x16xf32, #tpu.memory_space<vmem_shared>>)
      tpu.yield
    }) : () -> ()
    %mul3A_5 = arith.constant 640 : i32
    %mul3A_6 = arith.muli %arg1, %mul3A_5 : i32
    %add3A_7 = arith.constant 64 : i32
    %add3A_8 = arith.addi %mul3A_6, %add3A_7 : i32
    "tpu.region"() ({
      %run_scoped3A = tpu.sem_alloc : memref<!tpu.dma_semaphore, #tpu.memory_space<semaphore_mem>>
      %dma_start3A = arith.constant 0 : i32
      %dma_start3A_87 = tpu.memref_slice %arg10[%add3A_8, %dma_start3A] : memref<10240x128xf32, #tpu.memory_space<vmem_shared>> -> memref<64x128xf32, #tpu.memory_space<vmem_shared>>
      %dma_start3A_88 = arith.constant 0 : i32
      %dma_start3A_89 = tpu.memref_slice %arg10[%add3A_8, %dma_start3A_88] : memref<10240x128xf32, #tpu.memory_space<vmem_shared>> -> memref<64x128xf32, #tpu.memory_space<vmem_shared>>
      tpu.enqueue_dma source(%arg14 : memref<64x128xf32, #tpu.memory_space<vmem>>) target(%dma_start3A_89 : memref<64x128xf32, #tpu.memory_space<vmem_shared>>) target_semaphore(%run_scoped3A : memref<!tpu.dma_semaphore, #tpu.memory_space<semaphore_mem>>)
      %dma_wait3A = arith.constant 0 : i32
      %dma_wait3A_90 = tpu.memref_slice %arg10[%add3A_8, %dma_wait3A] : memref<10240x128xf32, #tpu.memory_space<vmem_shared>> -> memref<64x128xf32, #tpu.memory_space<vmem_shared>>
      %dma_wait3A_91 = arith.constant 0 : i32
      %dma_wait3A_92 = tpu.memref_slice %arg10[%add3A_8, %dma_wait3A_91] : memref<10240x128xf32, #tpu.memory_space<vmem_shared>> -> memref<64x128xf32, #tpu.memory_space<vmem_shared>>
      tpu.wait_dma2 semaphore(%run_scoped3A : memref<!tpu.dma_semaphore, #tpu.memory_space<semaphore_mem>>) src(%arg14 : memref<64x128xf32, #tpu.memory_space<vmem>>) dst(%dma_wait3A_92 : memref<64x128xf32, #tpu.memory_space<vmem_shared>>)
      tpu.yield
    }) : () -> ()
    "tpu.region"() ({
      %run_scoped3A = tpu.sem_alloc : memref<!tpu.dma_semaphore, #tpu.memory_space<semaphore_mem>>
      %dma_start3A = arith.constant 0 : i32
      %dma_start3A_87 = tpu.memref_slice %arg11[%add3A_8, %dma_start3A] : memref<10240x16xf32, #tpu.memory_space<vmem_shared>> -> memref<64x16xf32, #tpu.memory_space<vmem_shared>>
      %dma_start3A_88 = arith.constant 0 : i32
      %dma_start3A_89 = tpu.memref_slice %arg11[%add3A_8, %dma_start3A_88] : memref<10240x16xf32, #tpu.memory_space<vmem_shared>> -> memref<64x16xf32, #tpu.memory_space<vmem_shared>>
      tpu.enqueue_dma source(%arg16 : memref<64x16xf32, #tpu.memory_space<vmem>>) target(%dma_start3A_89 : memref<64x16xf32, #tpu.memory_space<vmem_shared>>) target_semaphore(%run_scoped3A : memref<!tpu.dma_semaphore, #tpu.memory_space<semaphore_mem>>)
      %dma_wait3A = arith.constant 0 : i32
      %dma_wait3A_90 = tpu.memref_slice %arg11[%add3A_8, %dma_wait3A] : memref<10240x16xf32, #tpu.memory_space<vmem_shared>> -> memref<64x16xf32, #tpu.memory_space<vmem_shared>>
      %dma_wait3A_91 = arith.constant 0 : i32
      %dma_wait3A_92 = tpu.memref_slice %arg11[%add3A_8, %dma_wait3A_91] : memref<10240x16xf32, #tpu.memory_space<vmem_shared>> -> memref<64x16xf32, #tpu.memory_space<vmem_shared>>
      tpu.wait_dma2 semaphore(%run_scoped3A : memref<!tpu.dma_semaphore, #tpu.memory_space<semaphore_mem>>) src(%arg16 : memref<64x16xf32, #tpu.memory_space<vmem>>) dst(%dma_wait3A_92 : memref<64x16xf32, #tpu.memory_space<vmem_shared>>)
      tpu.yield
    }) : () -> ()
    %mul3A_9 = arith.constant 640 : i32
    %mul3A_10 = arith.muli %arg1, %mul3A_9 : i32
    %add3A_11 = arith.constant 128 : i32
    %add3A_12 = arith.addi %mul3A_10, %add3A_11 : i32
    "tpu.region"() ({
      %run_scoped3A = tpu.sem_alloc : memref<!tpu.dma_semaphore, #tpu.memory_space<semaphore_mem>>
      %dma_start3A = arith.constant 0 : i32
      %dma_start3A_87 = tpu.memref_slice %arg10[%add3A_12, %dma_start3A] : memref<10240x128xf32, #tpu.memory_space<vmem_shared>> -> memref<64x128xf32, #tpu.memory_space<vmem_shared>>
      %dma_start3A_88 = arith.constant 0 : i32
      %dma_start3A_89 = tpu.memref_slice %arg10[%add3A_12, %dma_start3A_88] : memref<10240x128xf32, #tpu.memory_space<vmem_shared>> -> memref<64x128xf32, #tpu.memory_space<vmem_shared>>
      tpu.enqueue_dma source(%arg14 : memref<64x128xf32, #tpu.memory_space<vmem>>) target(%dma_start3A_89 : memref<64x128xf32, #tpu.memory_space<vmem_shared>>) target_semaphore(%run_scoped3A : memref<!tpu.dma_semaphore, #tpu.memory_space<semaphore_mem>>)
      %dma_wait3A = arith.constant 0 : i32
      %dma_wait3A_90 = tpu.memref_slice %arg10[%add3A_12, %dma_wait3A] : memref<10240x128xf32, #tpu.memory_space<vmem_shared>> -> memref<64x128xf32, #tpu.memory_space<vmem_shared>>
      %dma_wait3A_91 = arith.constant 0 : i32
      %dma_wait3A_92 = tpu.memref_slice %arg10[%add3A_12, %dma_wait3A_91] : memref<10240x128xf32, #tpu.memory_space<vmem_shared>> -> memref<64x128xf32, #tpu.memory_space<vmem_shared>>
      tpu.wait_dma2 semaphore(%run_scoped3A : memref<!tpu.dma_semaphore, #tpu.memory_space<semaphore_mem>>) src(%arg14 : memref<64x128xf32, #tpu.memory_space<vmem>>) dst(%dma_wait3A_92 : memref<64x128xf32, #tpu.memory_space<vmem_shared>>)
      tpu.yield
    }) : () -> ()
    "tpu.region"() ({
      %run_scoped3A = tpu.sem_alloc : memref<!tpu.dma_semaphore, #tpu.memory_space<semaphore_mem>>
      %dma_start3A = arith.constant 0 : i32
      %dma_start3A_87 = tpu.memref_slice %arg11[%add3A_12, %dma_start3A] : memref<10240x16xf32, #tpu.memory_space<vmem_shared>> -> memref<64x16xf32, #tpu.memory_space<vmem_shared>>
      %dma_start3A_88 = arith.constant 0 : i32
      %dma_start3A_89 = tpu.memref_slice %arg11[%add3A_12, %dma_start3A_88] : memref<10240x16xf32, #tpu.memory_space<vmem_shared>> -> memref<64x16xf32, #tpu.memory_space<vmem_shared>>
      tpu.enqueue_dma source(%arg16 : memref<64x16xf32, #tpu.memory_space<vmem>>) target(%dma_start3A_89 : memref<64x16xf32, #tpu.memory_space<vmem_shared>>) target_semaphore(%run_scoped3A : memref<!tpu.dma_semaphore, #tpu.memory_space<semaphore_mem>>)
      %dma_wait3A = arith.constant 0 : i32
      %dma_wait3A_90 = tpu.memref_slice %arg11[%add3A_12, %dma_wait3A] : memref<10240x16xf32, #tpu.memory_space<vmem_shared>> -> memref<64x16xf32, #tpu.memory_space<vmem_shared>>
      %dma_wait3A_91 = arith.constant 0 : i32
      %dma_wait3A_92 = tpu.memref_slice %arg11[%add3A_12, %dma_wait3A_91] : memref<10240x16xf32, #tpu.memory_space<vmem_shared>> -> memref<64x16xf32, #tpu.memory_space<vmem_shared>>
      tpu.wait_dma2 semaphore(%run_scoped3A : memref<!tpu.dma_semaphore, #tpu.memory_space<semaphore_mem>>) src(%arg16 : memref<64x16xf32, #tpu.memory_space<vmem>>) dst(%dma_wait3A_92 : memref<64x16xf32, #tpu.memory_space<vmem_shared>>)
      tpu.yield
    }) : () -> ()
    %mul3A_13 = arith.constant 640 : i32
    %mul3A_14 = arith.muli %arg1, %mul3A_13 : i32
    %add3A_15 = arith.constant 192 : i32
    %add3A_16 = arith.addi %mul3A_14, %add3A_15 : i32
    "tpu.region"() ({
      %run_scoped3A = tpu.sem_alloc : memref<!tpu.dma_semaphore, #tpu.memory_space<semaphore_mem>>
      %dma_start3A = arith.constant 0 : i32
      %dma_start3A_87 = tpu.memref_slice %arg10[%add3A_16, %dma_start3A] : memref<10240x128xf32, #tpu.memory_space<vmem_shared>> -> memref<64x128xf32, #tpu.memory_space<vmem_shared>>
      %dma_start3A_88 = arith.constant 0 : i32
      %dma_start3A_89 = tpu.memref_slice %arg10[%add3A_16, %dma_start3A_88] : memref<10240x128xf32, #tpu.memory_space<vmem_shared>> -> memref<64x128xf32, #tpu.memory_space<vmem_shared>>
      tpu.enqueue_dma source(%arg14 : memref<64x128xf32, #tpu.memory_space<vmem>>) target(%dma_start3A_89 : memref<64x128xf32, #tpu.memory_space<vmem_shared>>) target_semaphore(%run_scoped3A : memref<!tpu.dma_semaphore, #tpu.memory_space<semaphore_mem>>)
      %dma_wait3A = arith.constant 0 : i32
      %dma_wait3A_90 = tpu.memref_slice %arg10[%add3A_16, %dma_wait3A] : memref<10240x128xf32, #tpu.memory_space<vmem_shared>> -> memref<64x128xf32, #tpu.memory_space<vmem_shared>>
      %dma_wait3A_91 = arith.constant 0 : i32
      %dma_wait3A_92 = tpu.memref_slice %arg10[%add3A_16, %dma_wait3A_91] : memref<10240x128xf32, #tpu.memory_space<vmem_shared>> -> memref<64x128xf32, #tpu.memory_space<vmem_shared>>
      tpu.wait_dma2 semaphore(%run_scoped3A : memref<!tpu.dma_semaphore, #tpu.memory_space<semaphore_mem>>) src(%arg14 : memref<64x128xf32, #tpu.memory_space<vmem>>) dst(%dma_wait3A_92 : memref<64x128xf32, #tpu.memory_space<vmem_shared>>)
      tpu.yield
    }) : () -> ()
    "tpu.region"() ({
      %run_scoped3A = tpu.sem_alloc : memref<!tpu.dma_semaphore, #tpu.memory_space<semaphore_mem>>
      %dma_start3A = arith.constant 0 : i32
      %dma_start3A_87 = tpu.memref_slice %arg11[%add3A_16, %dma_start3A] : memref<10240x16xf32, #tpu.memory_space<vmem_shared>> -> memref<64x16xf32, #tpu.memory_space<vmem_shared>>
      %dma_start3A_88 = arith.constant 0 : i32
      %dma_start3A_89 = tpu.memref_slice %arg11[%add3A_16, %dma_start3A_88] : memref<10240x16xf32, #tpu.memory_space<vmem_shared>> -> memref<64x16xf32, #tpu.memory_space<vmem_shared>>
      tpu.enqueue_dma source(%arg16 : memref<64x16xf32, #tpu.memory_space<vmem>>) target(%dma_start3A_89 : memref<64x16xf32, #tpu.memory_space<vmem_shared>>) target_semaphore(%run_scoped3A : memref<!tpu.dma_semaphore, #tpu.memory_space<semaphore_mem>>)
      %dma_wait3A = arith.constant 0 : i32
      %dma_wait3A_90 = tpu.memref_slice %arg11[%add3A_16, %dma_wait3A] : memref<10240x16xf32, #tpu.memory_space<vmem_shared>> -> memref<64x16xf32, #tpu.memory_space<vmem_shared>>
      %dma_wait3A_91 = arith.constant 0 : i32
      %dma_wait3A_92 = tpu.memref_slice %arg11[%add3A_16, %dma_wait3A_91] : memref<10240x16xf32, #tpu.memory_space<vmem_shared>> -> memref<64x16xf32, #tpu.memory_space<vmem_shared>>
      tpu.wait_dma2 semaphore(%run_scoped3A : memref<!tpu.dma_semaphore, #tpu.memory_space<semaphore_mem>>) src(%arg16 : memref<64x16xf32, #tpu.memory_space<vmem>>) dst(%dma_wait3A_92 : memref<64x16xf32, #tpu.memory_space<vmem_shared>>)
      tpu.yield
    }) : () -> ()
    %mul3A_17 = arith.constant 640 : i32
    %mul3A_18 = arith.muli %arg1, %mul3A_17 : i32
    %add3A_19 = arith.constant 256 : i32
    %add3A_20 = arith.addi %mul3A_18, %add3A_19 : i32
    "tpu.region"() ({
      %run_scoped3A = tpu.sem_alloc : memref<!tpu.dma_semaphore, #tpu.memory_space<semaphore_mem>>
      %dma_start3A = arith.constant 0 : i32
      %dma_start3A_87 = tpu.memref_slice %arg10[%add3A_20, %dma_start3A] : memref<10240x128xf32, #tpu.memory_space<vmem_shared>> -> memref<64x128xf32, #tpu.memory_space<vmem_shared>>
      %dma_start3A_88 = arith.constant 0 : i32
      %dma_start3A_89 = tpu.memref_slice %arg10[%add3A_20, %dma_start3A_88] : memref<10240x128xf32, #tpu.memory_space<vmem_shared>> -> memref<64x128xf32, #tpu.memory_space<vmem_shared>>
      tpu.enqueue_dma source(%arg14 : memref<64x128xf32, #tpu.memory_space<vmem>>) target(%dma_start3A_89 : memref<64x128xf32, #tpu.memory_space<vmem_shared>>) target_semaphore(%run_scoped3A : memref<!tpu.dma_semaphore, #tpu.memory_space<semaphore_mem>>)
      %dma_wait3A = arith.constant 0 : i32
      %dma_wait3A_90 = tpu.memref_slice %arg10[%add3A_20, %dma_wait3A] : memref<10240x128xf32, #tpu.memory_space<vmem_shared>> -> memref<64x128xf32, #tpu.memory_space<vmem_shared>>
      %dma_wait3A_91 = arith.constant 0 : i32
      %dma_wait3A_92 = tpu.memref_slice %arg10[%add3A_20, %dma_wait3A_91] : memref<10240x128xf32, #tpu.memory_space<vmem_shared>> -> memref<64x128xf32, #tpu.memory_space<vmem_shared>>
      tpu.wait_dma2 semaphore(%run_scoped3A : memref<!tpu.dma_semaphore, #tpu.memory_space<semaphore_mem>>) src(%arg14 : memref<64x128xf32, #tpu.memory_space<vmem>>) dst(%dma_wait3A_92 : memref<64x128xf32, #tpu.memory_space<vmem_shared>>)
      tpu.yield
    }) : () -> ()
    "tpu.region"() ({
      %run_scoped3A = tpu.sem_alloc : memref<!tpu.dma_semaphore, #tpu.memory_space<semaphore_mem>>
      %dma_start3A = arith.constant 0 : i32
      %dma_start3A_87 = tpu.memref_slice %arg11[%add3A_20, %dma_start3A] : memref<10240x16xf32, #tpu.memory_space<vmem_shared>> -> memref<64x16xf32, #tpu.memory_space<vmem_shared>>
      %dma_start3A_88 = arith.constant 0 : i32
      %dma_start3A_89 = tpu.memref_slice %arg11[%add3A_20, %dma_start3A_88] : memref<10240x16xf32, #tpu.memory_space<vmem_shared>> -> memref<64x16xf32, #tpu.memory_space<vmem_shared>>
      tpu.enqueue_dma source(%arg16 : memref<64x16xf32, #tpu.memory_space<vmem>>) target(%dma_start3A_89 : memref<64x16xf32, #tpu.memory_space<vmem_shared>>) target_semaphore(%run_scoped3A : memref<!tpu.dma_semaphore, #tpu.memory_space<semaphore_mem>>)
      %dma_wait3A = arith.constant 0 : i32
      %dma_wait3A_90 = tpu.memref_slice %arg11[%add3A_20, %dma_wait3A] : memref<10240x16xf32, #tpu.memory_space<vmem_shared>> -> memref<64x16xf32, #tpu.memory_space<vmem_shared>>
      %dma_wait3A_91 = arith.constant 0 : i32
      %dma_wait3A_92 = tpu.memref_slice %arg11[%add3A_20, %dma_wait3A_91] : memref<10240x16xf32, #tpu.memory_space<vmem_shared>> -> memref<64x16xf32, #tpu.memory_space<vmem_shared>>
      tpu.wait_dma2 semaphore(%run_scoped3A : memref<!tpu.dma_semaphore, #tpu.memory_space<semaphore_mem>>) src(%arg16 : memref<64x16xf32, #tpu.memory_space<vmem>>) dst(%dma_wait3A_92 : memref<64x16xf32, #tpu.memory_space<vmem_shared>>)
      tpu.yield
    }) : () -> ()
    %mul3A_21 = arith.constant 640 : i32
    %mul3A_22 = arith.muli %arg1, %mul3A_21 : i32
    %add3A_23 = arith.constant 320 : i32
    %add3A_24 = arith.addi %mul3A_22, %add3A_23 : i32
    "tpu.region"() ({
      %run_scoped3A = tpu.sem_alloc : memref<!tpu.dma_semaphore, #tpu.memory_space<semaphore_mem>>
      %dma_start3A = arith.constant 0 : i32
      %dma_start3A_87 = tpu.memref_slice %arg10[%add3A_24, %dma_start3A] : memref<10240x128xf32, #tpu.memory_space<vmem_shared>> -> memref<64x128xf32, #tpu.memory_space<vmem_shared>>
      %dma_start3A_88 = arith.constant 0 : i32
      %dma_start3A_89 = tpu.memref_slice %arg10[%add3A_24, %dma_start3A_88] : memref<10240x128xf32, #tpu.memory_space<vmem_shared>> -> memref<64x128xf32, #tpu.memory_space<vmem_shared>>
      tpu.enqueue_dma source(%arg14 : memref<64x128xf32, #tpu.memory_space<vmem>>) target(%dma_start3A_89 : memref<64x128xf32, #tpu.memory_space<vmem_shared>>) target_semaphore(%run_scoped3A : memref<!tpu.dma_semaphore, #tpu.memory_space<semaphore_mem>>)
      %dma_wait3A = arith.constant 0 : i32
      %dma_wait3A_90 = tpu.memref_slice %arg10[%add3A_24, %dma_wait3A] : memref<10240x128xf32, #tpu.memory_space<vmem_shared>> -> memref<64x128xf32, #tpu.memory_space<vmem_shared>>
      %dma_wait3A_91 = arith.constant 0 : i32
      %dma_wait3A_92 = tpu.memref_slice %arg10[%add3A_24, %dma_wait3A_91] : memref<10240x128xf32, #tpu.memory_space<vmem_shared>> -> memref<64x128xf32, #tpu.memory_space<vmem_shared>>
      tpu.wait_dma2 semaphore(%run_scoped3A : memref<!tpu.dma_semaphore, #tpu.memory_space<semaphore_mem>>) src(%arg14 : memref<64x128xf32, #tpu.memory_space<vmem>>) dst(%dma_wait3A_92 : memref<64x128xf32, #tpu.memory_space<vmem_shared>>)
      tpu.yield
    }) : () -> ()
    "tpu.region"() ({
      %run_scoped3A = tpu.sem_alloc : memref<!tpu.dma_semaphore, #tpu.memory_space<semaphore_mem>>
      %dma_start3A = arith.constant 0 : i32
      %dma_start3A_87 = tpu.memref_slice %arg11[%add3A_24, %dma_start3A] : memref<10240x16xf32, #tpu.memory_space<vmem_shared>> -> memref<64x16xf32, #tpu.memory_space<vmem_shared>>
      %dma_start3A_88 = arith.constant 0 : i32
      %dma_start3A_89 = tpu.memref_slice %arg11[%add3A_24, %dma_start3A_88] : memref<10240x16xf32, #tpu.memory_space<vmem_shared>> -> memref<64x16xf32, #tpu.memory_space<vmem_shared>>
      tpu.enqueue_dma source(%arg16 : memref<64x16xf32, #tpu.memory_space<vmem>>) target(%dma_start3A_89 : memref<64x16xf32, #tpu.memory_space<vmem_shared>>) target_semaphore(%run_scoped3A : memref<!tpu.dma_semaphore, #tpu.memory_space<semaphore_mem>>)
      %dma_wait3A = arith.constant 0 : i32
      %dma_wait3A_90 = tpu.memref_slice %arg11[%add3A_24, %dma_wait3A] : memref<10240x16xf32, #tpu.memory_space<vmem_shared>> -> memref<64x16xf32, #tpu.memory_space<vmem_shared>>
      %dma_wait3A_91 = arith.constant 0 : i32
      %dma_wait3A_92 = tpu.memref_slice %arg11[%add3A_24, %dma_wait3A_91] : memref<10240x16xf32, #tpu.memory_space<vmem_shared>> -> memref<64x16xf32, #tpu.memory_space<vmem_shared>>
      tpu.wait_dma2 semaphore(%run_scoped3A : memref<!tpu.dma_semaphore, #tpu.memory_space<semaphore_mem>>) src(%arg16 : memref<64x16xf32, #tpu.memory_space<vmem>>) dst(%dma_wait3A_92 : memref<64x16xf32, #tpu.memory_space<vmem_shared>>)
      tpu.yield
    }) : () -> ()
    %mul3A_25 = arith.constant 640 : i32
    %mul3A_26 = arith.muli %arg1, %mul3A_25 : i32
    %add3A_27 = arith.constant 384 : i32
    %add3A_28 = arith.addi %mul3A_26, %add3A_27 : i32
    "tpu.region"() ({
      %run_scoped3A = tpu.sem_alloc : memref<!tpu.dma_semaphore, #tpu.memory_space<semaphore_mem>>
      %dma_start3A = arith.constant 0 : i32
      %dma_start3A_87 = tpu.memref_slice %arg10[%add3A_28, %dma_start3A] : memref<10240x128xf32, #tpu.memory_space<vmem_shared>> -> memref<64x128xf32, #tpu.memory_space<vmem_shared>>
      %dma_start3A_88 = arith.constant 0 : i32
      %dma_start3A_89 = tpu.memref_slice %arg10[%add3A_28, %dma_start3A_88] : memref<10240x128xf32, #tpu.memory_space<vmem_shared>> -> memref<64x128xf32, #tpu.memory_space<vmem_shared>>
      tpu.enqueue_dma source(%arg14 : memref<64x128xf32, #tpu.memory_space<vmem>>) target(%dma_start3A_89 : memref<64x128xf32, #tpu.memory_space<vmem_shared>>) target_semaphore(%run_scoped3A : memref<!tpu.dma_semaphore, #tpu.memory_space<semaphore_mem>>)
      %dma_wait3A = arith.constant 0 : i32
      %dma_wait3A_90 = tpu.memref_slice %arg10[%add3A_28, %dma_wait3A] : memref<10240x128xf32, #tpu.memory_space<vmem_shared>> -> memref<64x128xf32, #tpu.memory_space<vmem_shared>>
      %dma_wait3A_91 = arith.constant 0 : i32
      %dma_wait3A_92 = tpu.memref_slice %arg10[%add3A_28, %dma_wait3A_91] : memref<10240x128xf32, #tpu.memory_space<vmem_shared>> -> memref<64x128xf32, #tpu.memory_space<vmem_shared>>
      tpu.wait_dma2 semaphore(%run_scoped3A : memref<!tpu.dma_semaphore, #tpu.memory_space<semaphore_mem>>) src(%arg14 : memref<64x128xf32, #tpu.memory_space<vmem>>) dst(%dma_wait3A_92 : memref<64x128xf32, #tpu.memory_space<vmem_shared>>)
      tpu.yield
    }) : () -> ()
    "tpu.region"() ({
      %run_scoped3A = tpu.sem_alloc : memref<!tpu.dma_semaphore, #tpu.memory_space<semaphore_mem>>
      %dma_start3A = arith.constant 0 : i32
      %dma_start3A_87 = tpu.memref_slice %arg11[%add3A_28, %dma_start3A] : memref<10240x16xf32, #tpu.memory_space<vmem_shared>> -> memref<64x16xf32, #tpu.memory_space<vmem_shared>>
      %dma_start3A_88 = arith.constant 0 : i32
      %dma_start3A_89 = tpu.memref_slice %arg11[%add3A_28, %dma_start3A_88] : memref<10240x16xf32, #tpu.memory_space<vmem_shared>> -> memref<64x16xf32, #tpu.memory_space<vmem_shared>>
      tpu.enqueue_dma source(%arg16 : memref<64x16xf32, #tpu.memory_space<vmem>>) target(%dma_start3A_89 : memref<64x16xf32, #tpu.memory_space<vmem_shared>>) target_semaphore(%run_scoped3A : memref<!tpu.dma_semaphore, #tpu.memory_space<semaphore_mem>>)
      %dma_wait3A = arith.constant 0 : i32
      %dma_wait3A_90 = tpu.memref_slice %arg11[%add3A_28, %dma_wait3A] : memref<10240x16xf32, #tpu.memory_space<vmem_shared>> -> memref<64x16xf32, #tpu.memory_space<vmem_shared>>
      %dma_wait3A_91 = arith.constant 0 : i32
      %dma_wait3A_92 = tpu.memref_slice %arg11[%add3A_28, %dma_wait3A_91] : memref<10240x16xf32, #tpu.memory_space<vmem_shared>> -> memref<64x16xf32, #tpu.memory_space<vmem_shared>>
      tpu.wait_dma2 semaphore(%run_scoped3A : memref<!tpu.dma_semaphore, #tpu.memory_space<semaphore_mem>>) src(%arg16 : memref<64x16xf32, #tpu.memory_space<vmem>>) dst(%dma_wait3A_92 : memref<64x16xf32, #tpu.memory_space<vmem_shared>>)
      tpu.yield
    }) : () -> ()
    %mul3A_29 = arith.constant 640 : i32
    %mul3A_30 = arith.muli %arg1, %mul3A_29 : i32
    %add3A_31 = arith.constant 448 : i32
    %add3A_32 = arith.addi %mul3A_30, %add3A_31 : i32
    "tpu.region"() ({
      %run_scoped3A = tpu.sem_alloc : memref<!tpu.dma_semaphore, #tpu.memory_space<semaphore_mem>>
      %dma_start3A = arith.constant 0 : i32
      %dma_start3A_87 = tpu.memref_slice %arg10[%add3A_32, %dma_start3A] : memref<10240x128xf32, #tpu.memory_space<vmem_shared>> -> memref<64x128xf32, #tpu.memory_space<vmem_shared>>
      %dma_start3A_88 = arith.constant 0 : i32
      %dma_start3A_89 = tpu.memref_slice %arg10[%add3A_32, %dma_start3A_88] : memref<10240x128xf32, #tpu.memory_space<vmem_shared>> -> memref<64x128xf32, #tpu.memory_space<vmem_shared>>
      tpu.enqueue_dma source(%arg14 : memref<64x128xf32, #tpu.memory_space<vmem>>) target(%dma_start3A_89 : memref<64x128xf32, #tpu.memory_space<vmem_shared>>) target_semaphore(%run_scoped3A : memref<!tpu.dma_semaphore, #tpu.memory_space<semaphore_mem>>)
      %dma_wait3A = arith.constant 0 : i32
      %dma_wait3A_90 = tpu.memref_slice %arg10[%add3A_32, %dma_wait3A] : memref<10240x128xf32, #tpu.memory_space<vmem_shared>> -> memref<64x128xf32, #tpu.memory_space<vmem_shared>>
      %dma_wait3A_91 = arith.constant 0 : i32
      %dma_wait3A_92 = tpu.memref_slice %arg10[%add3A_32, %dma_wait3A_91] : memref<10240x128xf32, #tpu.memory_space<vmem_shared>> -> memref<64x128xf32, #tpu.memory_space<vmem_shared>>
      tpu.wait_dma2 semaphore(%run_scoped3A : memref<!tpu.dma_semaphore, #tpu.memory_space<semaphore_mem>>) src(%arg14 : memref<64x128xf32, #tpu.memory_space<vmem>>) dst(%dma_wait3A_92 : memref<64x128xf32, #tpu.memory_space<vmem_shared>>)
      tpu.yield
    }) : () -> ()
    "tpu.region"() ({
      %run_scoped3A = tpu.sem_alloc : memref<!tpu.dma_semaphore, #tpu.memory_space<semaphore_mem>>
      %dma_start3A = arith.constant 0 : i32
      %dma_start3A_87 = tpu.memref_slice %arg11[%add3A_32, %dma_start3A] : memref<10240x16xf32, #tpu.memory_space<vmem_shared>> -> memref<64x16xf32, #tpu.memory_space<vmem_shared>>
      %dma_start3A_88 = arith.constant 0 : i32
      %dma_start3A_89 = tpu.memref_slice %arg11[%add3A_32, %dma_start3A_88] : memref<10240x16xf32, #tpu.memory_space<vmem_shared>> -> memref<64x16xf32, #tpu.memory_space<vmem_shared>>
      tpu.enqueue_dma source(%arg16 : memref<64x16xf32, #tpu.memory_space<vmem>>) target(%dma_start3A_89 : memref<64x16xf32, #tpu.memory_space<vmem_shared>>) target_semaphore(%run_scoped3A : memref<!tpu.dma_semaphore, #tpu.memory_space<semaphore_mem>>)
      %dma_wait3A = arith.constant 0 : i32
      %dma_wait3A_90 = tpu.memref_slice %arg11[%add3A_32, %dma_wait3A] : memref<10240x16xf32, #tpu.memory_space<vmem_shared>> -> memref<64x16xf32, #tpu.memory_space<vmem_shared>>
      %dma_wait3A_91 = arith.constant 0 : i32
      %dma_wait3A_92 = tpu.memref_slice %arg11[%add3A_32, %dma_wait3A_91] : memref<10240x16xf32, #tpu.memory_space<vmem_shared>> -> memref<64x16xf32, #tpu.memory_space<vmem_shared>>
      tpu.wait_dma2 semaphore(%run_scoped3A : memref<!tpu.dma_semaphore, #tpu.memory_space<semaphore_mem>>) src(%arg16 : memref<64x16xf32, #tpu.memory_space<vmem>>) dst(%dma_wait3A_92 : memref<64x16xf32, #tpu.memory_space<vmem_shared>>)
      tpu.yield
    }) : () -> ()
    %mul3A_33 = arith.constant 640 : i32
    %mul3A_34 = arith.muli %arg1, %mul3A_33 : i32
    %add3A_35 = arith.constant 512 : i32
    %add3A_36 = arith.addi %mul3A_34, %add3A_35 : i32
    "tpu.region"() ({
      %run_scoped3A = tpu.sem_alloc : memref<!tpu.dma_semaphore, #tpu.memory_space<semaphore_mem>>
      %dma_start3A = arith.constant 0 : i32
      %dma_start3A_87 = tpu.memref_slice %arg10[%add3A_36, %dma_start3A] : memref<10240x128xf32, #tpu.memory_space<vmem_shared>> -> memref<64x128xf32, #tpu.memory_space<vmem_shared>>
      %dma_start3A_88 = arith.constant 0 : i32
      %dma_start3A_89 = tpu.memref_slice %arg10[%add3A_36, %dma_start3A_88] : memref<10240x128xf32, #tpu.memory_space<vmem_shared>> -> memref<64x128xf32, #tpu.memory_space<vmem_shared>>
      tpu.enqueue_dma source(%arg14 : memref<64x128xf32, #tpu.memory_space<vmem>>) target(%dma_start3A_89 : memref<64x128xf32, #tpu.memory_space<vmem_shared>>) target_semaphore(%run_scoped3A : memref<!tpu.dma_semaphore, #tpu.memory_space<semaphore_mem>>)
      %dma_wait3A = arith.constant 0 : i32
      %dma_wait3A_90 = tpu.memref_slice %arg10[%add3A_36, %dma_wait3A] : memref<10240x128xf32, #tpu.memory_space<vmem_shared>> -> memref<64x128xf32, #tpu.memory_space<vmem_shared>>
      %dma_wait3A_91 = arith.constant 0 : i32
      %dma_wait3A_92 = tpu.memref_slice %arg10[%add3A_36, %dma_wait3A_91] : memref<10240x128xf32, #tpu.memory_space<vmem_shared>> -> memref<64x128xf32, #tpu.memory_space<vmem_shared>>
      tpu.wait_dma2 semaphore(%run_scoped3A : memref<!tpu.dma_semaphore, #tpu.memory_space<semaphore_mem>>) src(%arg14 : memref<64x128xf32, #tpu.memory_space<vmem>>) dst(%dma_wait3A_92 : memref<64x128xf32, #tpu.memory_space<vmem_shared>>)
      tpu.yield
    }) : () -> ()
    "tpu.region"() ({
      %run_scoped3A = tpu.sem_alloc : memref<!tpu.dma_semaphore, #tpu.memory_space<semaphore_mem>>
      %dma_start3A = arith.constant 0 : i32
      %dma_start3A_87 = tpu.memref_slice %arg11[%add3A_36, %dma_start3A] : memref<10240x16xf32, #tpu.memory_space<vmem_shared>> -> memref<64x16xf32, #tpu.memory_space<vmem_shared>>
      %dma_start3A_88 = arith.constant 0 : i32
      %dma_start3A_89 = tpu.memref_slice %arg11[%add3A_36, %dma_start3A_88] : memref<10240x16xf32, #tpu.memory_space<vmem_shared>> -> memref<64x16xf32, #tpu.memory_space<vmem_shared>>
      tpu.enqueue_dma source(%arg16 : memref<64x16xf32, #tpu.memory_space<vmem>>) target(%dma_start3A_89 : memref<64x16xf32, #tpu.memory_space<vmem_shared>>) target_semaphore(%run_scoped3A : memref<!tpu.dma_semaphore, #tpu.memory_space<semaphore_mem>>)
      %dma_wait3A = arith.constant 0 : i32
      %dma_wait3A_90 = tpu.memref_slice %arg11[%add3A_36, %dma_wait3A] : memref<10240x16xf32, #tpu.memory_space<vmem_shared>> -> memref<64x16xf32, #tpu.memory_space<vmem_shared>>
      %dma_wait3A_91 = arith.constant 0 : i32
      %dma_wait3A_92 = tpu.memref_slice %arg11[%add3A_36, %dma_wait3A_91] : memref<10240x16xf32, #tpu.memory_space<vmem_shared>> -> memref<64x16xf32, #tpu.memory_space<vmem_shared>>
      tpu.wait_dma2 semaphore(%run_scoped3A : memref<!tpu.dma_semaphore, #tpu.memory_space<semaphore_mem>>) src(%arg16 : memref<64x16xf32, #tpu.memory_space<vmem>>) dst(%dma_wait3A_92 : memref<64x16xf32, #tpu.memory_space<vmem_shared>>)
      tpu.yield
    }) : () -> ()
    %mul3A_37 = arith.constant 640 : i32
    %mul3A_38 = arith.muli %arg1, %mul3A_37 : i32
    %add3A_39 = arith.constant 576 : i32
    %add3A_40 = arith.addi %mul3A_38, %add3A_39 : i32
    "tpu.region"() ({
      %run_scoped3A = tpu.sem_alloc : memref<!tpu.dma_semaphore, #tpu.memory_space<semaphore_mem>>
      %dma_start3A = arith.constant 0 : i32
      %dma_start3A_87 = tpu.memref_slice %arg10[%add3A_40, %dma_start3A] : memref<10240x128xf32, #tpu.memory_space<vmem_shared>> -> memref<64x128xf32, #tpu.memory_space<vmem_shared>>
      %dma_start3A_88 = arith.constant 0 : i32
      %dma_start3A_89 = tpu.memref_slice %arg10[%add3A_40, %dma_start3A_88] : memref<10240x128xf32, #tpu.memory_space<vmem_shared>> -> memref<64x128xf32, #tpu.memory_space<vmem_shared>>
      tpu.enqueue_dma source(%arg14 : memref<64x128xf32, #tpu.memory_space<vmem>>) target(%dma_start3A_89 : memref<64x128xf32, #tpu.memory_space<vmem_shared>>) target_semaphore(%run_scoped3A : memref<!tpu.dma_semaphore, #tpu.memory_space<semaphore_mem>>)
      %dma_wait3A = arith.constant 0 : i32
      %dma_wait3A_90 = tpu.memref_slice %arg10[%add3A_40, %dma_wait3A] : memref<10240x128xf32, #tpu.memory_space<vmem_shared>> -> memref<64x128xf32, #tpu.memory_space<vmem_shared>>
      %dma_wait3A_91 = arith.constant 0 : i32
      %dma_wait3A_92 = tpu.memref_slice %arg10[%add3A_40, %dma_wait3A_91] : memref<10240x128xf32, #tpu.memory_space<vmem_shared>> -> memref<64x128xf32, #tpu.memory_space<vmem_shared>>
      tpu.wait_dma2 semaphore(%run_scoped3A : memref<!tpu.dma_semaphore, #tpu.memory_space<semaphore_mem>>) src(%arg14 : memref<64x128xf32, #tpu.memory_space<vmem>>) dst(%dma_wait3A_92 : memref<64x128xf32, #tpu.memory_space<vmem_shared>>)
      tpu.yield
    }) : () -> ()
    "tpu.region"() ({
      %run_scoped3A = tpu.sem_alloc : memref<!tpu.dma_semaphore, #tpu.memory_space<semaphore_mem>>
      %dma_start3A = arith.constant 0 : i32
      %dma_start3A_87 = tpu.memref_slice %arg11[%add3A_40, %dma_start3A] : memref<10240x16xf32, #tpu.memory_space<vmem_shared>> -> memref<64x16xf32, #tpu.memory_space<vmem_shared>>
      %dma_start3A_88 = arith.constant 0 : i32
      %dma_start3A_89 = tpu.memref_slice %arg11[%add3A_40, %dma_start3A_88] : memref<10240x16xf32, #tpu.memory_space<vmem_shared>> -> memref<64x16xf32, #tpu.memory_space<vmem_shared>>
      tpu.enqueue_dma source(%arg16 : memref<64x16xf32, #tpu.memory_space<vmem>>) target(%dma_start3A_89 : memref<64x16xf32, #tpu.memory_space<vmem_shared>>) target_semaphore(%run_scoped3A : memref<!tpu.dma_semaphore, #tpu.memory_space<semaphore_mem>>)
      %dma_wait3A = arith.constant 0 : i32
      %dma_wait3A_90 = tpu.memref_slice %arg11[%add3A_40, %dma_wait3A] : memref<10240x16xf32, #tpu.memory_space<vmem_shared>> -> memref<64x16xf32, #tpu.memory_space<vmem_shared>>
      %dma_wait3A_91 = arith.constant 0 : i32
      %dma_wait3A_92 = tpu.memref_slice %arg11[%add3A_40, %dma_wait3A_91] : memref<10240x16xf32, #tpu.memory_space<vmem_shared>> -> memref<64x16xf32, #tpu.memory_space<vmem_shared>>
      tpu.wait_dma2 semaphore(%run_scoped3A : memref<!tpu.dma_semaphore, #tpu.memory_space<semaphore_mem>>) src(%arg16 : memref<64x16xf32, #tpu.memory_space<vmem>>) dst(%dma_wait3A_92 : memref<64x16xf32, #tpu.memory_space<vmem_shared>>)
      tpu.yield
    }) : () -> ()
    %barrier3A = arith.constant 0 : index
    tpu.barrier barrier_id(%barrier3A)
    "tpu.region"() ({
      %run_scoped3A = tpu.sem_alloc : memref<!tpu.dma_semaphore, #tpu.memory_space<semaphore_mem>>
      %dma_start3A = arith.constant 0 : i32
      %dma_start3A_87 = arith.constant 0 : i32
      %dma_start3A_88 = tpu.memref_slice %arg3[%add3A, %dma_start3A, %dma_start3A_87] : memref<32x158x64xi32, #tpu.memory_space<hbm>> -> memref<1x158x64xi32, #tpu.memory_space<hbm>>
      %dma_start3A_89 = tpu.memref_squeeze %dma_start3A_88 : memref<1x158x64xi32, #tpu.memory_space<hbm>> -> memref<158x64xi32, #tpu.memory_space<hbm>>
      %dma_start3A_90 = arith.constant 0 : i32
      %dma_start3A_91 = arith.constant 0 : i32
      %dma_start3A_92 = tpu.memref_slice %arg3[%add3A, %dma_start3A_90, %dma_start3A_91] : memref<32x158x64xi32, #tpu.memory_space<hbm>> -> memref<1x158x64xi32, #tpu.memory_space<hbm>>
      %dma_start3A_93 = tpu.memref_squeeze %dma_start3A_92 : memref<1x158x64xi32, #tpu.memory_space<hbm>> -> memref<158x64xi32, #tpu.memory_space<hbm>>
      tpu.enqueue_dma source(%dma_start3A_93 : memref<158x64xi32, #tpu.memory_space<hbm>>) target(%arg12 : memref<158x64xi32, #tpu.memory_space<vmem>>) target_semaphore(%run_scoped3A : memref<!tpu.dma_semaphore, #tpu.memory_space<semaphore_mem>>)
      %dma_wait3A = arith.constant 0 : i32
      %dma_wait3A_94 = arith.constant 0 : i32
      %dma_wait3A_95 = tpu.memref_slice %arg3[%add3A, %dma_wait3A, %dma_wait3A_94] : memref<32x158x64xi32, #tpu.memory_space<hbm>> -> memref<1x158x64xi32, #tpu.memory_space<hbm>>
      %dma_wait3A_96 = tpu.memref_squeeze %dma_wait3A_95 : memref<1x158x64xi32, #tpu.memory_space<hbm>> -> memref<158x64xi32, #tpu.memory_space<hbm>>
      %dma_wait3A_97 = arith.constant 0 : i32
      %dma_wait3A_98 = arith.constant 0 : i32
      %dma_wait3A_99 = tpu.memref_slice %arg3[%add3A, %dma_wait3A_97, %dma_wait3A_98] : memref<32x158x64xi32, #tpu.memory_space<hbm>> -> memref<1x158x64xi32, #tpu.memory_space<hbm>>
      %dma_wait3A_100 = tpu.memref_squeeze %dma_wait3A_99 : memref<1x158x64xi32, #tpu.memory_space<hbm>> -> memref<158x64xi32, #tpu.memory_space<hbm>>
      tpu.wait_dma2 semaphore(%run_scoped3A : memref<!tpu.dma_semaphore, #tpu.memory_space<semaphore_mem>>) src(%dma_wait3A_100 : memref<158x64xi32, #tpu.memory_space<hbm>>) dst(%arg12 : memref<158x64xi32, #tpu.memory_space<vmem>>)
      tpu.yield
    }) : () -> ()
    "tpu.region"() ({
      %run_scoped3A = tpu.sem_alloc : memref<!tpu.dma_semaphore, #tpu.memory_space<semaphore_mem>>
      %dma_start3A = arith.constant 0 : i32
      %dma_start3A_87 = arith.constant 0 : i32
      %dma_start3A_88 = tpu.memref_slice %arg4[%add3A, %dma_start3A, %dma_start3A_87] : memref<32x158x64xi32, #tpu.memory_space<hbm>> -> memref<1x158x64xi32, #tpu.memory_space<hbm>>
      %dma_start3A_89 = tpu.memref_squeeze %dma_start3A_88 : memref<1x158x64xi32, #tpu.memory_space<hbm>> -> memref<158x64xi32, #tpu.memory_space<hbm>>
      %dma_start3A_90 = arith.constant 0 : i32
      %dma_start3A_91 = arith.constant 0 : i32
      %dma_start3A_92 = tpu.memref_slice %arg4[%add3A, %dma_start3A_90, %dma_start3A_91] : memref<32x158x64xi32, #tpu.memory_space<hbm>> -> memref<1x158x64xi32, #tpu.memory_space<hbm>>
      %dma_start3A_93 = tpu.memref_squeeze %dma_start3A_92 : memref<1x158x64xi32, #tpu.memory_space<hbm>> -> memref<158x64xi32, #tpu.memory_space<hbm>>
      tpu.enqueue_dma source(%dma_start3A_93 : memref<158x64xi32, #tpu.memory_space<hbm>>) target(%arg13 : memref<158x64xi32, #tpu.memory_space<vmem>>) target_semaphore(%run_scoped3A : memref<!tpu.dma_semaphore, #tpu.memory_space<semaphore_mem>>)
      %dma_wait3A = arith.constant 0 : i32
      %dma_wait3A_94 = arith.constant 0 : i32
      %dma_wait3A_95 = tpu.memref_slice %arg4[%add3A, %dma_wait3A, %dma_wait3A_94] : memref<32x158x64xi32, #tpu.memory_space<hbm>> -> memref<1x158x64xi32, #tpu.memory_space<hbm>>
      %dma_wait3A_96 = tpu.memref_squeeze %dma_wait3A_95 : memref<1x158x64xi32, #tpu.memory_space<hbm>> -> memref<158x64xi32, #tpu.memory_space<hbm>>
      %dma_wait3A_97 = arith.constant 0 : i32
      %dma_wait3A_98 = arith.constant 0 : i32
      %dma_wait3A_99 = tpu.memref_slice %arg4[%add3A, %dma_wait3A_97, %dma_wait3A_98] : memref<32x158x64xi32, #tpu.memory_space<hbm>> -> memref<1x158x64xi32, #tpu.memory_space<hbm>>
      %dma_wait3A_100 = tpu.memref_squeeze %dma_wait3A_99 : memref<1x158x64xi32, #tpu.memory_space<hbm>> -> memref<158x64xi32, #tpu.memory_space<hbm>>
      tpu.wait_dma2 semaphore(%run_scoped3A : memref<!tpu.dma_semaphore, #tpu.memory_space<semaphore_mem>>) src(%dma_wait3A_100 : memref<158x64xi32, #tpu.memory_space<hbm>>) dst(%arg13 : memref<158x64xi32, #tpu.memory_space<vmem>>)
      tpu.yield
    }) : () -> ()
    %scan3A = arith.constant 0 : i32
    %scan3A_41 = arith.constant 0 : i32
    %scan3A_42 = arith.constant 158 : i32
    %scan3A_43 = arith.addi %scan3A_41, %scan3A_42 : i32
    %scan3A_44 = arith.constant 1 : i32
    scf.for %scan3A_87 = %scan3A_41 to %scan3A_43 step %scan3A_44  : i32 {
      %dma_start3A = arith.constant 0 : i32
      %dma_start3A_88 = tpu.memref_slice %arg12[%scan3A_87, %dma_start3A] : memref<158x64xi32, #tpu.memory_space<vmem>> -> memref<1x64xi32, #tpu.memory_space<vmem>>
      %dma_start3A_89 = tpu.memref_squeeze %dma_start3A_88 : memref<1x64xi32, #tpu.memory_space<vmem>> -> memref<64xi32, #tpu.memory_space<vmem>>
      %dma_start3A_90 = arith.constant 0 : i32
      %dma_start3A_91 = arith.constant 0 : i32
      %dma_start3A_92 = tpu.memref_slice %arg2[%dma_start3A_90, %dma_start3A_91] : memref<10240x128xf32, #tpu.memory_space<hbm>> -> memref<10240x128xf32, #tpu.memory_space<hbm>>
      tpu.enqueue_indirect_dma source(%dma_start3A_92 : memref<10240x128xf32, #tpu.memory_space<hbm>>) target(%arg14 : memref<64x128xf32, #tpu.memory_space<vmem>>) offsets(%dma_start3A_89 : memref<64xi32, #tpu.memory_space<vmem>>) semaphore(%arg17 : memref<!tpu.dma_semaphore, #tpu.memory_space<semaphore_mem>>)
      %dma_wait3A = arith.constant 0 : i32
      %dma_wait3A_93 = tpu.memref_slice %arg12[%scan3A_87, %dma_wait3A] : memref<158x64xi32, #tpu.memory_space<vmem>> -> memref<1x64xi32, #tpu.memory_space<vmem>>
      %dma_wait3A_94 = tpu.memref_squeeze %dma_wait3A_93 : memref<1x64xi32, #tpu.memory_space<vmem>> -> memref<64xi32, #tpu.memory_space<vmem>>
      %dma_wait3A_95 = arith.constant 0 : i32
      %dma_wait3A_96 = arith.constant 0 : i32
      %dma_wait3A_97 = tpu.memref_slice %arg2[%dma_wait3A_95, %dma_wait3A_96] : memref<10240x128xf32, #tpu.memory_space<hbm>> -> memref<10240x128xf32, #tpu.memory_space<hbm>>
      tpu.wait_indirect_dma semaphore(%arg17 : memref<!tpu.dma_semaphore, #tpu.memory_space<semaphore_mem>>) src(%dma_wait3A_97 : memref<10240x128xf32, #tpu.memory_space<hbm>>) dst(%arg14 : memref<64x128xf32, #tpu.memory_space<vmem>>)
      "tpu.region"() ({
        %run_scoped3A = tpu.sem_alloc : memref<!tpu.dma_semaphore, #tpu.memory_space<semaphore_mem>>
        %dma_start3A_98 = arith.constant 0 : i32
        %dma_start3A_99 = tpu.memref_slice %arg13[%scan3A_87, %dma_start3A_98] : memref<158x64xi32, #tpu.memory_space<vmem>> -> memref<1x64xi32, #tpu.memory_space<vmem>>
        %dma_start3A_100 = tpu.memref_squeeze %dma_start3A_99 : memref<1x64xi32, #tpu.memory_space<vmem>> -> memref<64xi32, #tpu.memory_space<vmem>>
        %dma_start3A_101 = arith.constant 0 : i32
        %dma_start3A_102 = arith.constant 0 : i32
        %dma_start3A_103 = tpu.memref_slice %arg10[%dma_start3A_101, %dma_start3A_102] : memref<10240x128xf32, #tpu.memory_space<vmem_shared>> -> memref<10240x128xf32, #tpu.memory_space<vmem_shared>>
        tpu.enqueue_indirect_dma source(%arg14 : memref<64x128xf32, #tpu.memory_space<vmem>>) target(%dma_start3A_103 : memref<10240x128xf32, #tpu.memory_space<vmem_shared>>) offsets(%dma_start3A_100 : memref<64xi32, #tpu.memory_space<vmem>>) semaphore(%run_scoped3A : memref<!tpu.dma_semaphore, #tpu.memory_space<semaphore_mem>>) {add = true}
        %dma_wait3A_104 = arith.constant 0 : i32
        %dma_wait3A_105 = tpu.memref_slice %arg13[%scan3A_87, %dma_wait3A_104] : memref<158x64xi32, #tpu.memory_space<vmem>> -> memref<1x64xi32, #tpu.memory_space<vmem>>
        %dma_wait3A_106 = tpu.memref_squeeze %dma_wait3A_105 : memref<1x64xi32, #tpu.memory_space<vmem>> -> memref<64xi32, #tpu.memory_space<vmem>>
        %dma_wait3A_107 = arith.constant 0 : i32
        %dma_wait3A_108 = arith.constant 0 : i32
        %dma_wait3A_109 = tpu.memref_slice %arg10[%dma_wait3A_107, %dma_wait3A_108] : memref<10240x128xf32, #tpu.memory_space<vmem_shared>> -> memref<10240x128xf32, #tpu.memory_space<vmem_shared>>
        tpu.wait_indirect_dma semaphore(%run_scoped3A : memref<!tpu.dma_semaphore, #tpu.memory_space<semaphore_mem>>) src(%arg14 : memref<64x128xf32, #tpu.memory_space<vmem>>) dst(%dma_wait3A_109 : memref<10240x128xf32, #tpu.memory_space<vmem_shared>>)
        tpu.yield
      }) : () -> ()
      "tpu.region"() ({
        %run_scoped3A = tpu.sem_alloc : memref<!tpu.dma_semaphore, #tpu.memory_space<semaphore_mem>>
        %dma_start3A_98 = arith.constant 0 : i32
        %dma_start3A_99 = tpu.memref_slice %arg13[%scan3A_87, %dma_start3A_98] : memref<158x64xi32, #tpu.memory_space<vmem>> -> memref<1x64xi32, #tpu.memory_space<vmem>>
        %dma_start3A_100 = tpu.memref_squeeze %dma_start3A_99 : memref<1x64xi32, #tpu.memory_space<vmem>> -> memref<64xi32, #tpu.memory_space<vmem>>
        %dma_start3A_101 = arith.constant 0 : i32
        %dma_start3A_102 = arith.constant 0 : i32
        %dma_start3A_103 = tpu.memref_slice %arg11[%dma_start3A_101, %dma_start3A_102] : memref<10240x16xf32, #tpu.memory_space<vmem_shared>> -> memref<10240x16xf32, #tpu.memory_space<vmem_shared>>
        tpu.enqueue_indirect_dma source(%arg15 : memref<64x16xf32, #tpu.memory_space<vmem>>) target(%dma_start3A_103 : memref<10240x16xf32, #tpu.memory_space<vmem_shared>>) offsets(%dma_start3A_100 : memref<64xi32, #tpu.memory_space<vmem>>) semaphore(%run_scoped3A : memref<!tpu.dma_semaphore, #tpu.memory_space<semaphore_mem>>) {add = true}
        %dma_wait3A_104 = arith.constant 0 : i32
        %dma_wait3A_105 = tpu.memref_slice %arg13[%scan3A_87, %dma_wait3A_104] : memref<158x64xi32, #tpu.memory_space<vmem>> -> memref<1x64xi32, #tpu.memory_space<vmem>>
        %dma_wait3A_106 = tpu.memref_squeeze %dma_wait3A_105 : memref<1x64xi32, #tpu.memory_space<vmem>> -> memref<64xi32, #tpu.memory_space<vmem>>
        %dma_wait3A_107 = arith.constant 0 : i32
        %dma_wait3A_108 = arith.constant 0 : i32
        %dma_wait3A_109 = tpu.memref_slice %arg11[%dma_wait3A_107, %dma_wait3A_108] : memref<10240x16xf32, #tpu.memory_space<vmem_shared>> -> memref<10240x16xf32, #tpu.memory_space<vmem_shared>>
        tpu.wait_indirect_dma semaphore(%run_scoped3A : memref<!tpu.dma_semaphore, #tpu.memory_space<semaphore_mem>>) src(%arg15 : memref<64x16xf32, #tpu.memory_space<vmem>>) dst(%dma_wait3A_109 : memref<10240x16xf32, #tpu.memory_space<vmem_shared>>)
        tpu.yield
      }) : () -> ()
    }
    %scan3A_45 = arith.constant 158 : i32
    %barrier3A_46 = arith.constant 0 : index
    tpu.barrier barrier_id(%barrier3A_46)
    %mul3A_47 = arith.constant 640 : i32
    %mul3A_48 = arith.muli %arg1, %mul3A_47 : i32
    %add3A_49 = arith.constant 0 : i32
    %add3A_50 = arith.addi %mul3A_48, %add3A_49 : i32
    "tpu.region"() ({
      %run_scoped3A = tpu.sem_alloc : memref<!tpu.dma_semaphore, #tpu.memory_space<semaphore_mem>>
      %dma_start3A = arith.constant 0 : i32
      %dma_start3A_87 = tpu.memref_slice %arg10[%add3A_50, %dma_start3A] : memref<10240x128xf32, #tpu.memory_space<vmem_shared>> -> memref<64x128xf32, #tpu.memory_space<vmem_shared>>
      %dma_start3A_88 = arith.constant 0 : i32
      %dma_start3A_89 = tpu.memref_slice %arg10[%add3A_50, %dma_start3A_88] : memref<10240x128xf32, #tpu.memory_space<vmem_shared>> -> memref<64x128xf32, #tpu.memory_space<vmem_shared>>
      tpu.enqueue_dma source(%dma_start3A_89 : memref<64x128xf32, #tpu.memory_space<vmem_shared>>) target(%arg14 : memref<64x128xf32, #tpu.memory_space<vmem>>) target_semaphore(%run_scoped3A : memref<!tpu.dma_semaphore, #tpu.memory_space<semaphore_mem>>)
      %dma_wait3A = arith.constant 0 : i32
      %dma_wait3A_90 = tpu.memref_slice %arg10[%add3A_50, %dma_wait3A] : memref<10240x128xf32, #tpu.memory_space<vmem_shared>> -> memref<64x128xf32, #tpu.memory_space<vmem_shared>>
      %dma_wait3A_91 = arith.constant 0 : i32
      %dma_wait3A_92 = tpu.memref_slice %arg10[%add3A_50, %dma_wait3A_91] : memref<10240x128xf32, #tpu.memory_space<vmem_shared>> -> memref<64x128xf32, #tpu.memory_space<vmem_shared>>
      tpu.wait_dma2 semaphore(%run_scoped3A : memref<!tpu.dma_semaphore, #tpu.memory_space<semaphore_mem>>) src(%dma_wait3A_92 : memref<64x128xf32, #tpu.memory_space<vmem_shared>>) dst(%arg14 : memref<64x128xf32, #tpu.memory_space<vmem>>)
      tpu.yield
    }) : () -> ()
    "tpu.region"() ({
      %run_scoped3A = tpu.sem_alloc : memref<!tpu.dma_semaphore, #tpu.memory_space<semaphore_mem>>
      %dma_start3A = arith.constant 0 : i32
      %dma_start3A_87 = tpu.memref_slice %arg8[%arg0, %add3A_50, %dma_start3A] : memref<2x10240x128xf32, #tpu.memory_space<hbm>> -> memref<1x64x128xf32, #tpu.memory_space<hbm>>
      %dma_start3A_88 = tpu.memref_squeeze %dma_start3A_87 : memref<1x64x128xf32, #tpu.memory_space<hbm>> -> memref<64x128xf32, #tpu.memory_space<hbm>>
      %dma_start3A_89 = arith.constant 0 : i32
      %dma_start3A_90 = tpu.memref_slice %arg8[%arg0, %add3A_50, %dma_start3A_89] : memref<2x10240x128xf32, #tpu.memory_space<hbm>> -> memref<1x64x128xf32, #tpu.memory_space<hbm>>
      %dma_start3A_91 = tpu.memref_squeeze %dma_start3A_90 : memref<1x64x128xf32, #tpu.memory_space<hbm>> -> memref<64x128xf32, #tpu.memory_space<hbm>>
      tpu.enqueue_dma source(%arg14 : memref<64x128xf32, #tpu.memory_space<vmem>>) target(%dma_start3A_91 : memref<64x128xf32, #tpu.memory_space<hbm>>) target_semaphore(%run_scoped3A : memref<!tpu.dma_semaphore, #tpu.memory_space<semaphore_mem>>)
      %dma_wait3A = arith.constant 0 : i32
      %dma_wait3A_92 = tpu.memref_slice %arg8[%arg0, %add3A_50, %dma_wait3A] : memref<2x10240x128xf32, #tpu.memory_space<hbm>> -> memref<1x64x128xf32, #tpu.memory_space<hbm>>
      %dma_wait3A_93 = tpu.memref_squeeze %dma_wait3A_92 : memref<1x64x128xf32, #tpu.memory_space<hbm>> -> memref<64x128xf32, #tpu.memory_space<hbm>>
      %dma_wait3A_94 = arith.constant 0 : i32
      %dma_wait3A_95 = tpu.memref_slice %arg8[%arg0, %add3A_50, %dma_wait3A_94] : memref<2x10240x128xf32, #tpu.memory_space<hbm>> -> memref<1x64x128xf32, #tpu.memory_space<hbm>>
      %dma_wait3A_96 = tpu.memref_squeeze %dma_wait3A_95 : memref<1x64x128xf32, #tpu.memory_space<hbm>> -> memref<64x128xf32, #tpu.memory_space<hbm>>
      tpu.wait_dma2 semaphore(%run_scoped3A : memref<!tpu.dma_semaphore, #tpu.memory_space<semaphore_mem>>) src(%arg14 : memref<64x128xf32, #tpu.memory_space<vmem>>) dst(%dma_wait3A_96 : memref<64x128xf32, #tpu.memory_space<hbm>>)
      tpu.yield
    }) : () -> ()
    "tpu.region"() ({
      %run_scoped3A = tpu.sem_alloc : memref<!tpu.dma_semaphore, #tpu.memory_space<semaphore_mem>>
      %dma_start3A = arith.constant 0 : i32
      %dma_start3A_87 = tpu.memref_slice %arg11[%add3A_50, %dma_start3A] : memref<10240x16xf32, #tpu.memory_space<vmem_shared>> -> memref<64x16xf32, #tpu.memory_space<vmem_shared>>
      %dma_start3A_88 = arith.constant 0 : i32
      %dma_start3A_89 = tpu.memref_slice %arg11[%add3A_50, %dma_start3A_88] : memref<10240x16xf32, #tpu.memory_space<vmem_shared>> -> memref<64x16xf32, #tpu.memory_space<vmem_shared>>
      tpu.enqueue_dma source(%dma_start3A_89 : memref<64x16xf32, #tpu.memory_space<vmem_shared>>) target(%arg16 : memref<64x16xf32, #tpu.memory_space<vmem>>) target_semaphore(%run_scoped3A : memref<!tpu.dma_semaphore, #tpu.memory_space<semaphore_mem>>)
      %dma_wait3A = arith.constant 0 : i32
      %dma_wait3A_90 = tpu.memref_slice %arg11[%add3A_50, %dma_wait3A] : memref<10240x16xf32, #tpu.memory_space<vmem_shared>> -> memref<64x16xf32, #tpu.memory_space<vmem_shared>>
      %dma_wait3A_91 = arith.constant 0 : i32
      %dma_wait3A_92 = tpu.memref_slice %arg11[%add3A_50, %dma_wait3A_91] : memref<10240x16xf32, #tpu.memory_space<vmem_shared>> -> memref<64x16xf32, #tpu.memory_space<vmem_shared>>
      tpu.wait_dma2 semaphore(%run_scoped3A : memref<!tpu.dma_semaphore, #tpu.memory_space<semaphore_mem>>) src(%dma_wait3A_92 : memref<64x16xf32, #tpu.memory_space<vmem_shared>>) dst(%arg16 : memref<64x16xf32, #tpu.memory_space<vmem>>)
      tpu.yield
    }) : () -> ()
    "tpu.region"() ({
      %run_scoped3A = tpu.sem_alloc : memref<!tpu.dma_semaphore, #tpu.memory_space<semaphore_mem>>
      %dma_start3A = arith.constant 0 : i32
      %dma_start3A_87 = tpu.memref_slice %arg9[%arg0, %add3A_50, %dma_start3A] : memref<2x10240x16xf32, #tpu.memory_space<hbm>> -> memref<1x64x16xf32, #tpu.memory_space<hbm>>
      %dma_start3A_88 = tpu.memref_squeeze %dma_start3A_87 : memref<1x64x16xf32, #tpu.memory_space<hbm>> -> memref<64x16xf32, #tpu.memory_space<hbm>>
      %dma_start3A_89 = arith.constant 0 : i32
      %dma_start3A_90 = tpu.memref_slice %arg9[%arg0, %add3A_50, %dma_start3A_89] : memref<2x10240x16xf32, #tpu.memory_space<hbm>> -> memref<1x64x16xf32, #tpu.memory_space<hbm>>
      %dma_start3A_91 = tpu.memref_squeeze %dma_start3A_90 : memref<1x64x16xf32, #tpu.memory_space<hbm>> -> memref<64x16xf32, #tpu.memory_space<hbm>>
      tpu.enqueue_dma source(%arg16 : memref<64x16xf32, #tpu.memory_space<vmem>>) target(%dma_start3A_91 : memref<64x16xf32, #tpu.memory_space<hbm>>) target_semaphore(%run_scoped3A : memref<!tpu.dma_semaphore, #tpu.memory_space<semaphore_mem>>)
      %dma_wait3A = arith.constant 0 : i32
      %dma_wait3A_92 = tpu.memref_slice %arg9[%arg0, %add3A_50, %dma_wait3A] : memref<2x10240x16xf32, #tpu.memory_space<hbm>> -> memref<1x64x16xf32, #tpu.memory_space<hbm>>
      %dma_wait3A_93 = tpu.memref_squeeze %dma_wait3A_92 : memref<1x64x16xf32, #tpu.memory_space<hbm>> -> memref<64x16xf32, #tpu.memory_space<hbm>>
      %dma_wait3A_94 = arith.constant 0 : i32
      %dma_wait3A_95 = tpu.memref_slice %arg9[%arg0, %add3A_50, %dma_wait3A_94] : memref<2x10240x16xf32, #tpu.memory_space<hbm>> -> memref<1x64x16xf32, #tpu.memory_space<hbm>>
      %dma_wait3A_96 = tpu.memref_squeeze %dma_wait3A_95 : memref<1x64x16xf32, #tpu.memory_space<hbm>> -> memref<64x16xf32, #tpu.memory_space<hbm>>
      tpu.wait_dma2 semaphore(%run_scoped3A : memref<!tpu.dma_semaphore, #tpu.memory_space<semaphore_mem>>) src(%arg16 : memref<64x16xf32, #tpu.memory_space<vmem>>) dst(%dma_wait3A_96 : memref<64x16xf32, #tpu.memory_space<hbm>>)
      tpu.yield
    }) : () -> ()
    %mul3A_51 = arith.constant 640 : i32
    %mul3A_52 = arith.muli %arg1, %mul3A_51 : i32
    %add3A_53 = arith.constant 64 : i32
    %add3A_54 = arith.addi %mul3A_52, %add3A_53 : i32
    "tpu.region"() ({
      %run_scoped3A = tpu.sem_alloc : memref<!tpu.dma_semaphore, #tpu.memory_space<semaphore_mem>>
      %dma_start3A = arith.constant 0 : i32
      %dma_start3A_87 = tpu.memref_slice %arg10[%add3A_54, %dma_start3A] : memref<10240x128xf32, #tpu.memory_space<vmem_shared>> -> memref<64x128xf32, #tpu.memory_space<vmem_shared>>
      %dma_start3A_88 = arith.constant 0 : i32
      %dma_start3A_89 = tpu.memref_slice %arg10[%add3A_54, %dma_start3A_88] : memref<10240x128xf32, #tpu.memory_space<vmem_shared>> -> memref<64x128xf32, #tpu.memory_space<vmem_shared>>
      tpu.enqueue_dma source(%dma_start3A_89 : memref<64x128xf32, #tpu.memory_space<vmem_shared>>) target(%arg14 : memref<64x128xf32, #tpu.memory_space<vmem>>) target_semaphore(%run_scoped3A : memref<!tpu.dma_semaphore, #tpu.memory_space<semaphore_mem>>)
      %dma_wait3A = arith.constant 0 : i32
      %dma_wait3A_90 = tpu.memref_slice %arg10[%add3A_54, %dma_wait3A] : memref<10240x128xf32, #tpu.memory_space<vmem_shared>> -> memref<64x128xf32, #tpu.memory_space<vmem_shared>>
      %dma_wait3A_91 = arith.constant 0 : i32
      %dma_wait3A_92 = tpu.memref_slice %arg10[%add3A_54, %dma_wait3A_91] : memref<10240x128xf32, #tpu.memory_space<vmem_shared>> -> memref<64x128xf32, #tpu.memory_space<vmem_shared>>
      tpu.wait_dma2 semaphore(%run_scoped3A : memref<!tpu.dma_semaphore, #tpu.memory_space<semaphore_mem>>) src(%dma_wait3A_92 : memref<64x128xf32, #tpu.memory_space<vmem_shared>>) dst(%arg14 : memref<64x128xf32, #tpu.memory_space<vmem>>)
      tpu.yield
    }) : () -> ()
    "tpu.region"() ({
      %run_scoped3A = tpu.sem_alloc : memref<!tpu.dma_semaphore, #tpu.memory_space<semaphore_mem>>
      %dma_start3A = arith.constant 0 : i32
      %dma_start3A_87 = tpu.memref_slice %arg8[%arg0, %add3A_54, %dma_start3A] : memref<2x10240x128xf32, #tpu.memory_space<hbm>> -> memref<1x64x128xf32, #tpu.memory_space<hbm>>
      %dma_start3A_88 = tpu.memref_squeeze %dma_start3A_87 : memref<1x64x128xf32, #tpu.memory_space<hbm>> -> memref<64x128xf32, #tpu.memory_space<hbm>>
      %dma_start3A_89 = arith.constant 0 : i32
      %dma_start3A_90 = tpu.memref_slice %arg8[%arg0, %add3A_54, %dma_start3A_89] : memref<2x10240x128xf32, #tpu.memory_space<hbm>> -> memref<1x64x128xf32, #tpu.memory_space<hbm>>
      %dma_start3A_91 = tpu.memref_squeeze %dma_start3A_90 : memref<1x64x128xf32, #tpu.memory_space<hbm>> -> memref<64x128xf32, #tpu.memory_space<hbm>>
      tpu.enqueue_dma source(%arg14 : memref<64x128xf32, #tpu.memory_space<vmem>>) target(%dma_start3A_91 : memref<64x128xf32, #tpu.memory_space<hbm>>) target_semaphore(%run_scoped3A : memref<!tpu.dma_semaphore, #tpu.memory_space<semaphore_mem>>)
      %dma_wait3A = arith.constant 0 : i32
      %dma_wait3A_92 = tpu.memref_slice %arg8[%arg0, %add3A_54, %dma_wait3A] : memref<2x10240x128xf32, #tpu.memory_space<hbm>> -> memref<1x64x128xf32, #tpu.memory_space<hbm>>
      %dma_wait3A_93 = tpu.memref_squeeze %dma_wait3A_92 : memref<1x64x128xf32, #tpu.memory_space<hbm>> -> memref<64x128xf32, #tpu.memory_space<hbm>>
      %dma_wait3A_94 = arith.constant 0 : i32
      %dma_wait3A_95 = tpu.memref_slice %arg8[%arg0, %add3A_54, %dma_wait3A_94] : memref<2x10240x128xf32, #tpu.memory_space<hbm>> -> memref<1x64x128xf32, #tpu.memory_space<hbm>>
      %dma_wait3A_96 = tpu.memref_squeeze %dma_wait3A_95 : memref<1x64x128xf32, #tpu.memory_space<hbm>> -> memref<64x128xf32, #tpu.memory_space<hbm>>
      tpu.wait_dma2 semaphore(%run_scoped3A : memref<!tpu.dma_semaphore, #tpu.memory_space<semaphore_mem>>) src(%arg14 : memref<64x128xf32, #tpu.memory_space<vmem>>) dst(%dma_wait3A_96 : memref<64x128xf32, #tpu.memory_space<hbm>>)
      tpu.yield
    }) : () -> ()
    "tpu.region"() ({
      %run_scoped3A = tpu.sem_alloc : memref<!tpu.dma_semaphore, #tpu.memory_space<semaphore_mem>>
      %dma_start3A = arith.constant 0 : i32
      %dma_start3A_87 = tpu.memref_slice %arg11[%add3A_54, %dma_start3A] : memref<10240x16xf32, #tpu.memory_space<vmem_shared>> -> memref<64x16xf32, #tpu.memory_space<vmem_shared>>
      %dma_start3A_88 = arith.constant 0 : i32
      %dma_start3A_89 = tpu.memref_slice %arg11[%add3A_54, %dma_start3A_88] : memref<10240x16xf32, #tpu.memory_space<vmem_shared>> -> memref<64x16xf32, #tpu.memory_space<vmem_shared>>
      tpu.enqueue_dma source(%dma_start3A_89 : memref<64x16xf32, #tpu.memory_space<vmem_shared>>) target(%arg16 : memref<64x16xf32, #tpu.memory_space<vmem>>) target_semaphore(%run_scoped3A : memref<!tpu.dma_semaphore, #tpu.memory_space<semaphore_mem>>)
      %dma_wait3A = arith.constant 0 : i32
      %dma_wait3A_90 = tpu.memref_slice %arg11[%add3A_54, %dma_wait3A] : memref<10240x16xf32, #tpu.memory_space<vmem_shared>> -> memref<64x16xf32, #tpu.memory_space<vmem_shared>>
      %dma_wait3A_91 = arith.constant 0 : i32
      %dma_wait3A_92 = tpu.memref_slice %arg11[%add3A_54, %dma_wait3A_91] : memref<10240x16xf32, #tpu.memory_space<vmem_shared>> -> memref<64x16xf32, #tpu.memory_space<vmem_shared>>
      tpu.wait_dma2 semaphore(%run_scoped3A : memref<!tpu.dma_semaphore, #tpu.memory_space<semaphore_mem>>) src(%dma_wait3A_92 : memref<64x16xf32, #tpu.memory_space<vmem_shared>>) dst(%arg16 : memref<64x16xf32, #tpu.memory_space<vmem>>)
      tpu.yield
    }) : () -> ()
    "tpu.region"() ({
      %run_scoped3A = tpu.sem_alloc : memref<!tpu.dma_semaphore, #tpu.memory_space<semaphore_mem>>
      %dma_start3A = arith.constant 0 : i32
      %dma_start3A_87 = tpu.memref_slice %arg9[%arg0, %add3A_54, %dma_start3A] : memref<2x10240x16xf32, #tpu.memory_space<hbm>> -> memref<1x64x16xf32, #tpu.memory_space<hbm>>
      %dma_start3A_88 = tpu.memref_squeeze %dma_start3A_87 : memref<1x64x16xf32, #tpu.memory_space<hbm>> -> memref<64x16xf32, #tpu.memory_space<hbm>>
      %dma_start3A_89 = arith.constant 0 : i32
      %dma_start3A_90 = tpu.memref_slice %arg9[%arg0, %add3A_54, %dma_start3A_89] : memref<2x10240x16xf32, #tpu.memory_space<hbm>> -> memref<1x64x16xf32, #tpu.memory_space<hbm>>
      %dma_start3A_91 = tpu.memref_squeeze %dma_start3A_90 : memref<1x64x16xf32, #tpu.memory_space<hbm>> -> memref<64x16xf32, #tpu.memory_space<hbm>>
      tpu.enqueue_dma source(%arg16 : memref<64x16xf32, #tpu.memory_space<vmem>>) target(%dma_start3A_91 : memref<64x16xf32, #tpu.memory_space<hbm>>) target_semaphore(%run_scoped3A : memref<!tpu.dma_semaphore, #tpu.memory_space<semaphore_mem>>)
      %dma_wait3A = arith.constant 0 : i32
      %dma_wait3A_92 = tpu.memref_slice %arg9[%arg0, %add3A_54, %dma_wait3A] : memref<2x10240x16xf32, #tpu.memory_space<hbm>> -> memref<1x64x16xf32, #tpu.memory_space<hbm>>
      %dma_wait3A_93 = tpu.memref_squeeze %dma_wait3A_92 : memref<1x64x16xf32, #tpu.memory_space<hbm>> -> memref<64x16xf32, #tpu.memory_space<hbm>>
      %dma_wait3A_94 = arith.constant 0 : i32
      %dma_wait3A_95 = tpu.memref_slice %arg9[%arg0, %add3A_54, %dma_wait3A_94] : memref<2x10240x16xf32, #tpu.memory_space<hbm>> -> memref<1x64x16xf32, #tpu.memory_space<hbm>>
      %dma_wait3A_96 = tpu.memref_squeeze %dma_wait3A_95 : memref<1x64x16xf32, #tpu.memory_space<hbm>> -> memref<64x16xf32, #tpu.memory_space<hbm>>
      tpu.wait_dma2 semaphore(%run_scoped3A : memref<!tpu.dma_semaphore, #tpu.memory_space<semaphore_mem>>) src(%arg16 : memref<64x16xf32, #tpu.memory_space<vmem>>) dst(%dma_wait3A_96 : memref<64x16xf32, #tpu.memory_space<hbm>>)
      tpu.yield
    }) : () -> ()
    %mul3A_55 = arith.constant 640 : i32
    %mul3A_56 = arith.muli %arg1, %mul3A_55 : i32
    %add3A_57 = arith.constant 128 : i32
    %add3A_58 = arith.addi %mul3A_56, %add3A_57 : i32
    "tpu.region"() ({
      %run_scoped3A = tpu.sem_alloc : memref<!tpu.dma_semaphore, #tpu.memory_space<semaphore_mem>>
      %dma_start3A = arith.constant 0 : i32
      %dma_start3A_87 = tpu.memref_slice %arg10[%add3A_58, %dma_start3A] : memref<10240x128xf32, #tpu.memory_space<vmem_shared>> -> memref<64x128xf32, #tpu.memory_space<vmem_shared>>
      %dma_start3A_88 = arith.constant 0 : i32
      %dma_start3A_89 = tpu.memref_slice %arg10[%add3A_58, %dma_start3A_88] : memref<10240x128xf32, #tpu.memory_space<vmem_shared>> -> memref<64x128xf32, #tpu.memory_space<vmem_shared>>
      tpu.enqueue_dma source(%dma_start3A_89 : memref<64x128xf32, #tpu.memory_space<vmem_shared>>) target(%arg14 : memref<64x128xf32, #tpu.memory_space<vmem>>) target_semaphore(%run_scoped3A : memref<!tpu.dma_semaphore, #tpu.memory_space<semaphore_mem>>)
      %dma_wait3A = arith.constant 0 : i32
      %dma_wait3A_90 = tpu.memref_slice %arg10[%add3A_58, %dma_wait3A] : memref<10240x128xf32, #tpu.memory_space<vmem_shared>> -> memref<64x128xf32, #tpu.memory_space<vmem_shared>>
      %dma_wait3A_91 = arith.constant 0 : i32
      %dma_wait3A_92 = tpu.memref_slice %arg10[%add3A_58, %dma_wait3A_91] : memref<10240x128xf32, #tpu.memory_space<vmem_shared>> -> memref<64x128xf32, #tpu.memory_space<vmem_shared>>
      tpu.wait_dma2 semaphore(%run_scoped3A : memref<!tpu.dma_semaphore, #tpu.memory_space<semaphore_mem>>) src(%dma_wait3A_92 : memref<64x128xf32, #tpu.memory_space<vmem_shared>>) dst(%arg14 : memref<64x128xf32, #tpu.memory_space<vmem>>)
      tpu.yield
    }) : () -> ()
    "tpu.region"() ({
      %run_scoped3A = tpu.sem_alloc : memref<!tpu.dma_semaphore, #tpu.memory_space<semaphore_mem>>
      %dma_start3A = arith.constant 0 : i32
      %dma_start3A_87 = tpu.memref_slice %arg8[%arg0, %add3A_58, %dma_start3A] : memref<2x10240x128xf32, #tpu.memory_space<hbm>> -> memref<1x64x128xf32, #tpu.memory_space<hbm>>
      %dma_start3A_88 = tpu.memref_squeeze %dma_start3A_87 : memref<1x64x128xf32, #tpu.memory_space<hbm>> -> memref<64x128xf32, #tpu.memory_space<hbm>>
      %dma_start3A_89 = arith.constant 0 : i32
      %dma_start3A_90 = tpu.memref_slice %arg8[%arg0, %add3A_58, %dma_start3A_89] : memref<2x10240x128xf32, #tpu.memory_space<hbm>> -> memref<1x64x128xf32, #tpu.memory_space<hbm>>
      %dma_start3A_91 = tpu.memref_squeeze %dma_start3A_90 : memref<1x64x128xf32, #tpu.memory_space<hbm>> -> memref<64x128xf32, #tpu.memory_space<hbm>>
      tpu.enqueue_dma source(%arg14 : memref<64x128xf32, #tpu.memory_space<vmem>>) target(%dma_start3A_91 : memref<64x128xf32, #tpu.memory_space<hbm>>) target_semaphore(%run_scoped3A : memref<!tpu.dma_semaphore, #tpu.memory_space<semaphore_mem>>)
      %dma_wait3A = arith.constant 0 : i32
      %dma_wait3A_92 = tpu.memref_slice %arg8[%arg0, %add3A_58, %dma_wait3A] : memref<2x10240x128xf32, #tpu.memory_space<hbm>> -> memref<1x64x128xf32, #tpu.memory_space<hbm>>
      %dma_wait3A_93 = tpu.memref_squeeze %dma_wait3A_92 : memref<1x64x128xf32, #tpu.memory_space<hbm>> -> memref<64x128xf32, #tpu.memory_space<hbm>>
      %dma_wait3A_94 = arith.constant 0 : i32
      %dma_wait3A_95 = tpu.memref_slice %arg8[%arg0, %add3A_58, %dma_wait3A_94] : memref<2x10240x128xf32, #tpu.memory_space<hbm>> -> memref<1x64x128xf32, #tpu.memory_space<hbm>>
      %dma_wait3A_96 = tpu.memref_squeeze %dma_wait3A_95 : memref<1x64x128xf32, #tpu.memory_space<hbm>> -> memref<64x128xf32, #tpu.memory_space<hbm>>
      tpu.wait_dma2 semaphore(%run_scoped3A : memref<!tpu.dma_semaphore, #tpu.memory_space<semaphore_mem>>) src(%arg14 : memref<64x128xf32, #tpu.memory_space<vmem>>) dst(%dma_wait3A_96 : memref<64x128xf32, #tpu.memory_space<hbm>>)
      tpu.yield
    }) : () -> ()
    "tpu.region"() ({
      %run_scoped3A = tpu.sem_alloc : memref<!tpu.dma_semaphore, #tpu.memory_space<semaphore_mem>>
      %dma_start3A = arith.constant 0 : i32
      %dma_start3A_87 = tpu.memref_slice %arg11[%add3A_58, %dma_start3A] : memref<10240x16xf32, #tpu.memory_space<vmem_shared>> -> memref<64x16xf32, #tpu.memory_space<vmem_shared>>
      %dma_start3A_88 = arith.constant 0 : i32
      %dma_start3A_89 = tpu.memref_slice %arg11[%add3A_58, %dma_start3A_88] : memref<10240x16xf32, #tpu.memory_space<vmem_shared>> -> memref<64x16xf32, #tpu.memory_space<vmem_shared>>
      tpu.enqueue_dma source(%dma_start3A_89 : memref<64x16xf32, #tpu.memory_space<vmem_shared>>) target(%arg16 : memref<64x16xf32, #tpu.memory_space<vmem>>) target_semaphore(%run_scoped3A : memref<!tpu.dma_semaphore, #tpu.memory_space<semaphore_mem>>)
      %dma_wait3A = arith.constant 0 : i32
      %dma_wait3A_90 = tpu.memref_slice %arg11[%add3A_58, %dma_wait3A] : memref<10240x16xf32, #tpu.memory_space<vmem_shared>> -> memref<64x16xf32, #tpu.memory_space<vmem_shared>>
      %dma_wait3A_91 = arith.constant 0 : i32
      %dma_wait3A_92 = tpu.memref_slice %arg11[%add3A_58, %dma_wait3A_91] : memref<10240x16xf32, #tpu.memory_space<vmem_shared>> -> memref<64x16xf32, #tpu.memory_space<vmem_shared>>
      tpu.wait_dma2 semaphore(%run_scoped3A : memref<!tpu.dma_semaphore, #tpu.memory_space<semaphore_mem>>) src(%dma_wait3A_92 : memref<64x16xf32, #tpu.memory_space<vmem_shared>>) dst(%arg16 : memref<64x16xf32, #tpu.memory_space<vmem>>)
      tpu.yield
    }) : () -> ()
    "tpu.region"() ({
      %run_scoped3A = tpu.sem_alloc : memref<!tpu.dma_semaphore, #tpu.memory_space<semaphore_mem>>
      %dma_start3A = arith.constant 0 : i32
      %dma_start3A_87 = tpu.memref_slice %arg9[%arg0, %add3A_58, %dma_start3A] : memref<2x10240x16xf32, #tpu.memory_space<hbm>> -> memref<1x64x16xf32, #tpu.memory_space<hbm>>
      %dma_start3A_88 = tpu.memref_squeeze %dma_start3A_87 : memref<1x64x16xf32, #tpu.memory_space<hbm>> -> memref<64x16xf32, #tpu.memory_space<hbm>>
      %dma_start3A_89 = arith.constant 0 : i32
      %dma_start3A_90 = tpu.memref_slice %arg9[%arg0, %add3A_58, %dma_start3A_89] : memref<2x10240x16xf32, #tpu.memory_space<hbm>> -> memref<1x64x16xf32, #tpu.memory_space<hbm>>
      %dma_start3A_91 = tpu.memref_squeeze %dma_start3A_90 : memref<1x64x16xf32, #tpu.memory_space<hbm>> -> memref<64x16xf32, #tpu.memory_space<hbm>>
      tpu.enqueue_dma source(%arg16 : memref<64x16xf32, #tpu.memory_space<vmem>>) target(%dma_start3A_91 : memref<64x16xf32, #tpu.memory_space<hbm>>) target_semaphore(%run_scoped3A : memref<!tpu.dma_semaphore, #tpu.memory_space<semaphore_mem>>)
      %dma_wait3A = arith.constant 0 : i32
      %dma_wait3A_92 = tpu.memref_slice %arg9[%arg0, %add3A_58, %dma_wait3A] : memref<2x10240x16xf32, #tpu.memory_space<hbm>> -> memref<1x64x16xf32, #tpu.memory_space<hbm>>
      %dma_wait3A_93 = tpu.memref_squeeze %dma_wait3A_92 : memref<1x64x16xf32, #tpu.memory_space<hbm>> -> memref<64x16xf32, #tpu.memory_space<hbm>>
      %dma_wait3A_94 = arith.constant 0 : i32
      %dma_wait3A_95 = tpu.memref_slice %arg9[%arg0, %add3A_58, %dma_wait3A_94] : memref<2x10240x16xf32, #tpu.memory_space<hbm>> -> memref<1x64x16xf32, #tpu.memory_space<hbm>>
      %dma_wait3A_96 = tpu.memref_squeeze %dma_wait3A_95 : memref<1x64x16xf32, #tpu.memory_space<hbm>> -> memref<64x16xf32, #tpu.memory_space<hbm>>
      tpu.wait_dma2 semaphore(%run_scoped3A : memref<!tpu.dma_semaphore, #tpu.memory_space<semaphore_mem>>) src(%arg16 : memref<64x16xf32, #tpu.memory_space<vmem>>) dst(%dma_wait3A_96 : memref<64x16xf32, #tpu.memory_space<hbm>>)
      tpu.yield
    }) : () -> ()
    %mul3A_59 = arith.constant 640 : i32
    %mul3A_60 = arith.muli %arg1, %mul3A_59 : i32
    %add3A_61 = arith.constant 192 : i32
    %add3A_62 = arith.addi %mul3A_60, %add3A_61 : i32
    "tpu.region"() ({
      %run_scoped3A = tpu.sem_alloc : memref<!tpu.dma_semaphore, #tpu.memory_space<semaphore_mem>>
      %dma_start3A = arith.constant 0 : i32
      %dma_start3A_87 = tpu.memref_slice %arg10[%add3A_62, %dma_start3A] : memref<10240x128xf32, #tpu.memory_space<vmem_shared>> -> memref<64x128xf32, #tpu.memory_space<vmem_shared>>
      %dma_start3A_88 = arith.constant 0 : i32
      %dma_start3A_89 = tpu.memref_slice %arg10[%add3A_62, %dma_start3A_88] : memref<10240x128xf32, #tpu.memory_space<vmem_shared>> -> memref<64x128xf32, #tpu.memory_space<vmem_shared>>
      tpu.enqueue_dma source(%dma_start3A_89 : memref<64x128xf32, #tpu.memory_space<vmem_shared>>) target(%arg14 : memref<64x128xf32, #tpu.memory_space<vmem>>) target_semaphore(%run_scoped3A : memref<!tpu.dma_semaphore, #tpu.memory_space<semaphore_mem>>)
      %dma_wait3A = arith.constant 0 : i32
      %dma_wait3A_90 = tpu.memref_slice %arg10[%add3A_62, %dma_wait3A] : memref<10240x128xf32, #tpu.memory_space<vmem_shared>> -> memref<64x128xf32, #tpu.memory_space<vmem_shared>>
      %dma_wait3A_91 = arith.constant 0 : i32
      %dma_wait3A_92 = tpu.memref_slice %arg10[%add3A_62, %dma_wait3A_91] : memref<10240x128xf32, #tpu.memory_space<vmem_shared>> -> memref<64x128xf32, #tpu.memory_space<vmem_shared>>
      tpu.wait_dma2 semaphore(%run_scoped3A : memref<!tpu.dma_semaphore, #tpu.memory_space<semaphore_mem>>) src(%dma_wait3A_92 : memref<64x128xf32, #tpu.memory_space<vmem_shared>>) dst(%arg14 : memref<64x128xf32, #tpu.memory_space<vmem>>)
      tpu.yield
    }) : () -> ()
    "tpu.region"() ({
      %run_scoped3A = tpu.sem_alloc : memref<!tpu.dma_semaphore, #tpu.memory_space<semaphore_mem>>
      %dma_start3A = arith.constant 0 : i32
      %dma_start3A_87 = tpu.memref_slice %arg8[%arg0, %add3A_62, %dma_start3A] : memref<2x10240x128xf32, #tpu.memory_space<hbm>> -> memref<1x64x128xf32, #tpu.memory_space<hbm>>
      %dma_start3A_88 = tpu.memref_squeeze %dma_start3A_87 : memref<1x64x128xf32, #tpu.memory_space<hbm>> -> memref<64x128xf32, #tpu.memory_space<hbm>>
      %dma_start3A_89 = arith.constant 0 : i32
      %dma_start3A_90 = tpu.memref_slice %arg8[%arg0, %add3A_62, %dma_start3A_89] : memref<2x10240x128xf32, #tpu.memory_space<hbm>> -> memref<1x64x128xf32, #tpu.memory_space<hbm>>
      %dma_start3A_91 = tpu.memref_squeeze %dma_start3A_90 : memref<1x64x128xf32, #tpu.memory_space<hbm>> -> memref<64x128xf32, #tpu.memory_space<hbm>>
      tpu.enqueue_dma source(%arg14 : memref<64x128xf32, #tpu.memory_space<vmem>>) target(%dma_start3A_91 : memref<64x128xf32, #tpu.memory_space<hbm>>) target_semaphore(%run_scoped3A : memref<!tpu.dma_semaphore, #tpu.memory_space<semaphore_mem>>)
      %dma_wait3A = arith.constant 0 : i32
      %dma_wait3A_92 = tpu.memref_slice %arg8[%arg0, %add3A_62, %dma_wait3A] : memref<2x10240x128xf32, #tpu.memory_space<hbm>> -> memref<1x64x128xf32, #tpu.memory_space<hbm>>
      %dma_wait3A_93 = tpu.memref_squeeze %dma_wait3A_92 : memref<1x64x128xf32, #tpu.memory_space<hbm>> -> memref<64x128xf32, #tpu.memory_space<hbm>>
      %dma_wait3A_94 = arith.constant 0 : i32
      %dma_wait3A_95 = tpu.memref_slice %arg8[%arg0, %add3A_62, %dma_wait3A_94] : memref<2x10240x128xf32, #tpu.memory_space<hbm>> -> memref<1x64x128xf32, #tpu.memory_space<hbm>>
      %dma_wait3A_96 = tpu.memref_squeeze %dma_wait3A_95 : memref<1x64x128xf32, #tpu.memory_space<hbm>> -> memref<64x128xf32, #tpu.memory_space<hbm>>
      tpu.wait_dma2 semaphore(%run_scoped3A : memref<!tpu.dma_semaphore, #tpu.memory_space<semaphore_mem>>) src(%arg14 : memref<64x128xf32, #tpu.memory_space<vmem>>) dst(%dma_wait3A_96 : memref<64x128xf32, #tpu.memory_space<hbm>>)
      tpu.yield
    }) : () -> ()
    "tpu.region"() ({
      %run_scoped3A = tpu.sem_alloc : memref<!tpu.dma_semaphore, #tpu.memory_space<semaphore_mem>>
      %dma_start3A = arith.constant 0 : i32
      %dma_start3A_87 = tpu.memref_slice %arg11[%add3A_62, %dma_start3A] : memref<10240x16xf32, #tpu.memory_space<vmem_shared>> -> memref<64x16xf32, #tpu.memory_space<vmem_shared>>
      %dma_start3A_88 = arith.constant 0 : i32
      %dma_start3A_89 = tpu.memref_slice %arg11[%add3A_62, %dma_start3A_88] : memref<10240x16xf32, #tpu.memory_space<vmem_shared>> -> memref<64x16xf32, #tpu.memory_space<vmem_shared>>
      tpu.enqueue_dma source(%dma_start3A_89 : memref<64x16xf32, #tpu.memory_space<vmem_shared>>) target(%arg16 : memref<64x16xf32, #tpu.memory_space<vmem>>) target_semaphore(%run_scoped3A : memref<!tpu.dma_semaphore, #tpu.memory_space<semaphore_mem>>)
      %dma_wait3A = arith.constant 0 : i32
      %dma_wait3A_90 = tpu.memref_slice %arg11[%add3A_62, %dma_wait3A] : memref<10240x16xf32, #tpu.memory_space<vmem_shared>> -> memref<64x16xf32, #tpu.memory_space<vmem_shared>>
      %dma_wait3A_91 = arith.constant 0 : i32
      %dma_wait3A_92 = tpu.memref_slice %arg11[%add3A_62, %dma_wait3A_91] : memref<10240x16xf32, #tpu.memory_space<vmem_shared>> -> memref<64x16xf32, #tpu.memory_space<vmem_shared>>
      tpu.wait_dma2 semaphore(%run_scoped3A : memref<!tpu.dma_semaphore, #tpu.memory_space<semaphore_mem>>) src(%dma_wait3A_92 : memref<64x16xf32, #tpu.memory_space<vmem_shared>>) dst(%arg16 : memref<64x16xf32, #tpu.memory_space<vmem>>)
      tpu.yield
    }) : () -> ()
    "tpu.region"() ({
      %run_scoped3A = tpu.sem_alloc : memref<!tpu.dma_semaphore, #tpu.memory_space<semaphore_mem>>
      %dma_start3A = arith.constant 0 : i32
      %dma_start3A_87 = tpu.memref_slice %arg9[%arg0, %add3A_62, %dma_start3A] : memref<2x10240x16xf32, #tpu.memory_space<hbm>> -> memref<1x64x16xf32, #tpu.memory_space<hbm>>
      %dma_start3A_88 = tpu.memref_squeeze %dma_start3A_87 : memref<1x64x16xf32, #tpu.memory_space<hbm>> -> memref<64x16xf32, #tpu.memory_space<hbm>>
      %dma_start3A_89 = arith.constant 0 : i32
      %dma_start3A_90 = tpu.memref_slice %arg9[%arg0, %add3A_62, %dma_start3A_89] : memref<2x10240x16xf32, #tpu.memory_space<hbm>> -> memref<1x64x16xf32, #tpu.memory_space<hbm>>
      %dma_start3A_91 = tpu.memref_squeeze %dma_start3A_90 : memref<1x64x16xf32, #tpu.memory_space<hbm>> -> memref<64x16xf32, #tpu.memory_space<hbm>>
      tpu.enqueue_dma source(%arg16 : memref<64x16xf32, #tpu.memory_space<vmem>>) target(%dma_start3A_91 : memref<64x16xf32, #tpu.memory_space<hbm>>) target_semaphore(%run_scoped3A : memref<!tpu.dma_semaphore, #tpu.memory_space<semaphore_mem>>)
      %dma_wait3A = arith.constant 0 : i32
      %dma_wait3A_92 = tpu.memref_slice %arg9[%arg0, %add3A_62, %dma_wait3A] : memref<2x10240x16xf32, #tpu.memory_space<hbm>> -> memref<1x64x16xf32, #tpu.memory_space<hbm>>
      %dma_wait3A_93 = tpu.memref_squeeze %dma_wait3A_92 : memref<1x64x16xf32, #tpu.memory_space<hbm>> -> memref<64x16xf32, #tpu.memory_space<hbm>>
      %dma_wait3A_94 = arith.constant 0 : i32
      %dma_wait3A_95 = tpu.memref_slice %arg9[%arg0, %add3A_62, %dma_wait3A_94] : memref<2x10240x16xf32, #tpu.memory_space<hbm>> -> memref<1x64x16xf32, #tpu.memory_space<hbm>>
      %dma_wait3A_96 = tpu.memref_squeeze %dma_wait3A_95 : memref<1x64x16xf32, #tpu.memory_space<hbm>> -> memref<64x16xf32, #tpu.memory_space<hbm>>
      tpu.wait_dma2 semaphore(%run_scoped3A : memref<!tpu.dma_semaphore, #tpu.memory_space<semaphore_mem>>) src(%arg16 : memref<64x16xf32, #tpu.memory_space<vmem>>) dst(%dma_wait3A_96 : memref<64x16xf32, #tpu.memory_space<hbm>>)
      tpu.yield
    }) : () -> ()
    %mul3A_63 = arith.constant 640 : i32
    %mul3A_64 = arith.muli %arg1, %mul3A_63 : i32
    %add3A_65 = arith.constant 256 : i32
    %add3A_66 = arith.addi %mul3A_64, %add3A_65 : i32
    "tpu.region"() ({
      %run_scoped3A = tpu.sem_alloc : memref<!tpu.dma_semaphore, #tpu.memory_space<semaphore_mem>>
      %dma_start3A = arith.constant 0 : i32
      %dma_start3A_87 = tpu.memref_slice %arg10[%add3A_66, %dma_start3A] : memref<10240x128xf32, #tpu.memory_space<vmem_shared>> -> memref<64x128xf32, #tpu.memory_space<vmem_shared>>
      %dma_start3A_88 = arith.constant 0 : i32
      %dma_start3A_89 = tpu.memref_slice %arg10[%add3A_66, %dma_start3A_88] : memref<10240x128xf32, #tpu.memory_space<vmem_shared>> -> memref<64x128xf32, #tpu.memory_space<vmem_shared>>
      tpu.enqueue_dma source(%dma_start3A_89 : memref<64x128xf32, #tpu.memory_space<vmem_shared>>) target(%arg14 : memref<64x128xf32, #tpu.memory_space<vmem>>) target_semaphore(%run_scoped3A : memref<!tpu.dma_semaphore, #tpu.memory_space<semaphore_mem>>)
      %dma_wait3A = arith.constant 0 : i32
      %dma_wait3A_90 = tpu.memref_slice %arg10[%add3A_66, %dma_wait3A] : memref<10240x128xf32, #tpu.memory_space<vmem_shared>> -> memref<64x128xf32, #tpu.memory_space<vmem_shared>>
      %dma_wait3A_91 = arith.constant 0 : i32
      %dma_wait3A_92 = tpu.memref_slice %arg10[%add3A_66, %dma_wait3A_91] : memref<10240x128xf32, #tpu.memory_space<vmem_shared>> -> memref<64x128xf32, #tpu.memory_space<vmem_shared>>
      tpu.wait_dma2 semaphore(%run_scoped3A : memref<!tpu.dma_semaphore, #tpu.memory_space<semaphore_mem>>) src(%dma_wait3A_92 : memref<64x128xf32, #tpu.memory_space<vmem_shared>>) dst(%arg14 : memref<64x128xf32, #tpu.memory_space<vmem>>)
      tpu.yield
    }) : () -> ()
    "tpu.region"() ({
      %run_scoped3A = tpu.sem_alloc : memref<!tpu.dma_semaphore, #tpu.memory_space<semaphore_mem>>
      %dma_start3A = arith.constant 0 : i32
      %dma_start3A_87 = tpu.memref_slice %arg8[%arg0, %add3A_66, %dma_start3A] : memref<2x10240x128xf32, #tpu.memory_space<hbm>> -> memref<1x64x128xf32, #tpu.memory_space<hbm>>
      %dma_start3A_88 = tpu.memref_squeeze %dma_start3A_87 : memref<1x64x128xf32, #tpu.memory_space<hbm>> -> memref<64x128xf32, #tpu.memory_space<hbm>>
      %dma_start3A_89 = arith.constant 0 : i32
      %dma_start3A_90 = tpu.memref_slice %arg8[%arg0, %add3A_66, %dma_start3A_89] : memref<2x10240x128xf32, #tpu.memory_space<hbm>> -> memref<1x64x128xf32, #tpu.memory_space<hbm>>
      %dma_start3A_91 = tpu.memref_squeeze %dma_start3A_90 : memref<1x64x128xf32, #tpu.memory_space<hbm>> -> memref<64x128xf32, #tpu.memory_space<hbm>>
      tpu.enqueue_dma source(%arg14 : memref<64x128xf32, #tpu.memory_space<vmem>>) target(%dma_start3A_91 : memref<64x128xf32, #tpu.memory_space<hbm>>) target_semaphore(%run_scoped3A : memref<!tpu.dma_semaphore, #tpu.memory_space<semaphore_mem>>)
      %dma_wait3A = arith.constant 0 : i32
      %dma_wait3A_92 = tpu.memref_slice %arg8[%arg0, %add3A_66, %dma_wait3A] : memref<2x10240x128xf32, #tpu.memory_space<hbm>> -> memref<1x64x128xf32, #tpu.memory_space<hbm>>
      %dma_wait3A_93 = tpu.memref_squeeze %dma_wait3A_92 : memref<1x64x128xf32, #tpu.memory_space<hbm>> -> memref<64x128xf32, #tpu.memory_space<hbm>>
      %dma_wait3A_94 = arith.constant 0 : i32
      %dma_wait3A_95 = tpu.memref_slice %arg8[%arg0, %add3A_66, %dma_wait3A_94] : memref<2x10240x128xf32, #tpu.memory_space<hbm>> -> memref<1x64x128xf32, #tpu.memory_space<hbm>>
      %dma_wait3A_96 = tpu.memref_squeeze %dma_wait3A_95 : memref<1x64x128xf32, #tpu.memory_space<hbm>> -> memref<64x128xf32, #tpu.memory_space<hbm>>
      tpu.wait_dma2 semaphore(%run_scoped3A : memref<!tpu.dma_semaphore, #tpu.memory_space<semaphore_mem>>) src(%arg14 : memref<64x128xf32, #tpu.memory_space<vmem>>) dst(%dma_wait3A_96 : memref<64x128xf32, #tpu.memory_space<hbm>>)
      tpu.yield
    }) : () -> ()
    "tpu.region"() ({
      %run_scoped3A = tpu.sem_alloc : memref<!tpu.dma_semaphore, #tpu.memory_space<semaphore_mem>>
      %dma_start3A = arith.constant 0 : i32
      %dma_start3A_87 = tpu.memref_slice %arg11[%add3A_66, %dma_start3A] : memref<10240x16xf32, #tpu.memory_space<vmem_shared>> -> memref<64x16xf32, #tpu.memory_space<vmem_shared>>
      %dma_start3A_88 = arith.constant 0 : i32
      %dma_start3A_89 = tpu.memref_slice %arg11[%add3A_66, %dma_start3A_88] : memref<10240x16xf32, #tpu.memory_space<vmem_shared>> -> memref<64x16xf32, #tpu.memory_space<vmem_shared>>
      tpu.enqueue_dma source(%dma_start3A_89 : memref<64x16xf32, #tpu.memory_space<vmem_shared>>) target(%arg16 : memref<64x16xf32, #tpu.memory_space<vmem>>) target_semaphore(%run_scoped3A : memref<!tpu.dma_semaphore, #tpu.memory_space<semaphore_mem>>)
      %dma_wait3A = arith.constant 0 : i32
      %dma_wait3A_90 = tpu.memref_slice %arg11[%add3A_66, %dma_wait3A] : memref<10240x16xf32, #tpu.memory_space<vmem_shared>> -> memref<64x16xf32, #tpu.memory_space<vmem_shared>>
      %dma_wait3A_91 = arith.constant 0 : i32
      %dma_wait3A_92 = tpu.memref_slice %arg11[%add3A_66, %dma_wait3A_91] : memref<10240x16xf32, #tpu.memory_space<vmem_shared>> -> memref<64x16xf32, #tpu.memory_space<vmem_shared>>
      tpu.wait_dma2 semaphore(%run_scoped3A : memref<!tpu.dma_semaphore, #tpu.memory_space<semaphore_mem>>) src(%dma_wait3A_92 : memref<64x16xf32, #tpu.memory_space<vmem_shared>>) dst(%arg16 : memref<64x16xf32, #tpu.memory_space<vmem>>)
      tpu.yield
    }) : () -> ()
    "tpu.region"() ({
      %run_scoped3A = tpu.sem_alloc : memref<!tpu.dma_semaphore, #tpu.memory_space<semaphore_mem>>
      %dma_start3A = arith.constant 0 : i32
      %dma_start3A_87 = tpu.memref_slice %arg9[%arg0, %add3A_66, %dma_start3A] : memref<2x10240x16xf32, #tpu.memory_space<hbm>> -> memref<1x64x16xf32, #tpu.memory_space<hbm>>
      %dma_start3A_88 = tpu.memref_squeeze %dma_start3A_87 : memref<1x64x16xf32, #tpu.memory_space<hbm>> -> memref<64x16xf32, #tpu.memory_space<hbm>>
      %dma_start3A_89 = arith.constant 0 : i32
      %dma_start3A_90 = tpu.memref_slice %arg9[%arg0, %add3A_66, %dma_start3A_89] : memref<2x10240x16xf32, #tpu.memory_space<hbm>> -> memref<1x64x16xf32, #tpu.memory_space<hbm>>
      %dma_start3A_91 = tpu.memref_squeeze %dma_start3A_90 : memref<1x64x16xf32, #tpu.memory_space<hbm>> -> memref<64x16xf32, #tpu.memory_space<hbm>>
      tpu.enqueue_dma source(%arg16 : memref<64x16xf32, #tpu.memory_space<vmem>>) target(%dma_start3A_91 : memref<64x16xf32, #tpu.memory_space<hbm>>) target_semaphore(%run_scoped3A : memref<!tpu.dma_semaphore, #tpu.memory_space<semaphore_mem>>)
      %dma_wait3A = arith.constant 0 : i32
      %dma_wait3A_92 = tpu.memref_slice %arg9[%arg0, %add3A_66, %dma_wait3A] : memref<2x10240x16xf32, #tpu.memory_space<hbm>> -> memref<1x64x16xf32, #tpu.memory_space<hbm>>
      %dma_wait3A_93 = tpu.memref_squeeze %dma_wait3A_92 : memref<1x64x16xf32, #tpu.memory_space<hbm>> -> memref<64x16xf32, #tpu.memory_space<hbm>>
      %dma_wait3A_94 = arith.constant 0 : i32
      %dma_wait3A_95 = tpu.memref_slice %arg9[%arg0, %add3A_66, %dma_wait3A_94] : memref<2x10240x16xf32, #tpu.memory_space<hbm>> -> memref<1x64x16xf32, #tpu.memory_space<hbm>>
      %dma_wait3A_96 = tpu.memref_squeeze %dma_wait3A_95 : memref<1x64x16xf32, #tpu.memory_space<hbm>> -> memref<64x16xf32, #tpu.memory_space<hbm>>
      tpu.wait_dma2 semaphore(%run_scoped3A : memref<!tpu.dma_semaphore, #tpu.memory_space<semaphore_mem>>) src(%arg16 : memref<64x16xf32, #tpu.memory_space<vmem>>) dst(%dma_wait3A_96 : memref<64x16xf32, #tpu.memory_space<hbm>>)
      tpu.yield
    }) : () -> ()
    %mul3A_67 = arith.constant 640 : i32
    %mul3A_68 = arith.muli %arg1, %mul3A_67 : i32
    %add3A_69 = arith.constant 320 : i32
    %add3A_70 = arith.addi %mul3A_68, %add3A_69 : i32
    "tpu.region"() ({
      %run_scoped3A = tpu.sem_alloc : memref<!tpu.dma_semaphore, #tpu.memory_space<semaphore_mem>>
      %dma_start3A = arith.constant 0 : i32
      %dma_start3A_87 = tpu.memref_slice %arg10[%add3A_70, %dma_start3A] : memref<10240x128xf32, #tpu.memory_space<vmem_shared>> -> memref<64x128xf32, #tpu.memory_space<vmem_shared>>
      %dma_start3A_88 = arith.constant 0 : i32
      %dma_start3A_89 = tpu.memref_slice %arg10[%add3A_70, %dma_start3A_88] : memref<10240x128xf32, #tpu.memory_space<vmem_shared>> -> memref<64x128xf32, #tpu.memory_space<vmem_shared>>
      tpu.enqueue_dma source(%dma_start3A_89 : memref<64x128xf32, #tpu.memory_space<vmem_shared>>) target(%arg14 : memref<64x128xf32, #tpu.memory_space<vmem>>) target_semaphore(%run_scoped3A : memref<!tpu.dma_semaphore, #tpu.memory_space<semaphore_mem>>)
      %dma_wait3A = arith.constant 0 : i32
      %dma_wait3A_90 = tpu.memref_slice %arg10[%add3A_70, %dma_wait3A] : memref<10240x128xf32, #tpu.memory_space<vmem_shared>> -> memref<64x128xf32, #tpu.memory_space<vmem_shared>>
      %dma_wait3A_91 = arith.constant 0 : i32
      %dma_wait3A_92 = tpu.memref_slice %arg10[%add3A_70, %dma_wait3A_91] : memref<10240x128xf32, #tpu.memory_space<vmem_shared>> -> memref<64x128xf32, #tpu.memory_space<vmem_shared>>
      tpu.wait_dma2 semaphore(%run_scoped3A : memref<!tpu.dma_semaphore, #tpu.memory_space<semaphore_mem>>) src(%dma_wait3A_92 : memref<64x128xf32, #tpu.memory_space<vmem_shared>>) dst(%arg14 : memref<64x128xf32, #tpu.memory_space<vmem>>)
      tpu.yield
    }) : () -> ()
    "tpu.region"() ({
      %run_scoped3A = tpu.sem_alloc : memref<!tpu.dma_semaphore, #tpu.memory_space<semaphore_mem>>
      %dma_start3A = arith.constant 0 : i32
      %dma_start3A_87 = tpu.memref_slice %arg8[%arg0, %add3A_70, %dma_start3A] : memref<2x10240x128xf32, #tpu.memory_space<hbm>> -> memref<1x64x128xf32, #tpu.memory_space<hbm>>
      %dma_start3A_88 = tpu.memref_squeeze %dma_start3A_87 : memref<1x64x128xf32, #tpu.memory_space<hbm>> -> memref<64x128xf32, #tpu.memory_space<hbm>>
      %dma_start3A_89 = arith.constant 0 : i32
      %dma_start3A_90 = tpu.memref_slice %arg8[%arg0, %add3A_70, %dma_start3A_89] : memref<2x10240x128xf32, #tpu.memory_space<hbm>> -> memref<1x64x128xf32, #tpu.memory_space<hbm>>
      %dma_start3A_91 = tpu.memref_squeeze %dma_start3A_90 : memref<1x64x128xf32, #tpu.memory_space<hbm>> -> memref<64x128xf32, #tpu.memory_space<hbm>>
      tpu.enqueue_dma source(%arg14 : memref<64x128xf32, #tpu.memory_space<vmem>>) target(%dma_start3A_91 : memref<64x128xf32, #tpu.memory_space<hbm>>) target_semaphore(%run_scoped3A : memref<!tpu.dma_semaphore, #tpu.memory_space<semaphore_mem>>)
      %dma_wait3A = arith.constant 0 : i32
      %dma_wait3A_92 = tpu.memref_slice %arg8[%arg0, %add3A_70, %dma_wait3A] : memref<2x10240x128xf32, #tpu.memory_space<hbm>> -> memref<1x64x128xf32, #tpu.memory_space<hbm>>
      %dma_wait3A_93 = tpu.memref_squeeze %dma_wait3A_92 : memref<1x64x128xf32, #tpu.memory_space<hbm>> -> memref<64x128xf32, #tpu.memory_space<hbm>>
      %dma_wait3A_94 = arith.constant 0 : i32
      %dma_wait3A_95 = tpu.memref_slice %arg8[%arg0, %add3A_70, %dma_wait3A_94] : memref<2x10240x128xf32, #tpu.memory_space<hbm>> -> memref<1x64x128xf32, #tpu.memory_space<hbm>>
      %dma_wait3A_96 = tpu.memref_squeeze %dma_wait3A_95 : memref<1x64x128xf32, #tpu.memory_space<hbm>> -> memref<64x128xf32, #tpu.memory_space<hbm>>
      tpu.wait_dma2 semaphore(%run_scoped3A : memref<!tpu.dma_semaphore, #tpu.memory_space<semaphore_mem>>) src(%arg14 : memref<64x128xf32, #tpu.memory_space<vmem>>) dst(%dma_wait3A_96 : memref<64x128xf32, #tpu.memory_space<hbm>>)
      tpu.yield
    }) : () -> ()
    "tpu.region"() ({
      %run_scoped3A = tpu.sem_alloc : memref<!tpu.dma_semaphore, #tpu.memory_space<semaphore_mem>>
      %dma_start3A = arith.constant 0 : i32
      %dma_start3A_87 = tpu.memref_slice %arg11[%add3A_70, %dma_start3A] : memref<10240x16xf32, #tpu.memory_space<vmem_shared>> -> memref<64x16xf32, #tpu.memory_space<vmem_shared>>
      %dma_start3A_88 = arith.constant 0 : i32
      %dma_start3A_89 = tpu.memref_slice %arg11[%add3A_70, %dma_start3A_88] : memref<10240x16xf32, #tpu.memory_space<vmem_shared>> -> memref<64x16xf32, #tpu.memory_space<vmem_shared>>
      tpu.enqueue_dma source(%dma_start3A_89 : memref<64x16xf32, #tpu.memory_space<vmem_shared>>) target(%arg16 : memref<64x16xf32, #tpu.memory_space<vmem>>) target_semaphore(%run_scoped3A : memref<!tpu.dma_semaphore, #tpu.memory_space<semaphore_mem>>)
      %dma_wait3A = arith.constant 0 : i32
      %dma_wait3A_90 = tpu.memref_slice %arg11[%add3A_70, %dma_wait3A] : memref<10240x16xf32, #tpu.memory_space<vmem_shared>> -> memref<64x16xf32, #tpu.memory_space<vmem_shared>>
      %dma_wait3A_91 = arith.constant 0 : i32
      %dma_wait3A_92 = tpu.memref_slice %arg11[%add3A_70, %dma_wait3A_91] : memref<10240x16xf32, #tpu.memory_space<vmem_shared>> -> memref<64x16xf32, #tpu.memory_space<vmem_shared>>
      tpu.wait_dma2 semaphore(%run_scoped3A : memref<!tpu.dma_semaphore, #tpu.memory_space<semaphore_mem>>) src(%dma_wait3A_92 : memref<64x16xf32, #tpu.memory_space<vmem_shared>>) dst(%arg16 : memref<64x16xf32, #tpu.memory_space<vmem>>)
      tpu.yield
    }) : () -> ()
    "tpu.region"() ({
      %run_scoped3A = tpu.sem_alloc : memref<!tpu.dma_semaphore, #tpu.memory_space<semaphore_mem>>
      %dma_start3A = arith.constant 0 : i32
      %dma_start3A_87 = tpu.memref_slice %arg9[%arg0, %add3A_70, %dma_start3A] : memref<2x10240x16xf32, #tpu.memory_space<hbm>> -> memref<1x64x16xf32, #tpu.memory_space<hbm>>
      %dma_start3A_88 = tpu.memref_squeeze %dma_start3A_87 : memref<1x64x16xf32, #tpu.memory_space<hbm>> -> memref<64x16xf32, #tpu.memory_space<hbm>>
      %dma_start3A_89 = arith.constant 0 : i32
      %dma_start3A_90 = tpu.memref_slice %arg9[%arg0, %add3A_70, %dma_start3A_89] : memref<2x10240x16xf32, #tpu.memory_space<hbm>> -> memref<1x64x16xf32, #tpu.memory_space<hbm>>
      %dma_start3A_91 = tpu.memref_squeeze %dma_start3A_90 : memref<1x64x16xf32, #tpu.memory_space<hbm>> -> memref<64x16xf32, #tpu.memory_space<hbm>>
      tpu.enqueue_dma source(%arg16 : memref<64x16xf32, #tpu.memory_space<vmem>>) target(%dma_start3A_91 : memref<64x16xf32, #tpu.memory_space<hbm>>) target_semaphore(%run_scoped3A : memref<!tpu.dma_semaphore, #tpu.memory_space<semaphore_mem>>)
      %dma_wait3A = arith.constant 0 : i32
      %dma_wait3A_92 = tpu.memref_slice %arg9[%arg0, %add3A_70, %dma_wait3A] : memref<2x10240x16xf32, #tpu.memory_space<hbm>> -> memref<1x64x16xf32, #tpu.memory_space<hbm>>
      %dma_wait3A_93 = tpu.memref_squeeze %dma_wait3A_92 : memref<1x64x16xf32, #tpu.memory_space<hbm>> -> memref<64x16xf32, #tpu.memory_space<hbm>>
      %dma_wait3A_94 = arith.constant 0 : i32
      %dma_wait3A_95 = tpu.memref_slice %arg9[%arg0, %add3A_70, %dma_wait3A_94] : memref<2x10240x16xf32, #tpu.memory_space<hbm>> -> memref<1x64x16xf32, #tpu.memory_space<hbm>>
      %dma_wait3A_96 = tpu.memref_squeeze %dma_wait3A_95 : memref<1x64x16xf32, #tpu.memory_space<hbm>> -> memref<64x16xf32, #tpu.memory_space<hbm>>
      tpu.wait_dma2 semaphore(%run_scoped3A : memref<!tpu.dma_semaphore, #tpu.memory_space<semaphore_mem>>) src(%arg16 : memref<64x16xf32, #tpu.memory_space<vmem>>) dst(%dma_wait3A_96 : memref<64x16xf32, #tpu.memory_space<hbm>>)
      tpu.yield
    }) : () -> ()
    %mul3A_71 = arith.constant 640 : i32
    %mul3A_72 = arith.muli %arg1, %mul3A_71 : i32
    %add3A_73 = arith.constant 384 : i32
    %add3A_74 = arith.addi %mul3A_72, %add3A_73 : i32
    "tpu.region"() ({
      %run_scoped3A = tpu.sem_alloc : memref<!tpu.dma_semaphore, #tpu.memory_space<semaphore_mem>>
      %dma_start3A = arith.constant 0 : i32
      %dma_start3A_87 = tpu.memref_slice %arg10[%add3A_74, %dma_start3A] : memref<10240x128xf32, #tpu.memory_space<vmem_shared>> -> memref<64x128xf32, #tpu.memory_space<vmem_shared>>
      %dma_start3A_88 = arith.constant 0 : i32
      %dma_start3A_89 = tpu.memref_slice %arg10[%add3A_74, %dma_start3A_88] : memref<10240x128xf32, #tpu.memory_space<vmem_shared>> -> memref<64x128xf32, #tpu.memory_space<vmem_shared>>
      tpu.enqueue_dma source(%dma_start3A_89 : memref<64x128xf32, #tpu.memory_space<vmem_shared>>) target(%arg14 : memref<64x128xf32, #tpu.memory_space<vmem>>) target_semaphore(%run_scoped3A : memref<!tpu.dma_semaphore, #tpu.memory_space<semaphore_mem>>)
      %dma_wait3A = arith.constant 0 : i32
      %dma_wait3A_90 = tpu.memref_slice %arg10[%add3A_74, %dma_wait3A] : memref<10240x128xf32, #tpu.memory_space<vmem_shared>> -> memref<64x128xf32, #tpu.memory_space<vmem_shared>>
      %dma_wait3A_91 = arith.constant 0 : i32
      %dma_wait3A_92 = tpu.memref_slice %arg10[%add3A_74, %dma_wait3A_91] : memref<10240x128xf32, #tpu.memory_space<vmem_shared>> -> memref<64x128xf32, #tpu.memory_space<vmem_shared>>
      tpu.wait_dma2 semaphore(%run_scoped3A : memref<!tpu.dma_semaphore, #tpu.memory_space<semaphore_mem>>) src(%dma_wait3A_92 : memref<64x128xf32, #tpu.memory_space<vmem_shared>>) dst(%arg14 : memref<64x128xf32, #tpu.memory_space<vmem>>)
      tpu.yield
    }) : () -> ()
    "tpu.region"() ({
      %run_scoped3A = tpu.sem_alloc : memref<!tpu.dma_semaphore, #tpu.memory_space<semaphore_mem>>
      %dma_start3A = arith.constant 0 : i32
      %dma_start3A_87 = tpu.memref_slice %arg8[%arg0, %add3A_74, %dma_start3A] : memref<2x10240x128xf32, #tpu.memory_space<hbm>> -> memref<1x64x128xf32, #tpu.memory_space<hbm>>
      %dma_start3A_88 = tpu.memref_squeeze %dma_start3A_87 : memref<1x64x128xf32, #tpu.memory_space<hbm>> -> memref<64x128xf32, #tpu.memory_space<hbm>>
      %dma_start3A_89 = arith.constant 0 : i32
      %dma_start3A_90 = tpu.memref_slice %arg8[%arg0, %add3A_74, %dma_start3A_89] : memref<2x10240x128xf32, #tpu.memory_space<hbm>> -> memref<1x64x128xf32, #tpu.memory_space<hbm>>
      %dma_start3A_91 = tpu.memref_squeeze %dma_start3A_90 : memref<1x64x128xf32, #tpu.memory_space<hbm>> -> memref<64x128xf32, #tpu.memory_space<hbm>>
      tpu.enqueue_dma source(%arg14 : memref<64x128xf32, #tpu.memory_space<vmem>>) target(%dma_start3A_91 : memref<64x128xf32, #tpu.memory_space<hbm>>) target_semaphore(%run_scoped3A : memref<!tpu.dma_semaphore, #tpu.memory_space<semaphore_mem>>)
      %dma_wait3A = arith.constant 0 : i32
      %dma_wait3A_92 = tpu.memref_slice %arg8[%arg0, %add3A_74, %dma_wait3A] : memref<2x10240x128xf32, #tpu.memory_space<hbm>> -> memref<1x64x128xf32, #tpu.memory_space<hbm>>
      %dma_wait3A_93 = tpu.memref_squeeze %dma_wait3A_92 : memref<1x64x128xf32, #tpu.memory_space<hbm>> -> memref<64x128xf32, #tpu.memory_space<hbm>>
      %dma_wait3A_94 = arith.constant 0 : i32
      %dma_wait3A_95 = tpu.memref_slice %arg8[%arg0, %add3A_74, %dma_wait3A_94] : memref<2x10240x128xf32, #tpu.memory_space<hbm>> -> memref<1x64x128xf32, #tpu.memory_space<hbm>>
      %dma_wait3A_96 = tpu.memref_squeeze %dma_wait3A_95 : memref<1x64x128xf32, #tpu.memory_space<hbm>> -> memref<64x128xf32, #tpu.memory_space<hbm>>
      tpu.wait_dma2 semaphore(%run_scoped3A : memref<!tpu.dma_semaphore, #tpu.memory_space<semaphore_mem>>) src(%arg14 : memref<64x128xf32, #tpu.memory_space<vmem>>) dst(%dma_wait3A_96 : memref<64x128xf32, #tpu.memory_space<hbm>>)
      tpu.yield
    }) : () -> ()
    "tpu.region"() ({
      %run_scoped3A = tpu.sem_alloc : memref<!tpu.dma_semaphore, #tpu.memory_space<semaphore_mem>>
      %dma_start3A = arith.constant 0 : i32
      %dma_start3A_87 = tpu.memref_slice %arg11[%add3A_74, %dma_start3A] : memref<10240x16xf32, #tpu.memory_space<vmem_shared>> -> memref<64x16xf32, #tpu.memory_space<vmem_shared>>
      %dma_start3A_88 = arith.constant 0 : i32
      %dma_start3A_89 = tpu.memref_slice %arg11[%add3A_74, %dma_start3A_88] : memref<10240x16xf32, #tpu.memory_space<vmem_shared>> -> memref<64x16xf32, #tpu.memory_space<vmem_shared>>
      tpu.enqueue_dma source(%dma_start3A_89 : memref<64x16xf32, #tpu.memory_space<vmem_shared>>) target(%arg16 : memref<64x16xf32, #tpu.memory_space<vmem>>) target_semaphore(%run_scoped3A : memref<!tpu.dma_semaphore, #tpu.memory_space<semaphore_mem>>)
      %dma_wait3A = arith.constant 0 : i32
      %dma_wait3A_90 = tpu.memref_slice %arg11[%add3A_74, %dma_wait3A] : memref<10240x16xf32, #tpu.memory_space<vmem_shared>> -> memref<64x16xf32, #tpu.memory_space<vmem_shared>>
      %dma_wait3A_91 = arith.constant 0 : i32
      %dma_wait3A_92 = tpu.memref_slice %arg11[%add3A_74, %dma_wait3A_91] : memref<10240x16xf32, #tpu.memory_space<vmem_shared>> -> memref<64x16xf32, #tpu.memory_space<vmem_shared>>
      tpu.wait_dma2 semaphore(%run_scoped3A : memref<!tpu.dma_semaphore, #tpu.memory_space<semaphore_mem>>) src(%dma_wait3A_92 : memref<64x16xf32, #tpu.memory_space<vmem_shared>>) dst(%arg16 : memref<64x16xf32, #tpu.memory_space<vmem>>)
      tpu.yield
    }) : () -> ()
    "tpu.region"() ({
      %run_scoped3A = tpu.sem_alloc : memref<!tpu.dma_semaphore, #tpu.memory_space<semaphore_mem>>
      %dma_start3A = arith.constant 0 : i32
      %dma_start3A_87 = tpu.memref_slice %arg9[%arg0, %add3A_74, %dma_start3A] : memref<2x10240x16xf32, #tpu.memory_space<hbm>> -> memref<1x64x16xf32, #tpu.memory_space<hbm>>
      %dma_start3A_88 = tpu.memref_squeeze %dma_start3A_87 : memref<1x64x16xf32, #tpu.memory_space<hbm>> -> memref<64x16xf32, #tpu.memory_space<hbm>>
      %dma_start3A_89 = arith.constant 0 : i32
      %dma_start3A_90 = tpu.memref_slice %arg9[%arg0, %add3A_74, %dma_start3A_89] : memref<2x10240x16xf32, #tpu.memory_space<hbm>> -> memref<1x64x16xf32, #tpu.memory_space<hbm>>
      %dma_start3A_91 = tpu.memref_squeeze %dma_start3A_90 : memref<1x64x16xf32, #tpu.memory_space<hbm>> -> memref<64x16xf32, #tpu.memory_space<hbm>>
      tpu.enqueue_dma source(%arg16 : memref<64x16xf32, #tpu.memory_space<vmem>>) target(%dma_start3A_91 : memref<64x16xf32, #tpu.memory_space<hbm>>) target_semaphore(%run_scoped3A : memref<!tpu.dma_semaphore, #tpu.memory_space<semaphore_mem>>)
      %dma_wait3A = arith.constant 0 : i32
      %dma_wait3A_92 = tpu.memref_slice %arg9[%arg0, %add3A_74, %dma_wait3A] : memref<2x10240x16xf32, #tpu.memory_space<hbm>> -> memref<1x64x16xf32, #tpu.memory_space<hbm>>
      %dma_wait3A_93 = tpu.memref_squeeze %dma_wait3A_92 : memref<1x64x16xf32, #tpu.memory_space<hbm>> -> memref<64x16xf32, #tpu.memory_space<hbm>>
      %dma_wait3A_94 = arith.constant 0 : i32
      %dma_wait3A_95 = tpu.memref_slice %arg9[%arg0, %add3A_74, %dma_wait3A_94] : memref<2x10240x16xf32, #tpu.memory_space<hbm>> -> memref<1x64x16xf32, #tpu.memory_space<hbm>>
      %dma_wait3A_96 = tpu.memref_squeeze %dma_wait3A_95 : memref<1x64x16xf32, #tpu.memory_space<hbm>> -> memref<64x16xf32, #tpu.memory_space<hbm>>
      tpu.wait_dma2 semaphore(%run_scoped3A : memref<!tpu.dma_semaphore, #tpu.memory_space<semaphore_mem>>) src(%arg16 : memref<64x16xf32, #tpu.memory_space<vmem>>) dst(%dma_wait3A_96 : memref<64x16xf32, #tpu.memory_space<hbm>>)
      tpu.yield
    }) : () -> ()
    %mul3A_75 = arith.constant 640 : i32
    %mul3A_76 = arith.muli %arg1, %mul3A_75 : i32
    %add3A_77 = arith.constant 448 : i32
    %add3A_78 = arith.addi %mul3A_76, %add3A_77 : i32
    "tpu.region"() ({
      %run_scoped3A = tpu.sem_alloc : memref<!tpu.dma_semaphore, #tpu.memory_space<semaphore_mem>>
      %dma_start3A = arith.constant 0 : i32
      %dma_start3A_87 = tpu.memref_slice %arg10[%add3A_78, %dma_start3A] : memref<10240x128xf32, #tpu.memory_space<vmem_shared>> -> memref<64x128xf32, #tpu.memory_space<vmem_shared>>
      %dma_start3A_88 = arith.constant 0 : i32
      %dma_start3A_89 = tpu.memref_slice %arg10[%add3A_78, %dma_start3A_88] : memref<10240x128xf32, #tpu.memory_space<vmem_shared>> -> memref<64x128xf32, #tpu.memory_space<vmem_shared>>
      tpu.enqueue_dma source(%dma_start3A_89 : memref<64x128xf32, #tpu.memory_space<vmem_shared>>) target(%arg14 : memref<64x128xf32, #tpu.memory_space<vmem>>) target_semaphore(%run_scoped3A : memref<!tpu.dma_semaphore, #tpu.memory_space<semaphore_mem>>)
      %dma_wait3A = arith.constant 0 : i32
      %dma_wait3A_90 = tpu.memref_slice %arg10[%add3A_78, %dma_wait3A] : memref<10240x128xf32, #tpu.memory_space<vmem_shared>> -> memref<64x128xf32, #tpu.memory_space<vmem_shared>>
      %dma_wait3A_91 = arith.constant 0 : i32
      %dma_wait3A_92 = tpu.memref_slice %arg10[%add3A_78, %dma_wait3A_91] : memref<10240x128xf32, #tpu.memory_space<vmem_shared>> -> memref<64x128xf32, #tpu.memory_space<vmem_shared>>
      tpu.wait_dma2 semaphore(%run_scoped3A : memref<!tpu.dma_semaphore, #tpu.memory_space<semaphore_mem>>) src(%dma_wait3A_92 : memref<64x128xf32, #tpu.memory_space<vmem_shared>>) dst(%arg14 : memref<64x128xf32, #tpu.memory_space<vmem>>)
      tpu.yield
    }) : () -> ()
    "tpu.region"() ({
      %run_scoped3A = tpu.sem_alloc : memref<!tpu.dma_semaphore, #tpu.memory_space<semaphore_mem>>
      %dma_start3A = arith.constant 0 : i32
      %dma_start3A_87 = tpu.memref_slice %arg8[%arg0, %add3A_78, %dma_start3A] : memref<2x10240x128xf32, #tpu.memory_space<hbm>> -> memref<1x64x128xf32, #tpu.memory_space<hbm>>
      %dma_start3A_88 = tpu.memref_squeeze %dma_start3A_87 : memref<1x64x128xf32, #tpu.memory_space<hbm>> -> memref<64x128xf32, #tpu.memory_space<hbm>>
      %dma_start3A_89 = arith.constant 0 : i32
      %dma_start3A_90 = tpu.memref_slice %arg8[%arg0, %add3A_78, %dma_start3A_89] : memref<2x10240x128xf32, #tpu.memory_space<hbm>> -> memref<1x64x128xf32, #tpu.memory_space<hbm>>
      %dma_start3A_91 = tpu.memref_squeeze %dma_start3A_90 : memref<1x64x128xf32, #tpu.memory_space<hbm>> -> memref<64x128xf32, #tpu.memory_space<hbm>>
      tpu.enqueue_dma source(%arg14 : memref<64x128xf32, #tpu.memory_space<vmem>>) target(%dma_start3A_91 : memref<64x128xf32, #tpu.memory_space<hbm>>) target_semaphore(%run_scoped3A : memref<!tpu.dma_semaphore, #tpu.memory_space<semaphore_mem>>)
      %dma_wait3A = arith.constant 0 : i32
      %dma_wait3A_92 = tpu.memref_slice %arg8[%arg0, %add3A_78, %dma_wait3A] : memref<2x10240x128xf32, #tpu.memory_space<hbm>> -> memref<1x64x128xf32, #tpu.memory_space<hbm>>
      %dma_wait3A_93 = tpu.memref_squeeze %dma_wait3A_92 : memref<1x64x128xf32, #tpu.memory_space<hbm>> -> memref<64x128xf32, #tpu.memory_space<hbm>>
      %dma_wait3A_94 = arith.constant 0 : i32
      %dma_wait3A_95 = tpu.memref_slice %arg8[%arg0, %add3A_78, %dma_wait3A_94] : memref<2x10240x128xf32, #tpu.memory_space<hbm>> -> memref<1x64x128xf32, #tpu.memory_space<hbm>>
      %dma_wait3A_96 = tpu.memref_squeeze %dma_wait3A_95 : memref<1x64x128xf32, #tpu.memory_space<hbm>> -> memref<64x128xf32, #tpu.memory_space<hbm>>
      tpu.wait_dma2 semaphore(%run_scoped3A : memref<!tpu.dma_semaphore, #tpu.memory_space<semaphore_mem>>) src(%arg14 : memref<64x128xf32, #tpu.memory_space<vmem>>) dst(%dma_wait3A_96 : memref<64x128xf32, #tpu.memory_space<hbm>>)
      tpu.yield
    }) : () -> ()
    "tpu.region"() ({
      %run_scoped3A = tpu.sem_alloc : memref<!tpu.dma_semaphore, #tpu.memory_space<semaphore_mem>>
      %dma_start3A = arith.constant 0 : i32
      %dma_start3A_87 = tpu.memref_slice %arg11[%add3A_78, %dma_start3A] : memref<10240x16xf32, #tpu.memory_space<vmem_shared>> -> memref<64x16xf32, #tpu.memory_space<vmem_shared>>
      %dma_start3A_88 = arith.constant 0 : i32
      %dma_start3A_89 = tpu.memref_slice %arg11[%add3A_78, %dma_start3A_88] : memref<10240x16xf32, #tpu.memory_space<vmem_shared>> -> memref<64x16xf32, #tpu.memory_space<vmem_shared>>
      tpu.enqueue_dma source(%dma_start3A_89 : memref<64x16xf32, #tpu.memory_space<vmem_shared>>) target(%arg16 : memref<64x16xf32, #tpu.memory_space<vmem>>) target_semaphore(%run_scoped3A : memref<!tpu.dma_semaphore, #tpu.memory_space<semaphore_mem>>)
      %dma_wait3A = arith.constant 0 : i32
      %dma_wait3A_90 = tpu.memref_slice %arg11[%add3A_78, %dma_wait3A] : memref<10240x16xf32, #tpu.memory_space<vmem_shared>> -> memref<64x16xf32, #tpu.memory_space<vmem_shared>>
      %dma_wait3A_91 = arith.constant 0 : i32
      %dma_wait3A_92 = tpu.memref_slice %arg11[%add3A_78, %dma_wait3A_91] : memref<10240x16xf32, #tpu.memory_space<vmem_shared>> -> memref<64x16xf32, #tpu.memory_space<vmem_shared>>
      tpu.wait_dma2 semaphore(%run_scoped3A : memref<!tpu.dma_semaphore, #tpu.memory_space<semaphore_mem>>) src(%dma_wait3A_92 : memref<64x16xf32, #tpu.memory_space<vmem_shared>>) dst(%arg16 : memref<64x16xf32, #tpu.memory_space<vmem>>)
      tpu.yield
    }) : () -> ()
    "tpu.region"() ({
      %run_scoped3A = tpu.sem_alloc : memref<!tpu.dma_semaphore, #tpu.memory_space<semaphore_mem>>
      %dma_start3A = arith.constant 0 : i32
      %dma_start3A_87 = tpu.memref_slice %arg9[%arg0, %add3A_78, %dma_start3A] : memref<2x10240x16xf32, #tpu.memory_space<hbm>> -> memref<1x64x16xf32, #tpu.memory_space<hbm>>
      %dma_start3A_88 = tpu.memref_squeeze %dma_start3A_87 : memref<1x64x16xf32, #tpu.memory_space<hbm>> -> memref<64x16xf32, #tpu.memory_space<hbm>>
      %dma_start3A_89 = arith.constant 0 : i32
      %dma_start3A_90 = tpu.memref_slice %arg9[%arg0, %add3A_78, %dma_start3A_89] : memref<2x10240x16xf32, #tpu.memory_space<hbm>> -> memref<1x64x16xf32, #tpu.memory_space<hbm>>
      %dma_start3A_91 = tpu.memref_squeeze %dma_start3A_90 : memref<1x64x16xf32, #tpu.memory_space<hbm>> -> memref<64x16xf32, #tpu.memory_space<hbm>>
      tpu.enqueue_dma source(%arg16 : memref<64x16xf32, #tpu.memory_space<vmem>>) target(%dma_start3A_91 : memref<64x16xf32, #tpu.memory_space<hbm>>) target_semaphore(%run_scoped3A : memref<!tpu.dma_semaphore, #tpu.memory_space<semaphore_mem>>)
      %dma_wait3A = arith.constant 0 : i32
      %dma_wait3A_92 = tpu.memref_slice %arg9[%arg0, %add3A_78, %dma_wait3A] : memref<2x10240x16xf32, #tpu.memory_space<hbm>> -> memref<1x64x16xf32, #tpu.memory_space<hbm>>
      %dma_wait3A_93 = tpu.memref_squeeze %dma_wait3A_92 : memref<1x64x16xf32, #tpu.memory_space<hbm>> -> memref<64x16xf32, #tpu.memory_space<hbm>>
      %dma_wait3A_94 = arith.constant 0 : i32
      %dma_wait3A_95 = tpu.memref_slice %arg9[%arg0, %add3A_78, %dma_wait3A_94] : memref<2x10240x16xf32, #tpu.memory_space<hbm>> -> memref<1x64x16xf32, #tpu.memory_space<hbm>>
      %dma_wait3A_96 = tpu.memref_squeeze %dma_wait3A_95 : memref<1x64x16xf32, #tpu.memory_space<hbm>> -> memref<64x16xf32, #tpu.memory_space<hbm>>
      tpu.wait_dma2 semaphore(%run_scoped3A : memref<!tpu.dma_semaphore, #tpu.memory_space<semaphore_mem>>) src(%arg16 : memref<64x16xf32, #tpu.memory_space<vmem>>) dst(%dma_wait3A_96 : memref<64x16xf32, #tpu.memory_space<hbm>>)
      tpu.yield
    }) : () -> ()
    %mul3A_79 = arith.constant 640 : i32
    %mul3A_80 = arith.muli %arg1, %mul3A_79 : i32
    %add3A_81 = arith.constant 512 : i32
    %add3A_82 = arith.addi %mul3A_80, %add3A_81 : i32
    "tpu.region"() ({
      %run_scoped3A = tpu.sem_alloc : memref<!tpu.dma_semaphore, #tpu.memory_space<semaphore_mem>>
      %dma_start3A = arith.constant 0 : i32
      %dma_start3A_87 = tpu.memref_slice %arg10[%add3A_82, %dma_start3A] : memref<10240x128xf32, #tpu.memory_space<vmem_shared>> -> memref<64x128xf32, #tpu.memory_space<vmem_shared>>
      %dma_start3A_88 = arith.constant 0 : i32
      %dma_start3A_89 = tpu.memref_slice %arg10[%add3A_82, %dma_start3A_88] : memref<10240x128xf32, #tpu.memory_space<vmem_shared>> -> memref<64x128xf32, #tpu.memory_space<vmem_shared>>
      tpu.enqueue_dma source(%dma_start3A_89 : memref<64x128xf32, #tpu.memory_space<vmem_shared>>) target(%arg14 : memref<64x128xf32, #tpu.memory_space<vmem>>) target_semaphore(%run_scoped3A : memref<!tpu.dma_semaphore, #tpu.memory_space<semaphore_mem>>)
      %dma_wait3A = arith.constant 0 : i32
      %dma_wait3A_90 = tpu.memref_slice %arg10[%add3A_82, %dma_wait3A] : memref<10240x128xf32, #tpu.memory_space<vmem_shared>> -> memref<64x128xf32, #tpu.memory_space<vmem_shared>>
      %dma_wait3A_91 = arith.constant 0 : i32
      %dma_wait3A_92 = tpu.memref_slice %arg10[%add3A_82, %dma_wait3A_91] : memref<10240x128xf32, #tpu.memory_space<vmem_shared>> -> memref<64x128xf32, #tpu.memory_space<vmem_shared>>
      tpu.wait_dma2 semaphore(%run_scoped3A : memref<!tpu.dma_semaphore, #tpu.memory_space<semaphore_mem>>) src(%dma_wait3A_92 : memref<64x128xf32, #tpu.memory_space<vmem_shared>>) dst(%arg14 : memref<64x128xf32, #tpu.memory_space<vmem>>)
      tpu.yield
    }) : () -> ()
    "tpu.region"() ({
      %run_scoped3A = tpu.sem_alloc : memref<!tpu.dma_semaphore, #tpu.memory_space<semaphore_mem>>
      %dma_start3A = arith.constant 0 : i32
      %dma_start3A_87 = tpu.memref_slice %arg8[%arg0, %add3A_82, %dma_start3A] : memref<2x10240x128xf32, #tpu.memory_space<hbm>> -> memref<1x64x128xf32, #tpu.memory_space<hbm>>
      %dma_start3A_88 = tpu.memref_squeeze %dma_start3A_87 : memref<1x64x128xf32, #tpu.memory_space<hbm>> -> memref<64x128xf32, #tpu.memory_space<hbm>>
      %dma_start3A_89 = arith.constant 0 : i32
      %dma_start3A_90 = tpu.memref_slice %arg8[%arg0, %add3A_82, %dma_start3A_89] : memref<2x10240x128xf32, #tpu.memory_space<hbm>> -> memref<1x64x128xf32, #tpu.memory_space<hbm>>
      %dma_start3A_91 = tpu.memref_squeeze %dma_start3A_90 : memref<1x64x128xf32, #tpu.memory_space<hbm>> -> memref<64x128xf32, #tpu.memory_space<hbm>>
      tpu.enqueue_dma source(%arg14 : memref<64x128xf32, #tpu.memory_space<vmem>>) target(%dma_start3A_91 : memref<64x128xf32, #tpu.memory_space<hbm>>) target_semaphore(%run_scoped3A : memref<!tpu.dma_semaphore, #tpu.memory_space<semaphore_mem>>)
      %dma_wait3A = arith.constant 0 : i32
      %dma_wait3A_92 = tpu.memref_slice %arg8[%arg0, %add3A_82, %dma_wait3A] : memref<2x10240x128xf32, #tpu.memory_space<hbm>> -> memref<1x64x128xf32, #tpu.memory_space<hbm>>
      %dma_wait3A_93 = tpu.memref_squeeze %dma_wait3A_92 : memref<1x64x128xf32, #tpu.memory_space<hbm>> -> memref<64x128xf32, #tpu.memory_space<hbm>>
      %dma_wait3A_94 = arith.constant 0 : i32
      %dma_wait3A_95 = tpu.memref_slice %arg8[%arg0, %add3A_82, %dma_wait3A_94] : memref<2x10240x128xf32, #tpu.memory_space<hbm>> -> memref<1x64x128xf32, #tpu.memory_space<hbm>>
      %dma_wait3A_96 = tpu.memref_squeeze %dma_wait3A_95 : memref<1x64x128xf32, #tpu.memory_space<hbm>> -> memref<64x128xf32, #tpu.memory_space<hbm>>
      tpu.wait_dma2 semaphore(%run_scoped3A : memref<!tpu.dma_semaphore, #tpu.memory_space<semaphore_mem>>) src(%arg14 : memref<64x128xf32, #tpu.memory_space<vmem>>) dst(%dma_wait3A_96 : memref<64x128xf32, #tpu.memory_space<hbm>>)
      tpu.yield
    }) : () -> ()
    "tpu.region"() ({
      %run_scoped3A = tpu.sem_alloc : memref<!tpu.dma_semaphore, #tpu.memory_space<semaphore_mem>>
      %dma_start3A = arith.constant 0 : i32
      %dma_start3A_87 = tpu.memref_slice %arg11[%add3A_82, %dma_start3A] : memref<10240x16xf32, #tpu.memory_space<vmem_shared>> -> memref<64x16xf32, #tpu.memory_space<vmem_shared>>
      %dma_start3A_88 = arith.constant 0 : i32
      %dma_start3A_89 = tpu.memref_slice %arg11[%add3A_82, %dma_start3A_88] : memref<10240x16xf32, #tpu.memory_space<vmem_shared>> -> memref<64x16xf32, #tpu.memory_space<vmem_shared>>
      tpu.enqueue_dma source(%dma_start3A_89 : memref<64x16xf32, #tpu.memory_space<vmem_shared>>) target(%arg16 : memref<64x16xf32, #tpu.memory_space<vmem>>) target_semaphore(%run_scoped3A : memref<!tpu.dma_semaphore, #tpu.memory_space<semaphore_mem>>)
      %dma_wait3A = arith.constant 0 : i32
      %dma_wait3A_90 = tpu.memref_slice %arg11[%add3A_82, %dma_wait3A] : memref<10240x16xf32, #tpu.memory_space<vmem_shared>> -> memref<64x16xf32, #tpu.memory_space<vmem_shared>>
      %dma_wait3A_91 = arith.constant 0 : i32
      %dma_wait3A_92 = tpu.memref_slice %arg11[%add3A_82, %dma_wait3A_91] : memref<10240x16xf32, #tpu.memory_space<vmem_shared>> -> memref<64x16xf32, #tpu.memory_space<vmem_shared>>
      tpu.wait_dma2 semaphore(%run_scoped3A : memref<!tpu.dma_semaphore, #tpu.memory_space<semaphore_mem>>) src(%dma_wait3A_92 : memref<64x16xf32, #tpu.memory_space<vmem_shared>>) dst(%arg16 : memref<64x16xf32, #tpu.memory_space<vmem>>)
      tpu.yield
    }) : () -> ()
    "tpu.region"() ({
      %run_scoped3A = tpu.sem_alloc : memref<!tpu.dma_semaphore, #tpu.memory_space<semaphore_mem>>
      %dma_start3A = arith.constant 0 : i32
      %dma_start3A_87 = tpu.memref_slice %arg9[%arg0, %add3A_82, %dma_start3A] : memref<2x10240x16xf32, #tpu.memory_space<hbm>> -> memref<1x64x16xf32, #tpu.memory_space<hbm>>
      %dma_start3A_88 = tpu.memref_squeeze %dma_start3A_87 : memref<1x64x16xf32, #tpu.memory_space<hbm>> -> memref<64x16xf32, #tpu.memory_space<hbm>>
      %dma_start3A_89 = arith.constant 0 : i32
      %dma_start3A_90 = tpu.memref_slice %arg9[%arg0, %add3A_82, %dma_start3A_89] : memref<2x10240x16xf32, #tpu.memory_space<hbm>> -> memref<1x64x16xf32, #tpu.memory_space<hbm>>
      %dma_start3A_91 = tpu.memref_squeeze %dma_start3A_90 : memref<1x64x16xf32, #tpu.memory_space<hbm>> -> memref<64x16xf32, #tpu.memory_space<hbm>>
      tpu.enqueue_dma source(%arg16 : memref<64x16xf32, #tpu.memory_space<vmem>>) target(%dma_start3A_91 : memref<64x16xf32, #tpu.memory_space<hbm>>) target_semaphore(%run_scoped3A : memref<!tpu.dma_semaphore, #tpu.memory_space<semaphore_mem>>)
      %dma_wait3A = arith.constant 0 : i32
      %dma_wait3A_92 = tpu.memref_slice %arg9[%arg0, %add3A_82, %dma_wait3A] : memref<2x10240x16xf32, #tpu.memory_space<hbm>> -> memref<1x64x16xf32, #tpu.memory_space<hbm>>
      %dma_wait3A_93 = tpu.memref_squeeze %dma_wait3A_92 : memref<1x64x16xf32, #tpu.memory_space<hbm>> -> memref<64x16xf32, #tpu.memory_space<hbm>>
      %dma_wait3A_94 = arith.constant 0 : i32
      %dma_wait3A_95 = tpu.memref_slice %arg9[%arg0, %add3A_82, %dma_wait3A_94] : memref<2x10240x16xf32, #tpu.memory_space<hbm>> -> memref<1x64x16xf32, #tpu.memory_space<hbm>>
      %dma_wait3A_96 = tpu.memref_squeeze %dma_wait3A_95 : memref<1x64x16xf32, #tpu.memory_space<hbm>> -> memref<64x16xf32, #tpu.memory_space<hbm>>
      tpu.wait_dma2 semaphore(%run_scoped3A : memref<!tpu.dma_semaphore, #tpu.memory_space<semaphore_mem>>) src(%arg16 : memref<64x16xf32, #tpu.memory_space<vmem>>) dst(%dma_wait3A_96 : memref<64x16xf32, #tpu.memory_space<hbm>>)
      tpu.yield
    }) : () -> ()
    %mul3A_83 = arith.constant 640 : i32
    %mul3A_84 = arith.muli %arg1, %mul3A_83 : i32
    %add3A_85 = arith.constant 576 : i32
    %add3A_86 = arith.addi %mul3A_84, %add3A_85 : i32
    "tpu.region"() ({
      %run_scoped3A = tpu.sem_alloc : memref<!tpu.dma_semaphore, #tpu.memory_space<semaphore_mem>>
      %dma_start3A = arith.constant 0 : i32
      %dma_start3A_87 = tpu.memref_slice %arg10[%add3A_86, %dma_start3A] : memref<10240x128xf32, #tpu.memory_space<vmem_shared>> -> memref<64x128xf32, #tpu.memory_space<vmem_shared>>
      %dma_start3A_88 = arith.constant 0 : i32
      %dma_start3A_89 = tpu.memref_slice %arg10[%add3A_86, %dma_start3A_88] : memref<10240x128xf32, #tpu.memory_space<vmem_shared>> -> memref<64x128xf32, #tpu.memory_space<vmem_shared>>
      tpu.enqueue_dma source(%dma_start3A_89 : memref<64x128xf32, #tpu.memory_space<vmem_shared>>) target(%arg14 : memref<64x128xf32, #tpu.memory_space<vmem>>) target_semaphore(%run_scoped3A : memref<!tpu.dma_semaphore, #tpu.memory_space<semaphore_mem>>)
      %dma_wait3A = arith.constant 0 : i32
      %dma_wait3A_90 = tpu.memref_slice %arg10[%add3A_86, %dma_wait3A] : memref<10240x128xf32, #tpu.memory_space<vmem_shared>> -> memref<64x128xf32, #tpu.memory_space<vmem_shared>>
      %dma_wait3A_91 = arith.constant 0 : i32
      %dma_wait3A_92 = tpu.memref_slice %arg10[%add3A_86, %dma_wait3A_91] : memref<10240x128xf32, #tpu.memory_space<vmem_shared>> -> memref<64x128xf32, #tpu.memory_space<vmem_shared>>
      tpu.wait_dma2 semaphore(%run_scoped3A : memref<!tpu.dma_semaphore, #tpu.memory_space<semaphore_mem>>) src(%dma_wait3A_92 : memref<64x128xf32, #tpu.memory_space<vmem_shared>>) dst(%arg14 : memref<64x128xf32, #tpu.memory_space<vmem>>)
      tpu.yield
    }) : () -> ()
    "tpu.region"() ({
      %run_scoped3A = tpu.sem_alloc : memref<!tpu.dma_semaphore, #tpu.memory_space<semaphore_mem>>
      %dma_start3A = arith.constant 0 : i32
      %dma_start3A_87 = tpu.memref_slice %arg8[%arg0, %add3A_86, %dma_start3A] : memref<2x10240x128xf32, #tpu.memory_space<hbm>> -> memref<1x64x128xf32, #tpu.memory_space<hbm>>
      %dma_start3A_88 = tpu.memref_squeeze %dma_start3A_87 : memref<1x64x128xf32, #tpu.memory_space<hbm>> -> memref<64x128xf32, #tpu.memory_space<hbm>>
      %dma_start3A_89 = arith.constant 0 : i32
      %dma_start3A_90 = tpu.memref_slice %arg8[%arg0, %add3A_86, %dma_start3A_89] : memref<2x10240x128xf32, #tpu.memory_space<hbm>> -> memref<1x64x128xf32, #tpu.memory_space<hbm>>
      %dma_start3A_91 = tpu.memref_squeeze %dma_start3A_90 : memref<1x64x128xf32, #tpu.memory_space<hbm>> -> memref<64x128xf32, #tpu.memory_space<hbm>>
      tpu.enqueue_dma source(%arg14 : memref<64x128xf32, #tpu.memory_space<vmem>>) target(%dma_start3A_91 : memref<64x128xf32, #tpu.memory_space<hbm>>) target_semaphore(%run_scoped3A : memref<!tpu.dma_semaphore, #tpu.memory_space<semaphore_mem>>)
      %dma_wait3A = arith.constant 0 : i32
      %dma_wait3A_92 = tpu.memref_slice %arg8[%arg0, %add3A_86, %dma_wait3A] : memref<2x10240x128xf32, #tpu.memory_space<hbm>> -> memref<1x64x128xf32, #tpu.memory_space<hbm>>
      %dma_wait3A_93 = tpu.memref_squeeze %dma_wait3A_92 : memref<1x64x128xf32, #tpu.memory_space<hbm>> -> memref<64x128xf32, #tpu.memory_space<hbm>>
      %dma_wait3A_94 = arith.constant 0 : i32
      %dma_wait3A_95 = tpu.memref_slice %arg8[%arg0, %add3A_86, %dma_wait3A_94] : memref<2x10240x128xf32, #tpu.memory_space<hbm>> -> memref<1x64x128xf32, #tpu.memory_space<hbm>>
      %dma_wait3A_96 = tpu.memref_squeeze %dma_wait3A_95 : memref<1x64x128xf32, #tpu.memory_space<hbm>> -> memref<64x128xf32, #tpu.memory_space<hbm>>
      tpu.wait_dma2 semaphore(%run_scoped3A : memref<!tpu.dma_semaphore, #tpu.memory_space<semaphore_mem>>) src(%arg14 : memref<64x128xf32, #tpu.memory_space<vmem>>) dst(%dma_wait3A_96 : memref<64x128xf32, #tpu.memory_space<hbm>>)
      tpu.yield
    }) : () -> ()
    "tpu.region"() ({
      %run_scoped3A = tpu.sem_alloc : memref<!tpu.dma_semaphore, #tpu.memory_space<semaphore_mem>>
      %dma_start3A = arith.constant 0 : i32
      %dma_start3A_87 = tpu.memref_slice %arg11[%add3A_86, %dma_start3A] : memref<10240x16xf32, #tpu.memory_space<vmem_shared>> -> memref<64x16xf32, #tpu.memory_space<vmem_shared>>
      %dma_start3A_88 = arith.constant 0 : i32
      %dma_start3A_89 = tpu.memref_slice %arg11[%add3A_86, %dma_start3A_88] : memref<10240x16xf32, #tpu.memory_space<vmem_shared>> -> memref<64x16xf32, #tpu.memory_space<vmem_shared>>
      tpu.enqueue_dma source(%dma_start3A_89 : memref<64x16xf32, #tpu.memory_space<vmem_shared>>) target(%arg16 : memref<64x16xf32, #tpu.memory_space<vmem>>) target_semaphore(%run_scoped3A : memref<!tpu.dma_semaphore, #tpu.memory_space<semaphore_mem>>)
      %dma_wait3A = arith.constant 0 : i32
      %dma_wait3A_90 = tpu.memref_slice %arg11[%add3A_86, %dma_wait3A] : memref<10240x16xf32, #tpu.memory_space<vmem_shared>> -> memref<64x16xf32, #tpu.memory_space<vmem_shared>>
      %dma_wait3A_91 = arith.constant 0 : i32
      %dma_wait3A_92 = tpu.memref_slice %arg11[%add3A_86, %dma_wait3A_91] : memref<10240x16xf32, #tpu.memory_space<vmem_shared>> -> memref<64x16xf32, #tpu.memory_space<vmem_shared>>
      tpu.wait_dma2 semaphore(%run_scoped3A : memref<!tpu.dma_semaphore, #tpu.memory_space<semaphore_mem>>) src(%dma_wait3A_92 : memref<64x16xf32, #tpu.memory_space<vmem_shared>>) dst(%arg16 : memref<64x16xf32, #tpu.memory_space<vmem>>)
      tpu.yield
    }) : () -> ()
    "tpu.region"() ({
      %run_scoped3A = tpu.sem_alloc : memref<!tpu.dma_semaphore, #tpu.memory_space<semaphore_mem>>
      %dma_start3A = arith.constant 0 : i32
      %dma_start3A_87 = tpu.memref_slice %arg9[%arg0, %add3A_86, %dma_start3A] : memref<2x10240x16xf32, #tpu.memory_space<hbm>> -> memref<1x64x16xf32, #tpu.memory_space<hbm>>
      %dma_start3A_88 = tpu.memref_squeeze %dma_start3A_87 : memref<1x64x16xf32, #tpu.memory_space<hbm>> -> memref<64x16xf32, #tpu.memory_space<hbm>>
      %dma_start3A_89 = arith.constant 0 : i32
      %dma_start3A_90 = tpu.memref_slice %arg9[%arg0, %add3A_86, %dma_start3A_89] : memref<2x10240x16xf32, #tpu.memory_space<hbm>> -> memref<1x64x16xf32, #tpu.memory_space<hbm>>
      %dma_start3A_91 = tpu.memref_squeeze %dma_start3A_90 : memref<1x64x16xf32, #tpu.memory_space<hbm>> -> memref<64x16xf32, #tpu.memory_space<hbm>>
      tpu.enqueue_dma source(%arg16 : memref<64x16xf32, #tpu.memory_space<vmem>>) target(%dma_start3A_91 : memref<64x16xf32, #tpu.memory_space<hbm>>) target_semaphore(%run_scoped3A : memref<!tpu.dma_semaphore, #tpu.memory_space<semaphore_mem>>)
      %dma_wait3A = arith.constant 0 : i32
      %dma_wait3A_92 = tpu.memref_slice %arg9[%arg0, %add3A_86, %dma_wait3A] : memref<2x10240x16xf32, #tpu.memory_space<hbm>> -> memref<1x64x16xf32, #tpu.memory_space<hbm>>
      %dma_wait3A_93 = tpu.memref_squeeze %dma_wait3A_92 : memref<1x64x16xf32, #tpu.memory_space<hbm>> -> memref<64x16xf32, #tpu.memory_space<hbm>>
      %dma_wait3A_94 = arith.constant 0 : i32
      %dma_wait3A_95 = tpu.memref_slice %arg9[%arg0, %add3A_86, %dma_wait3A_94] : memref<2x10240x16xf32, #tpu.memory_space<hbm>> -> memref<1x64x16xf32, #tpu.memory_space<hbm>>
      %dma_wait3A_96 = tpu.memref_squeeze %dma_wait3A_95 : memref<1x64x16xf32, #tpu.memory_space<hbm>> -> memref<64x16xf32, #tpu.memory_space<hbm>>
      tpu.wait_dma2 semaphore(%run_scoped3A : memref<!tpu.dma_semaphore, #tpu.memory_space<semaphore_mem>>) src(%arg16 : memref<64x16xf32, #tpu.memory_space<vmem>>) dst(%dma_wait3A_96 : memref<64x16xf32, #tpu.memory_space<hbm>>)
      tpu.yield
    }) : () -> ()
    return
  }
}

module attributes {stable_mosaic.version = 14 : i64} {
  func.func @_tc1_body(%arg0: i32, %arg1: memref<512x128xf32, #tpu.memory_space<vmem>>, %arg2: memref<512x128xf32, #tpu.memory_space<vmem>>, %arg3: memref<512x128xf32, #tpu.memory_space<vmem>>, %arg4: memref<512x16xf32, #tpu.memory_space<vmem>>, %arg5: memref<512x16xf32, #tpu.memory_space<vmem>>, %arg6: memref<128x256xf32, #tpu.memory_space<vmem>>, %arg7: memref<128x256xf32, #tpu.memory_space<vmem>>, %arg8: memref<1x256xf32, #tpu.memory_space<vmem>>, %arg9: memref<256x128xf32, #tpu.memory_space<vmem>>, %arg10: memref<256x128xf32, #tpu.memory_space<vmem>>, %arg11: memref<512x128xf32, #tpu.memory_space<vmem>>, %arg12: memref<512x128xf32, #tpu.memory_space<vmem>>) attributes {dimension_semantics = [#tpu.dimension_semantics<arbitrary>], iteration_bounds = array<i64: 20>, scalar_prefetch = 0 : i64, scratch_operands = 0 : i64, tpu.core_type = #tpu.core_type<tc>, window_params = [{transform_indices = @transform_0, window_bounds = array<i64: 512, 128>}, {transform_indices = @transform_1, window_bounds = array<i64: 512, 128>}, {transform_indices = @transform_2, window_bounds = array<i64: 512, 128>}, {transform_indices = @transform_3, window_bounds = array<i64: 512, 16>}, {transform_indices = @transform_4, window_bounds = array<i64: 512, 16>}, {pipeline_mode = #tpu.pipeline_mode<synchronous>, transform_indices = @transform_5, window_bounds = array<i64: 128, 256>}, {pipeline_mode = #tpu.pipeline_mode<synchronous>, transform_indices = @transform_6, window_bounds = array<i64: 128, 256>}, {pipeline_mode = #tpu.pipeline_mode<synchronous>, transform_indices = @transform_7, window_bounds = array<i64: 1, 256>}, {pipeline_mode = #tpu.pipeline_mode<synchronous>, transform_indices = @transform_8, window_bounds = array<i64: 256, 128>}, {pipeline_mode = #tpu.pipeline_mode<synchronous>, transform_indices = @transform_9, window_bounds = array<i64: 256, 128>}, {transform_indices = @transform_10, window_bounds = array<i64: 512, 128>}, {transform_indices = @transform_11, window_bounds = array<i64: 512, 128>}]} {
    %get3A = arith.constant 0 : index
    %get3A_0 = arith.constant 0 : index
    %get3A_1 = vector.load %arg4[%get3A, %get3A_0] : memref<512x16xf32, #tpu.memory_space<vmem>>, vector<512x1xf32>
    %get3A_2 = arith.constant 0 : index
    %get3A_3 = arith.constant 0 : index
    %get3A_4 = vector.load %arg5[%get3A_2, %get3A_3] : memref<512x16xf32, #tpu.memory_space<vmem>>, vector<512x1xf32>
    %add3A = arith.addf %get3A_1, %get3A_4 : vector<512x1xf32>
    %max3A = arith.constant 1.000000e+00 : f32
    %max3A_5 = vector.broadcast %max3A : f32 to vector<512x1xf32>
    %max3A_6 = arith.maximumf %add3A, %max3A_5 : vector<512x1xf32>
    %div3A = arith.constant 1.000000e+00 : f32
    %div3A_7 = vector.broadcast %div3A : f32 to vector<512x1xf32>
    %div3A_8 = arith.divf %div3A_7, %max3A_6 : vector<512x1xf32>
    %get3A_9 = arith.constant 0 : index
    %get3A_10 = arith.constant 0 : index
    %get3A_11 = vector.load %arg2[%get3A_9, %get3A_10] : memref<512x128xf32, #tpu.memory_space<vmem>>, vector<512x128xf32>
    %get3A_12 = arith.constant 0 : index
    %get3A_13 = arith.constant 0 : index
    %get3A_14 = vector.load %arg3[%get3A_12, %get3A_13] : memref<512x128xf32, #tpu.memory_space<vmem>>, vector<512x128xf32>
    %add3A_15 = arith.addf %get3A_11, %get3A_14 : vector<512x128xf32>
    %mul3A = vector.broadcast %div3A_8 : vector<512x1xf32> to vector<512x128xf32>
    %mul3A_16 = arith.mulf %add3A_15, %mul3A : vector<512x128xf32>
    %get3A_17 = arith.constant 0 : index
    %get3A_18 = arith.constant 0 : index
    %get3A_19 = vector.load %arg1[%get3A_17, %get3A_18] : memref<512x128xf32, #tpu.memory_space<vmem>>, vector<512x128xf32>
    %get3A_20 = arith.constant 0 : index
    %get3A_21 = arith.constant 0 : index
    %get3A_22 = vector.load %arg6[%get3A_20, %get3A_21] : memref<128x256xf32, #tpu.memory_space<vmem>>, vector<128x256xf32>
    %dot_general3A = arith.constant dense<0.000000e+00> : vector<512x256xf32>
    %dot_general3A_23 = tpu.matmul %get3A_19, %get3A_22, %dot_general3A {dimension_numbers = #tpu.dot_dimension_numbers<[1], [0], [0], [1], [0, 0, 1, 1], [], []>, transpose_lhs_hint = false} : vector<512x128xf32>, vector<128x256xf32>, vector<512x256xf32> -> vector<512x256xf32>
    %get3A_24 = arith.constant 0 : index
    %get3A_25 = arith.constant 0 : index
    %get3A_26 = vector.load %arg7[%get3A_24, %get3A_25] : memref<128x256xf32, #tpu.memory_space<vmem>>, vector<128x256xf32>
    %dot_general3A_27 = arith.constant dense<0.000000e+00> : vector<512x256xf32>
    %dot_general3A_28 = tpu.matmul %mul3A_16, %get3A_26, %dot_general3A_27 {dimension_numbers = #tpu.dot_dimension_numbers<[1], [0], [0], [1], [0, 0, 1, 1], [], []>, transpose_lhs_hint = false} : vector<512x128xf32>, vector<128x256xf32>, vector<512x256xf32> -> vector<512x256xf32>
    %add3A_29 = arith.addf %dot_general3A_23, %dot_general3A_28 : vector<512x256xf32>
    %get3A_30 = arith.constant 0 : index
    %get3A_31 = arith.constant 0 : index
    %get3A_32 = vector.load %arg8[%get3A_30, %get3A_31] : memref<1x256xf32, #tpu.memory_space<vmem>>, vector<1x256xf32>
    %add3A_33 = vector.broadcast %get3A_32 : vector<1x256xf32> to vector<512x256xf32>
    %add3A_34 = arith.addf %add3A_29, %add3A_33 : vector<512x256xf32>
    %max3A_35 = arith.constant 0.000000e+00 : f32
    %max3A_36 = vector.broadcast %max3A_35 : f32 to vector<512x256xf32>
    %max3A_37 = arith.maximumf %add3A_34, %max3A_36 : vector<512x256xf32>
    %get3A_38 = arith.constant 0 : index
    %get3A_39 = arith.constant 0 : index
    %get3A_40 = vector.load %arg9[%get3A_38, %get3A_39] : memref<256x128xf32, #tpu.memory_space<vmem>>, vector<256x128xf32>
    %dot_general3A_41 = arith.constant dense<0.000000e+00> : vector<512x128xf32>
    %dot_general3A_42 = tpu.matmul %max3A_37, %get3A_40, %dot_general3A_41 {dimension_numbers = #tpu.dot_dimension_numbers<[1], [0], [0], [1], [0, 0, 1, 1], [], []>, transpose_lhs_hint = false} : vector<512x256xf32>, vector<256x128xf32>, vector<512x128xf32> -> vector<512x128xf32>
    %swap3A = arith.constant 0 : index
    %swap3A_43 = arith.constant 0 : index
    %swap3A_44 = vector.load %arg11[%swap3A, %swap3A_43] : memref<512x128xf32, #tpu.memory_space<vmem>>, vector<512x128xf32>
    tpu.vector_store %arg11[%swap3A, %swap3A_43], %dot_general3A_42 {strides = array<i32>} : memref<512x128xf32, #tpu.memory_space<vmem>>, vector<512x128xf32>,
    %get3A_45 = arith.constant 0 : index
    %get3A_46 = arith.constant 0 : index
    %get3A_47 = vector.load %arg10[%get3A_45, %get3A_46] : memref<256x128xf32, #tpu.memory_space<vmem>>, vector<256x128xf32>
    %dot_general3A_48 = arith.constant dense<0.000000e+00> : vector<512x128xf32>
    %dot_general3A_49 = tpu.matmul %max3A_37, %get3A_47, %dot_general3A_48 {dimension_numbers = #tpu.dot_dimension_numbers<[1], [0], [0], [1], [0, 0, 1, 1], [], []>, transpose_lhs_hint = false} : vector<512x256xf32>, vector<256x128xf32>, vector<512x128xf32> -> vector<512x128xf32>
    %swap3A_50 = arith.constant 0 : index
    %swap3A_51 = arith.constant 0 : index
    %swap3A_52 = vector.load %arg12[%swap3A_50, %swap3A_51] : memref<512x128xf32, #tpu.memory_space<vmem>>, vector<512x128xf32>
    tpu.vector_store %arg12[%swap3A_50, %swap3A_51], %dot_general3A_49 {strides = array<i32>} : memref<512x128xf32, #tpu.memory_space<vmem>>, vector<512x128xf32>,
    return
  }
  func.func @transform_0(%arg0: i32) -> (i32, i32) {
    %c0_i32 = arith.constant 0 : i32
    %c0_i32_0 = arith.constant 0 : i32
    return %arg0, %c0_i32 : i32, i32
  }
  func.func @transform_1(%arg0: i32) -> (i32, i32) {
    %c0_i32 = arith.constant 0 : i32
    %c0_i32_0 = arith.constant 0 : i32
    return %arg0, %c0_i32 : i32, i32
  }
  func.func @transform_2(%arg0: i32) -> (i32, i32) {
    %c0_i32 = arith.constant 0 : i32
    %c0_i32_0 = arith.constant 0 : i32
    return %arg0, %c0_i32 : i32, i32
  }
  func.func @transform_3(%arg0: i32) -> (i32, i32) {
    %c0_i32 = arith.constant 0 : i32
    %c0_i32_0 = arith.constant 0 : i32
    return %arg0, %c0_i32 : i32, i32
  }
  func.func @transform_4(%arg0: i32) -> (i32, i32) {
    %c0_i32 = arith.constant 0 : i32
    %c0_i32_0 = arith.constant 0 : i32
    return %arg0, %c0_i32 : i32, i32
  }
  func.func @transform_5(%arg0: i32) -> (i32, i32) {
    %c0_i32 = arith.constant 0 : i32
    %c0_i32_0 = arith.constant 0 : i32
    %c0_i32_1 = arith.constant 0 : i32
    return %c0_i32, %c0_i32_0 : i32, i32
  }
  func.func @transform_6(%arg0: i32) -> (i32, i32) {
    %c0_i32 = arith.constant 0 : i32
    %c0_i32_0 = arith.constant 0 : i32
    %c0_i32_1 = arith.constant 0 : i32
    return %c0_i32, %c0_i32_0 : i32, i32
  }
  func.func @transform_7(%arg0: i32) -> (i32, i32) {
    %c0_i32 = arith.constant 0 : i32
    %c0_i32_0 = arith.constant 0 : i32
    %c0_i32_1 = arith.constant 0 : i32
    return %c0_i32, %c0_i32_0 : i32, i32
  }
  func.func @transform_8(%arg0: i32) -> (i32, i32) {
    %c0_i32 = arith.constant 0 : i32
    %c0_i32_0 = arith.constant 0 : i32
    %c0_i32_1 = arith.constant 0 : i32
    return %c0_i32, %c0_i32_0 : i32, i32
  }
  func.func @transform_9(%arg0: i32) -> (i32, i32) {
    %c0_i32 = arith.constant 0 : i32
    %c0_i32_0 = arith.constant 0 : i32
    %c0_i32_1 = arith.constant 0 : i32
    return %c0_i32, %c0_i32_0 : i32, i32
  }
  func.func @transform_10(%arg0: i32) -> (i32, i32) {
    %c0_i32 = arith.constant 0 : i32
    %c0_i32_0 = arith.constant 0 : i32
    return %arg0, %c0_i32 : i32, i32
  }
  func.func @transform_11(%arg0: i32) -> (i32, i32) {
    %c0_i32 = arith.constant 0 : i32
    %c0_i32_0 = arith.constant 0 : i32
    return %arg0, %c0_i32 : i32, i32
  }
}

module attributes {stable_mosaic.version = 14 : i64} {
  func.func @_tc2_body(%arg0: i32, %arg1: memref<512x128xf32, #tpu.memory_space<vmem>>, %arg2: memref<512x128xf32, #tpu.memory_space<vmem>>, %arg3: memref<512x128xf32, #tpu.memory_space<vmem>>, %arg4: memref<512x16xf32, #tpu.memory_space<vmem>>, %arg5: memref<512x16xf32, #tpu.memory_space<vmem>>, %arg6: memref<1x128xf32, #tpu.memory_space<vmem>>, %arg7: memref<512x128xf32, #tpu.memory_space<vmem>>) attributes {dimension_semantics = [#tpu.dimension_semantics<arbitrary>], iteration_bounds = array<i64: 20>, scalar_prefetch = 0 : i64, scratch_operands = 0 : i64, tpu.core_type = #tpu.core_type<tc>, window_params = [{transform_indices = @transform_0, window_bounds = array<i64: 512, 128>}, {transform_indices = @transform_1, window_bounds = array<i64: 512, 128>}, {transform_indices = @transform_2, window_bounds = array<i64: 512, 128>}, {transform_indices = @transform_3, window_bounds = array<i64: 512, 16>}, {transform_indices = @transform_4, window_bounds = array<i64: 512, 16>}, {pipeline_mode = #tpu.pipeline_mode<synchronous>, transform_indices = @transform_5, window_bounds = array<i64: 1, 128>}, {transform_indices = @transform_6, window_bounds = array<i64: 512, 128>}]} {
    %get3A = arith.constant 0 : index
    %get3A_0 = arith.constant 0 : index
    %get3A_1 = vector.load %arg4[%get3A, %get3A_0] : memref<512x16xf32, #tpu.memory_space<vmem>>, vector<512x1xf32>
    %get3A_2 = arith.constant 0 : index
    %get3A_3 = arith.constant 0 : index
    %get3A_4 = vector.load %arg5[%get3A_2, %get3A_3] : memref<512x16xf32, #tpu.memory_space<vmem>>, vector<512x1xf32>
    %add3A = arith.addf %get3A_1, %get3A_4 : vector<512x1xf32>
    %max3A = arith.constant 1.000000e+00 : f32
    %max3A_5 = vector.broadcast %max3A : f32 to vector<512x1xf32>
    %max3A_6 = arith.maximumf %add3A, %max3A_5 : vector<512x1xf32>
    %div3A = arith.constant 1.000000e+00 : f32
    %div3A_7 = vector.broadcast %div3A : f32 to vector<512x1xf32>
    %div3A_8 = arith.divf %div3A_7, %max3A_6 : vector<512x1xf32>
    %get3A_9 = arith.constant 0 : index
    %get3A_10 = arith.constant 0 : index
    %get3A_11 = vector.load %arg2[%get3A_9, %get3A_10] : memref<512x128xf32, #tpu.memory_space<vmem>>, vector<512x128xf32>
    %get3A_12 = arith.constant 0 : index
    %get3A_13 = arith.constant 0 : index
    %get3A_14 = vector.load %arg3[%get3A_12, %get3A_13] : memref<512x128xf32, #tpu.memory_space<vmem>>, vector<512x128xf32>
    %add3A_15 = arith.addf %get3A_11, %get3A_14 : vector<512x128xf32>
    %mul3A = vector.broadcast %div3A_8 : vector<512x1xf32> to vector<512x128xf32>
    %mul3A_16 = arith.mulf %add3A_15, %mul3A : vector<512x128xf32>
    %get3A_17 = arith.constant 0 : index
    %get3A_18 = arith.constant 0 : index
    %get3A_19 = vector.load %arg1[%get3A_17, %get3A_18] : memref<512x128xf32, #tpu.memory_space<vmem>>, vector<512x128xf32>
    %add3A_20 = arith.addf %get3A_19, %mul3A_16 : vector<512x128xf32>
    %get3A_21 = arith.constant 0 : index
    %get3A_22 = arith.constant 0 : index
    %get3A_23 = vector.load %arg6[%get3A_21, %get3A_22] : memref<1x128xf32, #tpu.memory_space<vmem>>, vector<1x128xf32>
    %add3A_24 = vector.broadcast %get3A_23 : vector<1x128xf32> to vector<512x128xf32>
    %add3A_25 = arith.addf %add3A_20, %add3A_24 : vector<512x128xf32>
    %max3A_26 = arith.constant 0.000000e+00 : f32
    %max3A_27 = vector.broadcast %max3A_26 : f32 to vector<512x128xf32>
    %max3A_28 = arith.maximumf %add3A_25, %max3A_27 : vector<512x128xf32>
    %swap3A = arith.constant 0 : index
    %swap3A_29 = arith.constant 0 : index
    %swap3A_30 = vector.load %arg7[%swap3A, %swap3A_29] : memref<512x128xf32, #tpu.memory_space<vmem>>, vector<512x128xf32>
    tpu.vector_store %arg7[%swap3A, %swap3A_29], %max3A_28 {strides = array<i32>} : memref<512x128xf32, #tpu.memory_space<vmem>>, vector<512x128xf32>,
    return
  }
  func.func @transform_0(%arg0: i32) -> (i32, i32) {
    %c0_i32 = arith.constant 0 : i32
    %c0_i32_0 = arith.constant 0 : i32
    return %arg0, %c0_i32 : i32, i32
  }
  func.func @transform_1(%arg0: i32) -> (i32, i32) {
    %c0_i32 = arith.constant 0 : i32
    %c0_i32_0 = arith.constant 0 : i32
    return %arg0, %c0_i32 : i32, i32
  }
  func.func @transform_2(%arg0: i32) -> (i32, i32) {
    %c0_i32 = arith.constant 0 : i32
    %c0_i32_0 = arith.constant 0 : i32
    return %arg0, %c0_i32 : i32, i32
  }
  func.func @transform_3(%arg0: i32) -> (i32, i32) {
    %c0_i32 = arith.constant 0 : i32
    %c0_i32_0 = arith.constant 0 : i32
    return %arg0, %c0_i32 : i32, i32
  }
  func.func @transform_4(%arg0: i32) -> (i32, i32) {
    %c0_i32 = arith.constant 0 : i32
    %c0_i32_0 = arith.constant 0 : i32
    return %arg0, %c0_i32 : i32, i32
  }
  func.func @transform_5(%arg0: i32) -> (i32, i32) {
    %c0_i32 = arith.constant 0 : i32
    %c0_i32_0 = arith.constant 0 : i32
    %c0_i32_1 = arith.constant 0 : i32
    return %c0_i32, %c0_i32_0 : i32, i32
  }
  func.func @transform_6(%arg0: i32) -> (i32, i32) {
    %c0_i32 = arith.constant 0 : i32
    %c0_i32_0 = arith.constant 0 : i32
    return %arg0, %c0_i32 : i32, i32
  }
}

</mosaic_0001>

<sc_bundles>
// kernel: kernel.6.cloned.1.call-start
scs
__scs_entry_jumppad:
0x0: {  	(pc) =	sbr.rel $0x88, $3  }
0x1: {  	(tag) =	ssettag $0x0;
	lr =	simm.s32 $0x1  }
0x2: {  	[smem:$0x3F99] =	sst lr;
	_ =	strace $0xD0000000  }
0x3: {  	_ = 	snop  }
0x4: {  	_ = 	snop  }
0x5: {  	_ = 	snop  }
0x6: {  	_ = 	snop  }
0x7: {  	_ = 	snop  }
__scs_overlays_trampoline_lowered:
0x8: {  	[smem:$0x3FA8] =	sst s0  }
0x9: {  	[smem:$0x3FA9] =	sst s1  }
0xa: {  	[smem:$0x3FAA] =	sst s2  }
0xb: {  	[smem:$0x3FAB] =	sst s3  }
0xc: {  	[smem:$0x3FAC] =	sst s4  }
0xd: {  	[smem:$0x3FAD] =	sst s5  }
0xe: {  	[smem:$0x3FAE] =	sst s6  }
0xf: {  	[smem:$0x3FAF] =	sst s7  }
0x10: {  	[smem:$0x3FB0] =	sst s8  }
0x11: {  	[smem:$0x3FB1] =	sst s9;
	s0 =	simm.s32 @!p0 $0x0  }
0x12: {  	s1 =	sld [smem:$0x3F97];
	s0 =	simm.s32 @p0 $0x1  }
0x13: {  	[smem:$0x3FB2] =	sst s0;
	s0 =	simm.s32 @!p1 $0x0  }
0x14: {  	s2 =	sld [smem:$0x3F96];
	s0 =	simm.s32 @p1 $0x1  }
0x15: {  	[smem:$0x3FB3] =	sst s0;
	s0 =	simm.s32 @!p2 $0x0  }
0x16: {  	s3 =	sld [smem:$0x3FDB];
	s0 =	simm.s32 @p2 $0x1  }
0x17: {  	s4 =	simm.s32 $0x1BF5;
	[smem:$0x3FB5] =	sst s0  }
0x18: {  	s0 =	sld [smem:$0x3F98];
	_ =	swait.ge [sflag:s4], $0x0  }
0x19: {  	s7 =	sld [smem:$0x3F99]  }
0x1a: {  	s8 =	sadd.s32 $0xFFFFE003, lr  }
0x1b: {  	s9 =	sadd.s32 $0xFFFFFEF7, lr;
	s5 =	simm.s32 $0xFFFFFFFF;
	p2 =	slt.u32 s8, $0xFFFFF086  }
0x1c: {  	p1 =	slt.u32 s9, $0xF7A;
	s5 =	simm.s32 @!p2 $0x0  }
0x1d: {  	s5 =	simm.s32 @p1 $0x1;
	p0 =	seq.s32 s7, s2  }
0x1e: {  	s7 =	smul.u32 @!p0 $0xF7A, s2;
	p2 =	seq.s32 @!p0 s5, $0x0  }
0x1f: {  	s9 =	smul.u32 $0xF7A, s1;
	s8 =	simm.s32 @!p0 $0x1BF5;
	p2 =	por !p2, p0  }
0x20: {  	[sflag:s8] =	ssyncset.s32 @!p0 $0xFFFFF086;
	s6 =	sadd.s32 @!p0 s3, s7;
	s7 =	simm.s32 @!p0 $0x108  }
0x21: {  	s3 =	sadd.s32 s3, s9;
	s6 =	sadd.s32 @!p0 $0x88, s6;
	s7 =	simm.s32 @p2 $0x1082  }
0x22: {  	[simem:s7], [sflag:s8] =	dma.local @!p0 [hbm:s6], $0xF7A  }
0x23: {  	s9 =	sor.u32 $0xD0000000, s2;
	s6 =	simm.s32 $0x108;
	_ =	swait.ge @!p0 [sflag:s8], $0x0  }
0x24: {  	s3 =	sadd.s32 $0x88, s3;
	s6 =	simm.s32 @!p1 $0x1082;
	[sflag:s4] =	ssyncset.s32 $0xFFFFF086  }
0x25: {  	[simem:s6], [sflag:s4] =	dma.local [hbm:s3], $0xF7A  }
0x26: {  	[smem:$0x3F99] =	sst s1;
	(tag) =	ssettag s2;
	_ =	strace s9  }
0x27: {  	s1 =	sld [smem:$0x3FA9]  }
0x28: {  	s2 =	sld [smem:$0x3FAA]  }
0x29: {  	s4 =	sld [smem:$0x3FAC]  }
0x2a: {  	p0 =	seq.s32 s5, $0x0;
	s5 =	sld [smem:$0x3FAD]  }
0x2b: {  	s6 =	sld [smem:$0x3FAE]  }
0x2c: {  	s7 =	sld [smem:$0x3FAF]  }
0x2d: {  	s3 =	simm.s32 $0x108;
	s8 =	sld [smem:$0x3FB0]  }
0x2e: {  	s3 =	simm.s32 @!p0 $0x1082;
	s9 =	sld [smem:$0x3FB1]  }
0x2f: {  	lr =	sadd.s32 s0, s3;
	s0 =	sld [smem:$0x3FA8]  }
0x30: {  	s3 =	sld [smem:$0x3FAB]  }
0x31: {  	[smem:$0x3FB4] =	sst s10  }
0x32: {  	s10 =	sld [smem:$0x3FB2];
	_ =	sdelay $0x3  }
0x33: {  	p0 =	seq.s32 s10, $0x1;
	s10 =	sld [smem:$0x3FB4];
	_ =	sdelay $0x3  }
0x34: {  	[smem:$0x3FB4] =	sst s10  }
0x35: {  	s10 =	sld [smem:$0x3FB3];
	_ =	sdelay $0x3  }
0x36: {  	p1 =	seq.s32 s10, $0x1;
	s10 =	sld [smem:$0x3FB4];
	_ =	sdelay $0x3  }
0x37: {  	[smem:$0x3FB4] =	sst s10  }
0x38: {  	s10 =	sld [smem:$0x3FB5]  }
0x39: {  	_ = 	snop;
	(pc) =	sbr.ind lr, $3  }
0x3a: {  	_ = 	snop  }
0x3b: {  	_ = 	snop  }
0x3c: {  	p2 =	seq.s32 s10, $0x1;
	s10 =	sld [smem:$0x3FB4]  }
0x3d: {  	_ =	shalt  }
0x3e: {  	_ =	shalt  }
0x3f: {  	_ =	shalt  }
0x40: {  	_ =	shalt  }
0x41: {  	_ =	shalt  }
0x42: {  	_ =	shalt  }
0x43: {  	_ =	shalt  }
0x44: {  	_ =	shalt  }
0x45: {  	_ =	shalt  }
0x46: {  	_ =	shalt  }
0x47: {  	_ =	shalt  }
0x48: {  	_ =	shalt  }
0x49: {  	_ =	shalt  }
0x4a: {  	_ =	shalt  }
0x4b: {  	_ =	shalt  }
0x4c: {  	_ =	shalt  }
0x4d: {  	_ =	shalt  }
0x4e: {  	_ =	shalt  }
0x4f: {  	_ =	shalt  }
0x50: {  	_ =	shalt  }
0x51: {  	_ =	shalt  }
0x52: {  	_ =	shalt  }
0x53: {  	_ =	shalt  }
0x54: {  	_ =	shalt  }
0x55: {  	_ =	shalt  }
0x56: {  	_ =	shalt  }
0x57: {  	_ =	shalt  }
0x58: {  	_ =	shalt  }
0x59: {  	_ =	shalt  }
0x5a: {  	_ =	shalt  }
0x5b: {  	_ =	shalt  }
0x5c: {  	_ =	shalt  }
0x5d: {  	_ =	shalt  }
0x5e: {  	_ =	shalt  }
0x5f: {  	_ =	shalt  }
0x60: {  	_ =	shalt  }
0x61: {  	_ =	shalt  }
0x62: {  	_ =	shalt  }
0x63: {  	_ =	shalt  }
0x64: {  	_ =	shalt  }
0x65: {  	_ =	shalt  }
0x66: {  	_ =	shalt  }
0x67: {  	_ =	shalt  }
0x68: {  	_ =	shalt  }
0x69: {  	_ =	shalt  }
0x6a: {  	_ =	shalt  }
0x6b: {  	_ =	shalt  }
0x6c: {  	_ =	shalt  }
0x6d: {  	_ =	shalt  }
0x6e: {  	_ =	shalt  }
0x6f: {  	_ =	shalt  }
0x70: {  	_ =	shalt  }
0x71: {  	_ =	shalt  }
0x72: {  	_ =	shalt  }
0x73: {  	_ =	shalt  }
0x74: {  	_ =	shalt  }
0x75: {  	_ =	shalt  }
0x76: {  	_ =	shalt  }
0x77: {  	_ =	shalt  }
0x78: {  	_ =	shalt  }
0x79: {  	_ =	shalt  }
0x7a: {  	_ =	shalt  }
0x7b: {  	_ =	shalt  }
0x7c: {  	_ =	shalt  }
0x7d: {  	_ =	shalt  }
0x7e: {  	_ =	shalt  }
0x7f: {  	_ =	shalt  }
0x80: {  	_ =	shalt  }
0x81: {  	_ =	shalt  }
0x82: {  	_ =	shalt  }
0x83: {  	_ =	shalt  }
0x84: {  	_ =	shalt  }
0x85: {  	_ =	shalt  }
0x86: {  	_ =	shalt  }
0x87: {  	_ =	shalt  }
.Lfunc_end0:
.L_simem_size_0:
called_computation_lowered:
.L_overlay_start_0:
0x88: {  	s2 =	sld [smem:$0x3FD9]  }
0x89: {  	s3 =	sld [smem:$0x3FFE];
	_ =	sdelay $0x1  }
0x8a: {  	s1 =	srdreg.scid  }
0x8b: {  	s0 =	sand.u32 $0x1, s1  }
0x8c: {  	s17 =	sshll.u32 s0, $0xA;
	s2 =	sadd.s32 s3, s2  }
0x8d: {  	s2 =	sadd.s32 s2, s17  }
0x8e: {  	[smem:$0x3FC0] =	sst s2  }
0x8f: {  	_ = 	snop  }
0x90: {  	s2 =	sld [smem:$0x3FD0];
	(tm) =	ssettm $0x1  }
0x91: {  	s18 =	sld [smem:$0x3FFB];
	_ =	sdelay $0x3  }
0x92: {  	_ =	strace s18  }
0x93: {  	s3 =	sld [smem:$0x3FFC];
	_ =	sdelay $0x3  }
0x94: {  	_ =	strace s3  }
0x95: {  	s3 =	sld [smem:$0x3FFD];
	_ =	sdelay $0x3  }
0x96: {  	_ =	strace s3  }
0x97: {  	_ =	strace $0x8FFFFFFF  }
0x98: {  	s19 =	sld [smem:$0x3FDB];
	_ =	sdelay $0x1  }
0x99: {  	s4 =	simm.s32 $_scs_section_size  }
0x9a: {  	s5 =	simm.s32 $_size__tile_overlayer_lowered;
	s6 =	simm.s32 $_tile_overlayer_lowered  }
0x9b: {  	s22 =	simm.s32 $0x1BFF;
	s21 =	sshll.u32 s6, $0x1;
	s3 =	sadd.s32 s4, s19  }
0x9c: {  	s7 =	simm.s32 $0x0;
	s20 =	sshll.u32 s5, $0x1;
	s5 =	sadd.s32 s21, s3  }
0x9d: {  	[timem:s7], [sflag:s22] =	dma.local [hbm:s5], s20  }
0x9e: {  	_ =	swait.ge [sflag:s22], s20  }
0x9f: {  	s4 =	ssub.s32 $0x0, s20;
	[sflag:s22] =	ssyncset.done $0x0  }
0xa0: {  	[sflag:s22] =	ssyncadd.s32 s4;
	_ =	sdelay $0x1  }
0xa1: {  	s23 =	simm.s32 $0x1B8B  }
0xa2: {  	_ =	swait.ge [sflag:s23], $0x1  }
0xa3: {  	[sflag:s23] =	ssyncset.done $0x0  }
0xa4: {  	s25 =	simm.s32 $0x1B8E;
	s24 =	sld [smem:$0x3FFE];
	[sflag:s23] =	ssyncadd.s32 $0xFFFFFFFF  }
0xa5: {  	s26 =	simm.s32 $execute0_lowered;
	[smem:$0x3FD2] =	sst s25  }
0xa6: {  	s5 =	sshll.u32 s26, $0x1;
	_ =	strace $0x80000046;
	[dreg:$0x1] =	wrdreg $0xFFFFFFFF  }
0xa7: {  	s28 =	simm.s32 $_size_execute0_lowered;
	s3 =	sadd.s32 s3, s5;
	[dreg:$0x0] =	wrdreg $0x0  }
0xa8: {  	s5 =	sshll.u32 s28, $0x1;
	[dreg:$0x2] =	wrdreg s3  }
0xa9: {  	[dreg:$0x3] =	wrdreg s5  }
0xaa: {  	[dreg:$0x4] =	wrdreg $0xC0  }
0xab: {  	_ =	task [dreg:s7], $0x5FFFF  }
0xac: {  	[dreg:$0x1] =	wrdreg $0xFFFFFFFF  }
0xad: {  	[dreg:$0x0] =	wrdreg $0x60  }
0xae: {  	[dreg:$0x2] =	wrdreg s24  }
0xaf: {  	[dreg:$0x3] =	wrdreg s2  }
0xb0: {  	[dreg:$0x4] =	wrdreg $0x0  }
0xb1: {  	[dreg:$0x5] =	wrdreg $0x140000  }
0xb2: {  	[dreg:$0x6] =	wrdreg $0x9  }
0xb3: {  	_ =	task.clear_ibuf [dreg:s7], $0x7FFFF;
	_ =	strace $0x90000046  }
0xb4: {  	s29 =	simm.s32 $0x9;
	_ =	strace $0x80000048  }
0xb5: {  	_ =	swait.ge [sflag:s29], $0x1  }
0xb6: {  	[sflag:s29] =	ssyncadd.s32 $0xFFFFFFFF  }
0xb7: {  	_ =	strace $0x90000048  }
0xb8: {  	_ =	sfence  }
0xb9: {  	s30 =	sld [smem:$0x0];
	_ =	sdelay $0x2  }
0xba: {  	s31 =	sshll.u32 s1, $0xD;
	s1 =	sshrl.u32 s1, $0x2  }
0xbb: {  	s3 =	sand.u32 $0x4000, s31;
	s1 =	sadd.s32 s1, s30  }
0xbc: {  	s0 =	sor.u32 s3, s0;
	s1 =	sshll.u32 s1, $0x11  }
0xbd: {  	s0 =	sor.u32 s1, s0  }
0xbe: {  	s0 =	sadd.s32 $0x8F2B, s0  }
0xbf: {  	[sflag:s0] =	ssyncadd.remote.s32 $0x1  }
0xc0: {  	_ =	sfence.sel $0xFFFF  }
0xc1: {  	[dreg:$0x0] =	wrdreg $0xFFFFFFFF;
	(pc) =	sbr.abs _section_cstart, $3  }
0xc2: {  	[dreg:$0x1] =	wrdreg $0xFFFFFFFF  }
0xc3: {  	_ =	task.clear_ibuf [dreg:s7], $0x2FFFF;
	_ =	strace $0x9FFFFFFF  }
0xc4: {  	(tm) =	ssettm $0x7FFFFFFF  }
0xc5: {  	_ =	shalt  }
tec
execute0_lowered:
.L_overlay_start_1:
0x0: {  	(tag) =	ssettag $0x1  }
0x1: {  	s28 =	stileid.u32  }
0x2: {  	s0 =	srdreg.scid;
	s8 =	smul.u32 $0x280, s28  }
0x3: {  	s6 =	sand.u32 $0x1, s0;
	s1 =	sshll.u32 s28, $0x1;
	s3 =	smul.u32 $0x14000, s28  }
0x4: {  	s0 =	rddreg [dreg:$0x0];
	s2 =	ssub.s32 $0x2, s6;
	s19 =	smul.u32 $0x140000, s6  }
0x5: {  	s10 =	sor.u32 s6, s1;
	s11 =	sadd.s32 $0x3E400, s0;
	s6 =	smul.u32 $0x28000, s6  }
0x6: {  	s25 =	sshrl.u32 s2, $0x1;
	s13 =	sor.u32 $0x40, s8;
	s15 =	sadd.s32 $0x80, s8  }
0x7: {  	s17 =	sadd.s32 $0xC0, s8;
	s20 =	sadd.s32 $0x100, s8;
	s21 =	sadd.s32 $0x140, s8  }
0x8: {  	s22 =	sadd.s32 $0x180, s8;
	s23 =	sadd.s32 $0x1C0, s8;
	s24 =	sadd.s32 $0x200, s8  }
0x9: {  	s8 =	sadd.s32 $0x240, s8;
	s10 =	smul.u32 $0x4F0, s10;
	s1 =	ssub.s32 s2, s25  }
0xa: {  	s2 =	sshll.u32 s15, $0x7;
	s4 =	sshll.u32 s17, $0x7;
	s7 =	sshll.u32 s20, $0x7  }
0xb: {  	s5 =	sshll.u32 s21, $0x7;
	s9 =	sadd.s32 s3, s19;
	s18 =	sshll.u32 s22, $0x7  }
0xc: {  	s15 =	sshll.u32 s15, $0x4;
	s17 =	sshll.u32 s17, $0x4;
	s29 =	sshll.u32 s22, $0x4  }
0xd: {  	s30 =	sshll.u32 s8, $0x4;
	[smem:$0x7F3] =	sst s1;
	s1 =	sshll.u32 s13, $0x7  }
0xe: {  	[smem:$0x7EF] =	sst s5;
	s9 =	sshrl.u32 s9, $0x3;
	s12 =	sadd.s32 s19, s2  }
0xf: {  	s14 =	sadd.s32 s19, s4;
	[smem:$0x7F0] =	sst s18;
	s25 =	sadd.s32 s19, s7  }
0x10: {  	s13 =	sshll.u32 s13, $0x4;
	s9 =	sadd.s32 s11, s9;
	s26 =	sadd.s32 s19, s1  }
0x11: {  	s12 =	sshrl.u32 s12, $0x3;
	s14 =	sshrl.u32 s14, $0x3;
	[dreg:$0x5] =	wrdreg s9  }
0x12: {  	s9 =	sshrl.u32 s26, $0x3;
	s12 =	sadd.s32 s11, s12;
	s16 =	sadd.s32 s11, s14  }
0x13: {  	s26 =	sadd.s32 s19, s5;
	s9 =	sadd.s32 s11, s9;
	[dreg:$0x7] =	wrdreg s12  }
0x14: {  	[dreg:$0x8] =	wrdreg s16;
	s12 =	sshrl.u32 s25, $0x3;
	s14 =	sshrl.u32 s26, $0x3  }
0x15: {  	s16 =	sadd.s32 s19, s18;
	[dreg:$0x6] =	wrdreg s9;
	s12 =	sadd.s32 s11, s12  }
0x16: {  	s5 =	sadd.s32 s11, s14;
	s9 =	sshrl.u32 s16, $0x3;
	[dreg:$0x9] =	wrdreg s12  }
0x17: {  	s18 =	sshll.u32 s8, $0x7;
	[dreg:$0xa] =	wrdreg s5;
	s12 =	sadd.s32 s11, s9  }
0x18: {  	s5 =	sshll.u32 s23, $0x7;
	s9 =	sshll.u32 s24, $0x7;
	[dreg:$0xb] =	wrdreg s12  }
0x19: {  	s25 =	sadd.s32 s19, s5;
	s26 =	sadd.s32 s19, s9;
	s19 =	sadd.s32 s19, s18  }
0x1a: {  	s25 =	sshrl.u32 s25, $0x3;
	s26 =	sshrl.u32 s26, $0x3;
	s19 =	sshrl.u32 s19, $0x3  }
0x1b: {  	s25 =	sadd.s32 s11, s25;
	s12 =	sadd.s32 s11, s26;
	s11 =	sadd.s32 s11, s19  }
0x1c: {  	s19 =	smul.u32 $0x2800, s28;
	s28 =	sshll.u32 s21, $0x4;
	s21 =	rddreg [dreg:$0x1]  }
0x1d: {  	s16 =	sadd.s32 s6, s13;
	s23 =	sshll.u32 s23, $0x4;
	[dreg:$0xc] =	wrdreg s25  }
0x1e: {  	s24 =	sshll.u32 s24, $0x4;
	s26 =	sshll.u32 s20, $0x4;
	[dreg:$0xd] =	wrdreg s12  }
0x1f: {  	[dreg:$0xe] =	wrdreg s11;
	s11 =	simm.s32 $0x0;
	s25 =	sshrl.u32 s16, $0x3  }
0x20: {  	s12 =	sadd.s32 s6, s15;
	s16 =	sadd.s32 s6, s26;
	[smem:$0x7FF] =	sst s11  }
0x21: {  	s14 =	sadd.s32 s19, s6;
	s8 =	sadd.s32 s21, s25;
	s25 =	sshrl.u32 s16, $0x3  }
0x22: {  	s16 =	sadd.s32 s6, s23;
	s20 =	sshrl.u32 s14, $0x3;
	[dreg:$0x10] =	wrdreg s8  }
0x23: {  	s14 =	sadd.s32 s6, s17;
	s8 =	sshrl.u32 s12, $0x3;
	s20 =	sadd.s32 s21, s20  }
0x24: {  	s12 =	sadd.s32 s6, s28;
	s8 =	sadd.s32 s21, s8;
	[dreg:$0xf] =	wrdreg s20  }
0x25: {  	s22 =	sshrl.u32 s16, $0x3;
	s20 =	sshrl.u32 s14, $0x3;
	[dreg:$0x11] =	wrdreg s8  }
0x26: {  	s8 =	sadd.s32 s21, s25;
	s14 =	sadd.s32 s6, s29;
	s25 =	sadd.s32 s6, s24  }
0x27: {  	s20 =	sadd.s32 s21, s20;
	[dreg:$0x13] =	wrdreg s8;
	s8 =	sshrl.u32 s12, $0x3  }
0x28: {  	s6 =	sadd.s32 s6, s30;
	[dreg:$0x12] =	wrdreg s20;
	s8 =	sadd.s32 s21, s8  }
0x29: {  	s6 =	sshrl.u32 s6, $0x3;
	s20 =	sshrl.u32 s14, $0x3;
	[dreg:$0x14] =	wrdreg s8  }
0x2a: {  	s6 =	sadd.s32 s21, s6;
	s8 =	sadd.s32 s21, s22;
	s22 =	rddreg [dreg:$0x3]  }
0x2b: {  	s20 =	sadd.s32 s21, s20;
	[dreg:$0x18] =	wrdreg s6  }
0x2c: {  	s31 =	sadd.s32 s10, s0;
	[dreg:$0x15] =	wrdreg s20  }
0x2d: {  	s10 =	sadd.s32 $0x3E000, s0;
	[dreg:$0x16] =	wrdreg s8;
	s8 =	sshrl.u32 s25, $0x3  }
0x2e: {  	s12 =	sadd.s32 $0x2000, s0;
	s20 =	rddreg [dreg:$0x2];
	s8 =	sadd.s32 s21, s8  }
0x2f: {  	s25 =	sadd.s32 $0x2200, s0;
	s0 =	sadd.s32 $0x3DE00, s0;
	[dreg:$0x17] =	wrdreg s8  }
0x30: {  	s14 =	sadd.s32 s19, s22;
	_ =	strace $0x80000047;
	[dreg:$0x19] =	wrdreg s10  }
0x31: {  	s15 =	sadd.s32 s15, s22;
	s6 =	sadd.s32 s30, s22;
	[dreg:$0x1a] =	wrdreg s12  }
0x32: {  	s21 =	sadd.s32 s3, s20;
	s19 =	sadd.s32 s1, s20;
	[dreg:$0x1b] =	wrdreg s0  }
0x33: {  	s30 =	smov.u32 s19;
	s19 =	sadd.s32 $0x34000, s31;
	[smem:$0x7EE] =	sst s15  }
0x34: {  	s3 =	sadd.s32 s24, s22;
	s24 =	sadd.s32 $0x2A200, s31;
	[smem:$0x7F1] =	sst s19  }
0x35: {  	s5 =	sadd.s32 s5, s20;
	[smem:$0x7F2] =	sst s24  }
0x36: {  	s1 =	smov.u32 s14;
	s14 =	sadd.s32 s23, s22;
	[dreg:$0x1d] =	wrdreg s5  }
0x37: {  	[dreg:$0x1f] =	wrdreg s14  }
0x38: {  	[smem:$0x7F9] =	sst s3  }
0x39: {  	s23 =	sadd.s32 s18, s20;
	[smem:$0x7FA] =	sst s1  }
0x3a: {  	[smem:$0x7FB] =	sst s23  }
0x3b: {  	[smem:$0x7FC] =	sst s6  }
0x3c: {  	s2 =	sadd.s32 s2, s20;
	s8 =	sadd.s32 s4, s20;
	s16 =	sld [smem:$0x7EF]  }
0x3d: {  	s0 =	sadd.s32 s13, s22;
	s13 =	sadd.s32 s26, s22;
	s26 =	sld [smem:$0x7F3]  }
0x3e: {  	s4 =	sadd.s32 s17, s22;
	s12 =	sadd.s32 s7, s20;
	[smem:$0x7FD] =	sst s2  }
0x3f: {  	s15 =	sadd.s32 s28, s22;
	s17 =	sld [smem:$0x7F0];
	s31 =	smov.u32 s0  }
0x40: {  	[smem:$0x7F6] =	sst s15;
	s7 =	sadd.s32 s16, s20;
	s0 =	smax.u32 s26, $0x1  }
0x41: {  	s16 =	sadd.s32 s9, s20;
	s9 =	simm.s32 $0x0;
	[smem:$0x7F4] =	sst s0  }
0x42: {  	s10 =	sadd.s32 s17, s20;
	s17 =	sadd.s32 s29, s22;
	[smem:$0x7F5] =	sst s9  }
0x43: {  	[dreg:$0x1c] =	wrdreg s17  }
0x44: {  	s18 =	simm.s32 $0x40;
	s24 =	simm.s32 $0x1B700;
	[dreg:$0x1e] =	wrdreg s10  }
0x45: {  	s28 =	simm.s32 $0x1D700;
	s19 =	simm.s32 $0x1;
	[smem:$0x7F7] =	sst s16  }
0x46: {  	s26 =	simm.s32 $0x2;
	s29 =	simm.s32 $0x1DB00;
	[smem:$0x7F8] =	sst s7  }
.LBB2_1:
0x47: {  	s0 =	rddreg [dreg:$0x19]  }
0x48: {  	[tilespmem:s24], [sflag:$0x2] =	stream.linear.gather [hbm4b:s0+s11], $0x2000, $0x38;
	[tilespmem:$0x1DF00] =	vst v63  }
0x49: {  	_ =	swait.ge [sflag:s26], $0x2000  }
0x4a: {  	[sflag:s26] =	ssyncset.done $0x0  }
0x4b: {  	s9 =	rddreg [dreg:$0x1a];
	[sflag:s26] =	ssyncadd.s32 $0xFFFFE000  }
0x4c: {  	[tilespmem:s28], [sflag:$0x2] =	stream.linear.gather [hbm4b:s9+s11], $0x400, $0x38;
	[tilespmem:$0x1DF00] =	vst v63  }
0x4d: {  	_ =	swait.ge [sflag:s26], $0x400  }
0x4e: {  	[sflag:s26] =	ssyncset.done $0x0  }
0x4f: {  	s9 =	rddreg [dreg:$0x1b];
	[sflag:s26] =	ssyncadd.s32 $0xFFFFFC00  }
0x50: {  	[tilespmem:s29], [sflag:$0x2] =	stream.linear.gather [hbm4b:s9+s11], $0x400, $0x38;
	[tilespmem:$0x1DF00] =	vst v63  }
0x51: {  	_ =	swait.ge [sflag:s26], $0x400  }
0x52: {  	[sflag:s26] =	ssyncset.done $0x0  }
0x53: {  	[sflag:s26] =	ssyncadd.s32 $0xFFFFFC00  }
0x54: {  	[spmem:s21] =	stream.linear.scatter [tilespmem:s24], [sflag:$0x2], $0x2000, $0x38;
	[tilespmem:$0x1DF00] =	vst v63  }
0x55: {  	_ =	swait.ge [sflag:s26], $0x2000  }
0x56: {  	[sflag:s26] =	ssyncset.done $0x0  }
0x57: {  	[sflag:s26] =	ssyncadd.s32 $0xFFFFE000  }
0x58: {  	[spmem:s1] =	stream.linear.scatter [tilespmem:s29], [sflag:$0x2], $0x400, $0x38;
	[tilespmem:$0x1DF00] =	vst v63  }
0x59: {  	_ =	swait.ge [sflag:s26], $0x400  }
0x5a: {  	[sflag:s26] =	ssyncset.done $0x0  }
0x5b: {  	[sflag:s26] =	ssyncadd.s32 $0xFFFFFC00  }
0x5c: {  	[spmem:s30] =	stream.linear.scatter [tilespmem:s24], [sflag:$0x2], $0x2000, $0x38;
	[tilespmem:$0x1DF00] =	vst v63  }
0x5d: {  	_ =	swait.ge [sflag:s26], $0x2000  }
0x5e: {  	[sflag:s26] =	ssyncset.done $0x0  }
0x5f: {  	[sflag:s26] =	ssyncadd.s32 $0xFFFFE000  }
0x60: {  	[spmem:s31] =	stream.linear.scatter [tilespmem:s29], [sflag:$0x2], $0x400, $0x38;
	[tilespmem:$0x1DF00] =	vst v63  }
0x61: {  	_ =	swait.ge [sflag:s26], $0x400  }
0x62: {  	[sflag:s26] =	ssyncset.done $0x0  }
0x63: {  	s0 =	smov.u32 s2;
	[sflag:s26] =	ssyncadd.s32 $0xFFFFFC00  }
0x64: {  	[spmem:s0] =	stream.linear.scatter [tilespmem:s24], [sflag:$0x2], $0x2000, $0x38;
	[tilespmem:$0x1DF00] =	vst v63  }
0x65: {  	s1 =	sld [smem:$0x7EE];
	_ =	swait.ge [sflag:s26], $0x2000  }
0x66: {  	[sflag:s26] =	ssyncset.done $0x0  }
0x67: {  	[sflag:s26] =	ssyncadd.s32 $0xFFFFE000  }
0x68: {  	[spmem:s1] =	stream.linear.scatter [tilespmem:s29], [sflag:$0x2], $0x400, $0x38;
	[tilespmem:$0x1DF00] =	vst v63  }
0x69: {  	_ =	swait.ge [sflag:s26], $0x400  }
0x6a: {  	[sflag:s26] =	ssyncset.done $0x0  }
0x6b: {  	s2 =	smov.u32 s21;
	s21 =	smov.u32 s8;
	[sflag:s26] =	ssyncadd.s32 $0xFFFFFC00  }
0x6c: {  	[spmem:s21] =	stream.linear.scatter [tilespmem:s24], [sflag:$0x2], $0x2000, $0x38;
	[tilespmem:$0x1DF00] =	vst v63  }
0x6d: {  	_ =	swait.ge [sflag:s26], $0x2000  }
0x6e: {  	[sflag:s26] =	ssyncset.done $0x0  }
0x6f: {  	s9 =	smov.u32 s4;
	[sflag:s26] =	ssyncadd.s32 $0xFFFFE000  }
0x70: {  	[spmem:s9] =	stream.linear.scatter [tilespmem:s29], [sflag:$0x2], $0x400, $0x38;
	[tilespmem:$0x1DF00] =	vst v63  }
0x71: {  	_ =	swait.ge [sflag:s26], $0x400  }
0x72: {  	[sflag:s26] =	ssyncset.done $0x0  }
0x73: {  	[sflag:s26] =	ssyncadd.s32 $0xFFFFFC00  }
0x74: {  	[spmem:s12] =	stream.linear.scatter [tilespmem:s24], [sflag:$0x2], $0x2000, $0x38;
	[tilespmem:$0x1DF00] =	vst v63  }
0x75: {  	_ =	swait.ge [sflag:s26], $0x2000  }
0x76: {  	[sflag:s26] =	ssyncset.done $0x0  }
0x77: {  	s0 =	smov.u32 s13;
	[sflag:s26] =	ssyncadd.s32 $0xFFFFE000  }
0x78: {  	[spmem:s0] =	stream.linear.scatter [tilespmem:s29], [sflag:$0x2], $0x400, $0x38;
	[tilespmem:$0x1DF00] =	vst v63  }
0x79: {  	_ =	swait.ge [sflag:s26], $0x400  }
0x7a: {  	[sflag:s26] =	ssyncset.done $0x0  }
0x7b: {  	s4 =	smov.u32 s30;
	s30 =	smov.u32 s7;
	[sflag:s26] =	ssyncadd.s32 $0xFFFFFC00  }
0x7c: {  	[spmem:s30] =	stream.linear.scatter [tilespmem:s24], [sflag:$0x2], $0x2000, $0x38;
	[tilespmem:$0x1DF00] =	vst v63  }
0x7d: {  	_ =	swait.ge [sflag:s26], $0x2000  }
0x7e: {  	[sflag:s26] =	ssyncset.done $0x0  }
0x7f: {  	s7 =	smov.u32 s1;
	s1 =	smov.u32 s15;
	[sflag:s26] =	ssyncadd.s32 $0xFFFFE000  }
0x80: {  	[spmem:s1] =	stream.linear.scatter [tilespmem:s29], [sflag:$0x2], $0x400, $0x38;
	[tilespmem:$0x1DF00] =	vst v63  }
0x81: {  	_ =	swait.ge [sflag:s26], $0x400  }
0x82: {  	[sflag:s26] =	ssyncset.done $0x0  }
0x83: {  	s13 =	smov.u32 s21;
	s21 =	smov.u32 s10;
	[sflag:s26] =	ssyncadd.s32 $0xFFFFFC00  }
0x84: {  	[spmem:s21] =	stream.linear.scatter [tilespmem:s24], [sflag:$0x2], $0x2000, $0x38;
	[tilespmem:$0x1DF00] =	vst v63  }
0x85: {  	_ =	swait.ge [sflag:s26], $0x2000  }
0x86: {  	[sflag:s26] =	ssyncset.done $0x0  }
0x87: {  	[sflag:s26] =	ssyncadd.s32 $0xFFFFE000  }
0x88: {  	[spmem:s17] =	stream.linear.scatter [tilespmem:s29], [sflag:$0x2], $0x400, $0x38;
	[tilespmem:$0x1DF00] =	vst v63  }
0x89: {  	_ =	swait.ge [sflag:s26], $0x400  }
0x8a: {  	[sflag:s26] =	ssyncset.done $0x0  }
0x8b: {  	[sflag:s26] =	ssyncadd.s32 $0xFFFFFC00  }
0x8c: {  	[spmem:s5] =	stream.linear.scatter [tilespmem:s24], [sflag:$0x2], $0x2000, $0x38;
	[tilespmem:$0x1DF00] =	vst v63  }
0x8d: {  	_ =	swait.ge [sflag:s26], $0x2000  }
0x8e: {  	[sflag:s26] =	ssyncset.done $0x0  }
0x8f: {  	[sflag:s26] =	ssyncadd.s32 $0xFFFFE000  }
0x90: {  	[spmem:s14] =	stream.linear.scatter [tilespmem:s29], [sflag:$0x2], $0x400, $0x38;
	[tilespmem:$0x1DF00] =	vst v63  }
0x91: {  	_ =	swait.ge [sflag:s26], $0x400  }
0x92: {  	[sflag:s26] =	ssyncset.done $0x0  }
0x93: {  	[sflag:s26] =	ssyncadd.s32 $0xFFFFFC00  }
0x94: {  	[spmem:s16] =	stream.linear.scatter [tilespmem:s24], [sflag:$0x2], $0x2000, $0x38;
	[tilespmem:$0x1DF00] =	vst v63  }
0x95: {  	_ =	swait.ge [sflag:s26], $0x2000  }
0x96: {  	[sflag:s26] =	ssyncset.done $0x0  }
0x97: {  	[sflag:s26] =	ssyncadd.s32 $0xFFFFE000  }
0x98: {  	[spmem:s3] =	stream.linear.scatter [tilespmem:s29], [sflag:$0x2], $0x400, $0x38;
	[tilespmem:$0x1DF00] =	vst v63  }
0x99: {  	_ =	swait.ge [sflag:s26], $0x400  }
0x9a: {  	[sflag:s26] =	ssyncset.done $0x0  }
0x9b: {  	[sflag:s26] =	ssyncadd.s32 $0xFFFFFC00  }
0x9c: {  	[spmem:s23] =	stream.linear.scatter [tilespmem:s24], [sflag:$0x2], $0x2000, $0x38;
	[tilespmem:$0x1DF00] =	vst v63  }
0x9d: {  	_ =	swait.ge [sflag:s26], $0x2000  }
0x9e: {  	[sflag:s26] =	ssyncset.done $0x0  }
0x9f: {  	[sflag:s26] =	ssyncadd.s32 $0xFFFFE000  }
0xa0: {  	[spmem:s6] =	stream.linear.scatter [tilespmem:s29], [sflag:$0x2], $0x400, $0x38;
	[tilespmem:$0x1DF00] =	vst v63  }
0xa1: {  	_ =	swait.ge [sflag:s26], $0x400  }
0xa2: {  	[sflag:s26] =	ssyncset.done $0x0  }
0xa3: {  	[sflag:s26] =	ssyncadd.s32 $0xFFFFFC00  }
0xa4: {  	[bflag:$0x0] =	sbarrier.arrive $0xFFFF  }
0xa5: {  	s16 =	sld [smem:$0x7F1];
	_ =	sdelay $0x1  }
0xa6: {  	s17 =	simm.s32 $0x16800  }
0xa7: {  	[tilespmem:s17], [sflag:$0x2] =	stream.linear.gather [hbm4b:s16+s11], $0x2780, $0x38;
	[tilespmem:$0x1DF00] =	vst v63  }
0xa8: {  	_ =	swait.ge [sflag:s26], $0x2780  }
0xa9: {  	s21 =	sld [smem:$0x7F2]  }
0xaa: {  	[sflag:s26] =	ssyncset.done $0x0  }
0xab: {  	s23 =	simm.s32 $0x18F80;
	[sflag:s26] =	ssyncadd.s32 $0xFFFFD880  }
0xac: {  	[tilespmem:s23], [sflag:$0x2] =	stream.linear.gather [hbm4b:s21+s11], $0x2780, $0x38;
	[tilespmem:$0x1DF00] =	vst v63  }
0xad: {  	_ =	swait.ge [sflag:s26], $0x2780  }
0xae: {  	[sflag:s26] =	ssyncset.done $0x0  }
0xaf: {  	s30 =	simm.s32 $0x16800;
	[sflag:s26] =	ssyncadd.s32 $0xFFFFD880  }
0xb0: {  	[tilespmem:s24], [sflag:$0x1] =	stream.indirect.gather [hbm4b:s25+s18], $0x80, s30, s18, $0xb8;
	[tilespmem:$0x1DF00] =	vst v63  }
0xb1: {  	_ =	swait.ge [sflag:s19], $0x2000  }
0xb2: {  	[sflag:s19] =	ssyncset.done $0x0  }
0xb3: {  	s30 =	simm.s32 $0x18F80;
	[sflag:s19] =	ssyncadd.s32 $0xFFFFE000  }
0xb4: {  	[spmem:s20] =	stream.indirect.scatter.add.f32 [tilespmem:s24], [sflag:$0x2], $0x80, s30, s18, $0xb8;
	[tilespmem:$0x1DF00] =	vst v63  }
0xb5: {  	_ =	swait.ge [sflag:s26], $0x2000  }
0xb6: {  	[sflag:s26] =	ssyncset.done $0x0  }
0xb7: {  	s8 =	smov.u32 s31;
	s31 =	simm.s32 $0x200;
	[sflag:s26] =	ssyncadd.s32 $0xFFFFE000  }
0xb8: {  	[spmem:s22] =	stream.indirect.scatter.add.f32 [tilespmem:s28], [sflag:$0x2], $0x10, s30, s18, $0xb8;
	[tilespmem:$0x1DF00] =	vst v63  }
0xb9: {  	s15 =	smov.u32 s0;
	s10 =	smov.u32 s9;
	_ =	swait.ge [sflag:s26], $0x400  }
0xba: {  	s9 =	smov.u32 s12;
	s30 =	simm.s32 $0x40;
	[sflag:s26] =	ssyncset.done $0x0  }
.LBB2_2:
0xbb: {  	s21 =	sadd.s32 $0x16800, s30  }
0xbc: {  	[sflag:s26] =	ssyncadd.s32 $0xFFFFFC00;
	s0 =	smov.u32 s31;
	s1 =	sadd.s32 $0x100, s31  }
0xbd: {  	[tilespmem:s24], [sflag:$0x1] =	stream.indirect.gather [hbm4b:s25+s18], $0x80, s21, s18, $0xb8;
	[tilespmem:$0x1DF00] =	vst v63  }
0xbe: {  	p0 =	sne.s32 s31, $0x9D00;
	_ =	swait.ge [sflag:s19], $0x2000  }
0xbf: {  	[sflag:s19] =	ssyncset.done $0x0  }
0xc0: {  	s21 =	sadd.s32 $0x18F80, s30;
	[sflag:s19] =	ssyncadd.s32 $0xFFFFE000  }
0xc1: {  	[spmem:s20] =	stream.indirect.scatter.add.f32 [tilespmem:s24], [sflag:$0x2], $0x80, s21, s18, $0xb8;
	[tilespmem:$0x1DF00] =	vst v63  }
0xc2: {  	_ =	swait.ge [sflag:s26], $0x2000  }
.Ltmp0:
0xc3: {  	[sflag:s26] =	ssyncset.done $0x0;
	(pc) =	sbr.rel @p0 .LBB2_2-.Ltmp0, $4  }
0xc4: {  	[sflag:s26] =	ssyncadd.s32 $0xFFFFE000  }
0xc5: {  	[spmem:s22] =	stream.indirect.scatter.add.f32 [tilespmem:s28], [sflag:$0x2], $0x10, s21, s18, $0xb8;
	[tilespmem:$0x1DF00] =	vst v63  }
0xc6: {  	_ =	swait.ge [sflag:s26], $0x400  }
0xc7: {  	s30 =	sshra.s32 s0, $0x2;
	s31 =	smov.u32 s1;
	[sflag:s26] =	ssyncset.done $0x0  }
0xc8: {  	s0 =	sadd.s32 $0x16800, s30;
	[sflag:s26] =	ssyncadd.s32 $0xFFFFFC00  }
0xc9: {  	[tilespmem:s24], [sflag:$0x1] =	stream.indirect.gather [hbm4b:s25+s18], $0x80, s0, s18, $0xb8;
	[tilespmem:$0x1DF00] =	vst v63  }
0xca: {  	_ =	swait.ge [sflag:s19], $0x2000  }
0xcb: {  	[sflag:s19] =	ssyncset.done $0x0  }
0xcc: {  	s23 =	sadd.s32 $0x18F80, s30;
	[sflag:s19] =	ssyncadd.s32 $0xFFFFE000  }
0xcd: {  	[spmem:s20] =	stream.indirect.scatter.add.f32 [tilespmem:s24], [sflag:$0x2], $0x80, s23, s18, $0xb8;
	[tilespmem:$0x1DF00] =	vst v63  }
0xce: {  	_ =	swait.ge [sflag:s26], $0x2000  }
0xcf: {  	[sflag:s26] =	ssyncset.done $0x0  }
0xd0: {  	[sflag:s26] =	ssyncadd.s32 $0xFFFFE000  }
0xd1: {  	[spmem:s22] =	stream.indirect.scatter.add.f32 [tilespmem:s28], [sflag:$0x2], $0x10, s23, s18, $0xb8;
	[tilespmem:$0x1DF00] =	vst v63  }
0xd2: {  	_ =	swait.ge [sflag:s26], $0x400  }
0xd3: {  	[sflag:s26] =	ssyncset.done $0x0  }
0xd4: {  	[sflag:s26] =	ssyncadd.s32 $0xFFFFFC00  }
0xd5: {  	[bflag:$0x0] =	sbarrier.arrive $0xFFFF  }
0xd6: {  	[tilespmem:s24], [sflag:$0x2] =	stream.linear.gather [spmem:s2], $0x2000, $0x38;
	[tilespmem:$0x1DF00] =	vst v63  }
0xd7: {  	_ =	swait.ge [sflag:s26], $0x2000  }
0xd8: {  	[sflag:s26] =	ssyncset.done $0x0  }
0xd9: {  	s1 =	rddreg [dreg:$0x5];
	[sflag:s26] =	ssyncadd.s32 $0xFFFFE000  }
0xda: {  	[hbm4b:s1+s11] =	stream.linear.scatter [tilespmem:s24], [sflag:$0x2], $0x2000, $0x38;
	[tilespmem:$0x1DF00] =	vst v63  }
0xdb: {  	_ =	swait.ge [sflag:s26], $0x2000  }
0xdc: {  	s1 =	sld [smem:$0x7FA]  }
0xdd: {  	[sflag:s26] =	ssyncset.done $0x0  }
0xde: {  	[sflag:s26] =	ssyncadd.s32 $0xFFFFE000  }
0xdf: {  	[tilespmem:s29], [sflag:$0x2] =	stream.linear.gather [spmem:s1], $0x400, $0x38;
	[tilespmem:$0x1DF00] =	vst v63  }
0xe0: {  	_ =	swait.ge [sflag:s26], $0x400  }
0xe1: {  	[sflag:s26] =	ssyncset.done $0x0  }
0xe2: {  	s21 =	smov.u32 s2;
	s2 =	rddreg [dreg:$0xf];
	[sflag:s26] =	ssyncadd.s32 $0xFFFFFC00  }
0xe3: {  	[hbm4b:s2+s11] =	stream.linear.scatter [tilespmem:s29], [sflag:$0x2], $0x400, $0x38;
	[tilespmem:$0x1DF00] =	vst v63  }
0xe4: {  	_ =	swait.ge [sflag:s26], $0x400  }
0xe5: {  	[sflag:s26] =	ssyncset.done $0x0  }
0xe6: {  	[sflag:s26] =	ssyncadd.s32 $0xFFFFFC00  }
0xe7: {  	[tilespmem:s24], [sflag:$0x2] =	stream.linear.gather [spmem:s4], $0x2000, $0x38;
	[tilespmem:$0x1DF00] =	vst v63  }
0xe8: {  	_ =	swait.ge [sflag:s26], $0x2000  }
0xe9: {  	[sflag:s26] =	ssyncset.done $0x0  }
0xea: {  	s3 =	rddreg [dreg:$0x6];
	[sflag:s26] =	ssyncadd.s32 $0xFFFFE000  }
0xeb: {  	[hbm4b:s3+s11] =	stream.linear.scatter [tilespmem:s24], [sflag:$0x2], $0x2000, $0x38;
	[tilespmem:$0x1DF00] =	vst v63  }
0xec: {  	_ =	swait.ge [sflag:s26], $0x2000  }
0xed: {  	[sflag:s26] =	ssyncset.done $0x0  }
0xee: {  	[sflag:s26] =	ssyncadd.s32 $0xFFFFE000  }
0xef: {  	[tilespmem:s29], [sflag:$0x2] =	stream.linear.gather [spmem:s8], $0x400, $0x38;
	[tilespmem:$0x1DF00] =	vst v63  }
0xf0: {  	_ =	swait.ge [sflag:s26], $0x400  }
0xf1: {  	[sflag:s26] =	ssyncset.done $0x0  }
0xf2: {  	s30 =	smov.u32 s4;
	s4 =	rddreg [dreg:$0x10];
	[sflag:s26] =	ssyncadd.s32 $0xFFFFFC00  }
0xf3: {  	[hbm4b:s4+s11] =	stream.linear.scatter [tilespmem:s29], [sflag:$0x2], $0x400, $0x38;
	[tilespmem:$0x1DF00] =	vst v63  }
0xf4: {  	_ =	swait.ge [sflag:s26], $0x400  }
0xf5: {  	s2 =	sld [smem:$0x7FD]  }
0xf6: {  	[sflag:s26] =	ssyncset.done $0x0  }
0xf7: {  	[sflag:s26] =	ssyncadd.s32 $0xFFFFFC00  }
0xf8: {  	[tilespmem:s24], [sflag:$0x2] =	stream.linear.gather [spmem:s2], $0x2000, $0x38;
	[tilespmem:$0x1DF00] =	vst v63  }
0xf9: {  	_ =	swait.ge [sflag:s26], $0x2000  }
0xfa: {  	[sflag:s26] =	ssyncset.done $0x0  }
0xfb: {  	s5 =	rddreg [dreg:$0x7];
	[sflag:s26] =	ssyncadd.s32 $0xFFFFE000  }
0xfc: {  	[hbm4b:s5+s11] =	stream.linear.scatter [tilespmem:s24], [sflag:$0x2], $0x2000, $0x38;
	[tilespmem:$0x1DF00] =	vst v63  }
0xfd: {  	_ =	swait.ge [sflag:s26], $0x2000  }
0xfe: {  	[sflag:s26] =	ssyncset.done $0x0  }
0xff: {  	[sflag:s26] =	ssyncadd.s32 $0xFFFFE000  }
0x100: {  	[tilespmem:s29], [sflag:$0x2] =	stream.linear.gather [spmem:s7], $0x400, $0x38;
	[tilespmem:$0x1DF00] =	vst v63  }
0x101: {  	_ =	swait.ge [sflag:s26], $0x400  }
0x102: {  	[sflag:s26] =	ssyncset.done $0x0  }
0x103: {  	s6 =	rddreg [dreg:$0x11];
	[sflag:s26] =	ssyncadd.s32 $0xFFFFFC00  }
0x104: {  	[hbm4b:s6+s11] =	stream.linear.scatter [tilespmem:s29], [sflag:$0x2], $0x400, $0x38;
	[tilespmem:$0x1DF00] =	vst v63  }
0x105: {  	_ =	swait.ge [sflag:s26], $0x400  }
0x106: {  	[sflag:s26] =	ssyncset.done $0x0  }
0x107: {  	[sflag:s26] =	ssyncadd.s32 $0xFFFFFC00  }
0x108: {  	[tilespmem:s24], [sflag:$0x2] =	stream.linear.gather [spmem:s13], $0x2000, $0x38;
	[tilespmem:$0x1DF00] =	vst v63  }
0x109: {  	_ =	swait.ge [sflag:s26], $0x2000  }
0x10a: {  	[sflag:s26] =	ssyncset.done $0x0  }
0x10b: {  	s7 =	rddreg [dreg:$0x8];
	[sflag:s26] =	ssyncadd.s32 $0xFFFFE000  }
0x10c: {  	[hbm4b:s7+s11] =	stream.linear.scatter [tilespmem:s24], [sflag:$0x2], $0x2000, $0x38;
	[tilespmem:$0x1DF00] =	vst v63  }
0x10d: {  	_ =	swait.ge [sflag:s26], $0x2000  }
0x10e: {  	[sflag:s26] =	ssyncset.done $0x0  }
0x10f: {  	[sflag:s26] =	ssyncadd.s32 $0xFFFFE000  }
0x110: {  	[tilespmem:s29], [sflag:$0x2] =	stream.linear.gather [spmem:s10], $0x400, $0x38;
	[tilespmem:$0x1DF00] =	vst v63  }
0x111: {  	_ =	swait.ge [sflag:s26], $0x400  }
0x112: {  	[sflag:s26] =	ssyncset.done $0x0  }
0x113: {  	s12 =	rddreg [dreg:$0x12];
	[sflag:s26] =	ssyncadd.s32 $0xFFFFFC00  }
0x114: {  	[hbm4b:s12+s11] =	stream.linear.scatter [tilespmem:s29], [sflag:$0x2], $0x400, $0x38;
	[tilespmem:$0x1DF00] =	vst v63  }
0x115: {  	_ =	swait.ge [sflag:s26], $0x400  }
0x116: {  	[sflag:s26] =	ssyncset.done $0x0  }
0x117: {  	[sflag:s26] =	ssyncadd.s32 $0xFFFFFC00  }
0x118: {  	[tilespmem:s24], [sflag:$0x2] =	stream.linear.gather [spmem:s9], $0x2000, $0x38;
	[tilespmem:$0x1DF00] =	vst v63  }
0x119: {  	_ =	swait.ge [sflag:s26], $0x2000  }
0x11a: {  	s31 =	smov.u32 s8;
	[sflag:s26] =	ssyncset.done $0x0  }
0x11b: {  	s8 =	smov.u32 s13;
	s13 =	rddreg [dreg:$0x9];
	[sflag:s26] =	ssyncadd.s32 $0xFFFFE000  }
0x11c: {  	[hbm4b:s13+s11] =	stream.linear.scatter [tilespmem:s24], [sflag:$0x2], $0x2000, $0x38;
	[tilespmem:$0x1DF00] =	vst v63  }
0x11d: {  	_ =	swait.ge [sflag:s26], $0x2000  }
0x11e: {  	[sflag:s26] =	ssyncset.done $0x0  }
0x11f: {  	[sflag:s26] =	ssyncadd.s32 $0xFFFFE000  }
0x120: {  	[tilespmem:s29], [sflag:$0x2] =	stream.linear.gather [spmem:s15], $0x400, $0x38;
	[tilespmem:$0x1DF00] =	vst v63  }
0x121: {  	_ =	swait.ge [sflag:s26], $0x400  }
0x122: {  	[sflag:s26] =	ssyncset.done $0x0  }
0x123: {  	s14 =	rddreg [dreg:$0x13];
	[sflag:s26] =	ssyncadd.s32 $0xFFFFFC00  }
0x124: {  	[hbm4b:s14+s11] =	stream.linear.scatter [tilespmem:s29], [sflag:$0x2], $0x400, $0x38;
	[tilespmem:$0x1DF00] =	vst v63  }
0x125: {  	_ =	swait.ge [sflag:s26], $0x400  }
0x126: {  	s7 =	sld [smem:$0x7F8]  }
0x127: {  	[sflag:s26] =	ssyncset.done $0x0  }
0x128: {  	[sflag:s26] =	ssyncadd.s32 $0xFFFFFC00  }
0x129: {  	[tilespmem:s24], [sflag:$0x2] =	stream.linear.gather [spmem:s7], $0x2000, $0x38;
	[tilespmem:$0x1DF00] =	vst v63  }
0x12a: {  	_ =	swait.ge [sflag:s26], $0x2000  }
0x12b: {  	[sflag:s26] =	ssyncset.done $0x0  }
0x12c: {  	s13 =	smov.u32 s15;
	s15 =	rddreg [dreg:$0xa];
	[sflag:s26] =	ssyncadd.s32 $0xFFFFE000  }
0x12d: {  	[hbm4b:s15+s11] =	stream.linear.scatter [tilespmem:s24], [sflag:$0x2], $0x2000, $0x38;
	[tilespmem:$0x1DF00] =	vst v63  }
0x12e: {  	_ =	swait.ge [sflag:s26], $0x2000  }
0x12f: {  	s15 =	sld [smem:$0x7F6]  }
0x130: {  	[sflag:s26] =	ssyncset.done $0x0  }
0x131: {  	[sflag:s26] =	ssyncadd.s32 $0xFFFFE000  }
0x132: {  	[tilespmem:s29], [sflag:$0x2] =	stream.linear.gather [spmem:s15], $0x400, $0x38;
	[tilespmem:$0x1DF00] =	vst v63  }
0x133: {  	_ =	swait.ge [sflag:s26], $0x400  }
0x134: {  	[sflag:s26] =	ssyncset.done $0x0  }
0x135: {  	s16 =	rddreg [dreg:$0x14];
	[sflag:s26] =	ssyncadd.s32 $0xFFFFFC00  }
0x136: {  	[hbm4b:s16+s11] =	stream.linear.scatter [tilespmem:s29], [sflag:$0x2], $0x400, $0x38;
	[tilespmem:$0x1DF00] =	vst v63  }
0x137: {  	_ =	swait.ge [sflag:s26], $0x400  }
0x138: {  	[sflag:s26] =	ssyncset.done $0x0  }
0x139: {  	s4 =	smov.u32 s10;
	s10 =	rddreg [dreg:$0x1e];
	[sflag:s26] =	ssyncadd.s32 $0xFFFFFC00  }
0x13a: {  	[tilespmem:s24], [sflag:$0x2] =	stream.linear.gather [spmem:s10], $0x2000, $0x38;
	[tilespmem:$0x1DF00] =	vst v63  }
0x13b: {  	_ =	swait.ge [sflag:s26], $0x2000  }
0x13c: {  	[sflag:s26] =	ssyncset.done $0x0  }
0x13d: {  	s17 =	rddreg [dreg:$0xb];
	[sflag:s26] =	ssyncadd.s32 $0xFFFFE000  }
0x13e: {  	[hbm4b:s17+s11] =	stream.linear.scatter [tilespmem:s24], [sflag:$0x2], $0x2000, $0x38;
	[tilespmem:$0x1DF00] =	vst v63  }
0x13f: {  	_ =	swait.ge [sflag:s26], $0x2000  }
0x140: {  	[sflag:s26] =	ssyncset.done $0x0  }
0x141: {  	s17 =	rddreg [dreg:$0x1c];
	[sflag:s26] =	ssyncadd.s32 $0xFFFFE000  }
0x142: {  	[tilespmem:s29], [sflag:$0x2] =	stream.linear.gather [spmem:s17], $0x400, $0x38;
	[tilespmem:$0x1DF00] =	vst v63  }
0x143: {  	_ =	swait.ge [sflag:s26], $0x400  }
0x144: {  	[sflag:s26] =	ssyncset.done $0x0  }
0x145: {  	s23 =	rddreg [dreg:$0x15];
	[sflag:s26] =	ssyncadd.s32 $0xFFFFFC00  }
0x146: {  	[hbm4b:s23+s11] =	stream.linear.scatter [tilespmem:s29], [sflag:$0x2], $0x400, $0x38;
	[tilespmem:$0x1DF00] =	vst v63  }
0x147: {  	_ =	swait.ge [sflag:s26], $0x400  }
0x148: {  	[sflag:s26] =	ssyncset.done $0x0  }
0x149: {  	s5 =	rddreg [dreg:$0x1d];
	[sflag:s26] =	ssyncadd.s32 $0xFFFFFC00  }
0x14a: {  	[tilespmem:s24], [sflag:$0x2] =	stream.linear.gather [spmem:s5], $0x2000, $0x38;
	[tilespmem:$0x1DF00] =	vst v63  }
0x14b: {  	_ =	swait.ge [sflag:s26], $0x2000  }
0x14c: {  	[sflag:s26] =	ssyncset.done $0x0  }
0x14d: {  	s3 =	rddreg [dreg:$0xc];
	[sflag:s26] =	ssyncadd.s32 $0xFFFFE000  }
0x14e: {  	[hbm4b:s3+s11] =	stream.linear.scatter [tilespmem:s24], [sflag:$0x2], $0x2000, $0x38;
	[tilespmem:$0x1DF00] =	vst v63  }
0x14f: {  	_ =	swait.ge [sflag:s26], $0x2000  }
0x150: {  	[sflag:s26] =	ssyncset.done $0x0  }
0x151: {  	s14 =	rddreg [dreg:$0x1f];
	[sflag:s26] =	ssyncadd.s32 $0xFFFFE000  }
0x152: {  	[tilespmem:s29], [sflag:$0x2] =	stream.linear.gather [spmem:s14], $0x400, $0x38;
	[tilespmem:$0x1DF00] =	vst v63  }
0x153: {  	_ =	swait.ge [sflag:s26], $0x400  }
0x154: {  	[sflag:s26] =	ssyncset.done $0x0  }
0x155: {  	s6 =	rddreg [dreg:$0x16];
	[sflag:s26] =	ssyncadd.s32 $0xFFFFFC00  }
0x156: {  	[hbm4b:s6+s11] =	stream.linear.scatter [tilespmem:s29], [sflag:$0x2], $0x400, $0x38;
	[tilespmem:$0x1DF00] =	vst v63  }
0x157: {  	_ =	swait.ge [sflag:s26], $0x400  }
0x158: {  	s16 =	sld [smem:$0x7F7]  }
0x159: {  	[sflag:s26] =	ssyncset.done $0x0  }
0x15a: {  	[sflag:s26] =	ssyncadd.s32 $0xFFFFFC00  }
0x15b: {  	[tilespmem:s24], [sflag:$0x2] =	stream.linear.gather [spmem:s16], $0x2000, $0x38;
	[tilespmem:$0x1DF00] =	vst v63  }
0x15c: {  	_ =	swait.ge [sflag:s26], $0x2000  }
0x15d: {  	[sflag:s26] =	ssyncset.done $0x0  }
0x15e: {  	s12 =	rddreg [dreg:$0xd];
	[sflag:s26] =	ssyncadd.s32 $0xFFFFE000  }
0x15f: {  	[hbm4b:s12+s11] =	stream.linear.scatter [tilespmem:s24], [sflag:$0x2], $0x2000, $0x38;
	[tilespmem:$0x1DF00] =	vst v63  }
0x160: {  	_ =	swait.ge [sflag:s26], $0x2000  }
0x161: {  	s3 =	sld [smem:$0x7F9]  }
0x162: {  	[sflag:s26] =	ssyncset.done $0x0  }
0x163: {  	[sflag:s26] =	ssyncadd.s32 $0xFFFFE000  }
0x164: {  	[tilespmem:s29], [sflag:$0x2] =	stream.linear.gather [spmem:s3], $0x400, $0x38;
	[tilespmem:$0x1DF00] =	vst v63  }
0x165: {  	_ =	swait.ge [sflag:s26], $0x400  }
0x166: {  	[sflag:s26] =	ssyncset.done $0x0  }
0x167: {  	s23 =	rddreg [dreg:$0x17];
	[sflag:s26] =	ssyncadd.s32 $0xFFFFFC00  }
0x168: {  	[hbm4b:s23+s11] =	stream.linear.scatter [tilespmem:s29], [sflag:$0x2], $0x400, $0x38;
	[tilespmem:$0x1DF00] =	vst v63  }
0x169: {  	_ =	swait.ge [sflag:s26], $0x400  }
0x16a: {  	s23 =	sld [smem:$0x7FB]  }
0x16b: {  	[sflag:s26] =	ssyncset.done $0x0  }
0x16c: {  	[sflag:s26] =	ssyncadd.s32 $0xFFFFFC00  }
0x16d: {  	[tilespmem:s24], [sflag:$0x2] =	stream.linear.gather [spmem:s23], $0x2000, $0x38;
	[tilespmem:$0x1DF00] =	vst v63  }
0x16e: {  	_ =	swait.ge [sflag:s26], $0x2000  }
0x16f: {  	[sflag:s26] =	ssyncset.done $0x0  }
0x170: {  	s6 =	rddreg [dreg:$0xe];
	[sflag:s26] =	ssyncadd.s32 $0xFFFFE000  }
0x171: {  	[hbm4b:s6+s11] =	stream.linear.scatter [tilespmem:s24], [sflag:$0x2], $0x2000, $0x38;
	[tilespmem:$0x1DF00] =	vst v63  }
0x172: {  	_ =	swait.ge [sflag:s26], $0x2000  }
0x173: {  	s6 =	sld [smem:$0x7FC]  }
0x174: {  	[sflag:s26] =	ssyncset.done $0x0  }
0x175: {  	[sflag:s26] =	ssyncadd.s32 $0xFFFFE000  }
0x176: {  	[tilespmem:s29], [sflag:$0x2] =	stream.linear.gather [spmem:s6], $0x400, $0x38;
	[tilespmem:$0x1DF00] =	vst v63  }
0x177: {  	_ =	swait.ge [sflag:s26], $0x400  }
0x178: {  	[sflag:s26] =	ssyncset.done $0x0  }
0x179: {  	s12 =	rddreg [dreg:$0x18];
	[sflag:s26] =	ssyncadd.s32 $0xFFFFFC00  }
0x17a: {  	[hbm4b:s12+s11] =	stream.linear.scatter [tilespmem:s29], [sflag:$0x2], $0x400, $0x38;
	[tilespmem:$0x1DF00] =	vst v63  }
0x17b: {  	_ =	swait.ge [sflag:s26], $0x400  }
0x17c: {  	s12 =	sld [smem:$0x7F5]  }
0x17d: {  	s0 =	sld [smem:$0x7F4];
	_ =	sdelay $0x1  }
0x17e: {  	s12 =	sadd.s32 $0x1, s12  }
0x17f: {  	p0 =	sne.s32 s12, s0  }
.Ltmp1:
0x180: {  	_ = 	snop;
	(pc) =	sbr.rel @p0 .LBB2_1-.Ltmp1, $3  }
0x181: {  	_ =	sdelay $0x1  }
0x182: {  	[sflag:s26] =	ssyncset.done $0x0  }
0x183: {  	[sflag:s26] =	ssyncadd.s32 $0xFFFFFC00;
	[smem:$0x7F5] =	sst s12;
	s12 =	smov.u32 s9  }
0x184: {  	_ =	sfence.sel $0x180000  }
0x185: {  	[bflag:$0x0] =	sbarrier.arrive $0xFFFF  }
0x186: {  	_ =	strace $0x90000047  }
0x187: {  	s0 =	stileid.u32;
	[bflag:$0x2] =	sbarrier.arrive $0xFFFF  }
0x188: {  	p0 =	sne.s32 s0, $0x0;
	s0 =	rddreg [dreg:$0x4]  }
0x189: {  	s0 =	sadd.s32 @!p0 $0x100000, s0  }
0x18a: {  	[sflag:s0] =	ssyncadd.tile.s32 @!p0 $0x1;
	_ =	shalt  }
.Lfunc_end2:
_tile_overlayer_lowered:
.L_overlay_start_2:
0x18b: {  	(tag) =	ssettag $0x2  }
0x18c: {  	s0 =	rddreg [dreg:$0x0];
	s2 =	stileid.u32  }
0x18d: {  	s1 =	rddreg [dreg:$0x1];
	p0 =	sne.s32 s2, $0x0  }
0x18e: {  	s3 =	rddreg [dreg:$0x2];
	[bflag:$0x3] =	sbarrier.arrive $0xFFFF;
	s2 =	simm.s32 @!p0 $0x1C02  }
0x18f: {  	[timem:s3], [sflag:s2] =	dma.local @!p0 [hbm:s0], s1  }
0x190: {  	s0 =	simm.s32 @!p0 $0x2  }
0x191: {  	_ =	swait.ge @!p0 [sflag:s0], s1  }
0x192: {  	s1 =	ssub.s32 @!p0 $0x0, s1;
	[sflag:s0] =	ssyncset.done @!p0 $0x0  }
0x193: {  	[sflag:s0] =	ssyncadd.s32 @!p0 s1  }
0x194: {  	[bflag:$0x3] =	sbarrier.arrive $0xFFFF  }
0x195: {  	_ =	shalt  }

// kernel: kernel.9.cloned.1.call-start
scs
__scs_entry_jumppad:
0x0: {  	(pc) =	sbr.rel $0x88, $3  }
0x1: {  	(tag) =	ssettag $0x0;
	lr =	simm.s32 $0x1  }
0x2: {  	[smem:$0x3F99] =	sst lr;
	_ =	strace $0xD0000000  }
0x3: {  	_ = 	snop  }
0x4: {  	_ = 	snop  }
0x5: {  	_ = 	snop  }
0x6: {  	_ = 	snop  }
0x7: {  	_ = 	snop  }
__scs_overlays_trampoline_lowered:
0x8: {  	[smem:$0x3FA8] =	sst s0  }
0x9: {  	[smem:$0x3FA9] =	sst s1  }
0xa: {  	[smem:$0x3FAA] =	sst s2  }
0xb: {  	[smem:$0x3FAB] =	sst s3  }
0xc: {  	[smem:$0x3FAC] =	sst s4  }
0xd: {  	[smem:$0x3FAD] =	sst s5  }
0xe: {  	[smem:$0x3FAE] =	sst s6  }
0xf: {  	[smem:$0x3FAF] =	sst s7  }
0x10: {  	[smem:$0x3FB0] =	sst s8  }
0x11: {  	[smem:$0x3FB1] =	sst s9;
	s0 =	simm.s32 @!p0 $0x0  }
0x12: {  	s1 =	sld [smem:$0x3F97];
	s0 =	simm.s32 @p0 $0x1  }
0x13: {  	[smem:$0x3FB2] =	sst s0;
	s0 =	simm.s32 @!p1 $0x0  }
0x14: {  	s2 =	sld [smem:$0x3F96];
	s0 =	simm.s32 @p1 $0x1  }
0x15: {  	[smem:$0x3FB3] =	sst s0;
	s0 =	simm.s32 @!p2 $0x0  }
0x16: {  	s3 =	sld [smem:$0x3FDB];
	s0 =	simm.s32 @p2 $0x1  }
0x17: {  	s4 =	simm.s32 $0x1BF5;
	[smem:$0x3FB5] =	sst s0  }
0x18: {  	s0 =	sld [smem:$0x3F98];
	_ =	swait.ge [sflag:s4], $0x0  }
0x19: {  	s7 =	sld [smem:$0x3F99]  }
0x1a: {  	s8 =	sadd.s32 $0xFFFFE003, lr  }
0x1b: {  	s9 =	sadd.s32 $0xFFFFFEF7, lr;
	s5 =	simm.s32 $0xFFFFFFFF;
	p2 =	slt.u32 s8, $0xFFFFF086  }
0x1c: {  	p1 =	slt.u32 s9, $0xF7A;
	s5 =	simm.s32 @!p2 $0x0  }
0x1d: {  	s5 =	simm.s32 @p1 $0x1;
	p0 =	seq.s32 s7, s2  }
0x1e: {  	s7 =	smul.u32 @!p0 $0xF7A, s2;
	p2 =	seq.s32 @!p0 s5, $0x0  }
0x1f: {  	s9 =	smul.u32 $0xF7A, s1;
	s8 =	simm.s32 @!p0 $0x1BF5;
	p2 =	por !p2, p0  }
0x20: {  	[sflag:s8] =	ssyncset.s32 @!p0 $0xFFFFF086;
	s6 =	sadd.s32 @!p0 s3, s7;
	s7 =	simm.s32 @!p0 $0x108  }
0x21: {  	s3 =	sadd.s32 s3, s9;
	s6 =	sadd.s32 @!p0 $0x88, s6;
	s7 =	simm.s32 @p2 $0x1082  }
0x22: {  	[simem:s7], [sflag:s8] =	dma.local @!p0 [hbm:s6], $0xF7A  }
0x23: {  	s9 =	sor.u32 $0xD0000000, s2;
	s6 =	simm.s32 $0x108;
	_ =	swait.ge @!p0 [sflag:s8], $0x0  }
0x24: {  	s3 =	sadd.s32 $0x88, s3;
	s6 =	simm.s32 @!p1 $0x1082;
	[sflag:s4] =	ssyncset.s32 $0xFFFFF086  }
0x25: {  	[simem:s6], [sflag:s4] =	dma.local [hbm:s3], $0xF7A  }
0x26: {  	[smem:$0x3F99] =	sst s1;
	(tag) =	ssettag s2;
	_ =	strace s9  }
0x27: {  	s1 =	sld [smem:$0x3FA9]  }
0x28: {  	s2 =	sld [smem:$0x3FAA]  }
0x29: {  	s4 =	sld [smem:$0x3FAC]  }
0x2a: {  	p0 =	seq.s32 s5, $0x0;
	s5 =	sld [smem:$0x3FAD]  }
0x2b: {  	s6 =	sld [smem:$0x3FAE]  }
0x2c: {  	s7 =	sld [smem:$0x3FAF]  }
0x2d: {  	s3 =	simm.s32 $0x108;
	s8 =	sld [smem:$0x3FB0]  }
0x2e: {  	s3 =	simm.s32 @!p0 $0x1082;
	s9 =	sld [smem:$0x3FB1]  }
0x2f: {  	lr =	sadd.s32 s0, s3;
	s0 =	sld [smem:$0x3FA8]  }
0x30: {  	s3 =	sld [smem:$0x3FAB]  }
0x31: {  	[smem:$0x3FB4] =	sst s10  }
0x32: {  	s10 =	sld [smem:$0x3FB2];
	_ =	sdelay $0x3  }
0x33: {  	p0 =	seq.s32 s10, $0x1;
	s10 =	sld [smem:$0x3FB4];
	_ =	sdelay $0x3  }
0x34: {  	[smem:$0x3FB4] =	sst s10  }
0x35: {  	s10 =	sld [smem:$0x3FB3];
	_ =	sdelay $0x3  }
0x36: {  	p1 =	seq.s32 s10, $0x1;
	s10 =	sld [smem:$0x3FB4];
	_ =	sdelay $0x3  }
0x37: {  	[smem:$0x3FB4] =	sst s10  }
0x38: {  	s10 =	sld [smem:$0x3FB5]  }
0x39: {  	_ = 	snop;
	(pc) =	sbr.ind lr, $3  }
0x3a: {  	_ = 	snop  }
0x3b: {  	_ = 	snop  }
0x3c: {  	p2 =	seq.s32 s10, $0x1;
	s10 =	sld [smem:$0x3FB4]  }
0x3d: {  	_ =	shalt  }
0x3e: {  	_ =	shalt  }
0x3f: {  	_ =	shalt  }
0x40: {  	_ =	shalt  }
0x41: {  	_ =	shalt  }
0x42: {  	_ =	shalt  }
0x43: {  	_ =	shalt  }
0x44: {  	_ =	shalt  }
0x45: {  	_ =	shalt  }
0x46: {  	_ =	shalt  }
0x47: {  	_ =	shalt  }
0x48: {  	_ =	shalt  }
0x49: {  	_ =	shalt  }
0x4a: {  	_ =	shalt  }
0x4b: {  	_ =	shalt  }
0x4c: {  	_ =	shalt  }
0x4d: {  	_ =	shalt  }
0x4e: {  	_ =	shalt  }
0x4f: {  	_ =	shalt  }
0x50: {  	_ =	shalt  }
0x51: {  	_ =	shalt  }
0x52: {  	_ =	shalt  }
0x53: {  	_ =	shalt  }
0x54: {  	_ =	shalt  }
0x55: {  	_ =	shalt  }
0x56: {  	_ =	shalt  }
0x57: {  	_ =	shalt  }
0x58: {  	_ =	shalt  }
0x59: {  	_ =	shalt  }
0x5a: {  	_ =	shalt  }
0x5b: {  	_ =	shalt  }
0x5c: {  	_ =	shalt  }
0x5d: {  	_ =	shalt  }
0x5e: {  	_ =	shalt  }
0x5f: {  	_ =	shalt  }
0x60: {  	_ =	shalt  }
0x61: {  	_ =	shalt  }
0x62: {  	_ =	shalt  }
0x63: {  	_ =	shalt  }
0x64: {  	_ =	shalt  }
0x65: {  	_ =	shalt  }
0x66: {  	_ =	shalt  }
0x67: {  	_ =	shalt  }
0x68: {  	_ =	shalt  }
0x69: {  	_ =	shalt  }
0x6a: {  	_ =	shalt  }
0x6b: {  	_ =	shalt  }
0x6c: {  	_ =	shalt  }
0x6d: {  	_ =	shalt  }
0x6e: {  	_ =	shalt  }
0x6f: {  	_ =	shalt  }
0x70: {  	_ =	shalt  }
0x71: {  	_ =	shalt  }
0x72: {  	_ =	shalt  }
0x73: {  	_ =	shalt  }
0x74: {  	_ =	shalt  }
0x75: {  	_ =	shalt  }
0x76: {  	_ =	shalt  }
0x77: {  	_ =	shalt  }
0x78: {  	_ =	shalt  }
0x79: {  	_ =	shalt  }
0x7a: {  	_ =	shalt  }
0x7b: {  	_ =	shalt  }
0x7c: {  	_ =	shalt  }
0x7d: {  	_ =	shalt  }
0x7e: {  	_ =	shalt  }
0x7f: {  	_ =	shalt  }
0x80: {  	_ =	shalt  }
0x81: {  	_ =	shalt  }
0x82: {  	_ =	shalt  }
0x83: {  	_ =	shalt  }
0x84: {  	_ =	shalt  }
0x85: {  	_ =	shalt  }
0x86: {  	_ =	shalt  }
0x87: {  	_ =	shalt  }
.Lfunc_end0:
.L_simem_size_0:
called_computation.1_lowered:
.L_overlay_start_0:
0x88: {  	s2 =	sld [smem:$0x3FD9]  }
0x89: {  	s3 =	sld [smem:$0x3FFE];
	_ =	sdelay $0x1  }
0x8a: {  	s1 =	srdreg.scid  }
0x8b: {  	s0 =	sand.u32 $0x1, s1  }
0x8c: {  	s16 =	sshll.u32 s0, $0xA;
	s2 =	sadd.s32 s3, s2  }
0x8d: {  	s2 =	sadd.s32 s2, s16  }
0x8e: {  	[smem:$0x3FC0] =	sst s2  }
0x8f: {  	_ = 	snop  }
0x90: {  	(tm) =	ssettm $0x1  }
0x91: {  	s17 =	sld [smem:$0x3FFB];
	_ =	sdelay $0x3  }
0x92: {  	_ =	strace s17  }
0x93: {  	s2 =	sld [smem:$0x3FFC];
	_ =	sdelay $0x3  }
0x94: {  	_ =	strace s2  }
0x95: {  	s2 =	sld [smem:$0x3FFD];
	_ =	sdelay $0x3  }
0x96: {  	_ =	strace s2  }
0x97: {  	_ =	strace $0x8FFFFFFF  }
0x98: {  	s18 =	sld [smem:$0x3FDB];
	_ =	sdelay $0x1  }
0x99: {  	s19 =	simm.s32 $_scs_section_size  }
0x9a: {  	s4 =	simm.s32 $_size__tile_overlayer_lowered;
	s5 =	simm.s32 $_tile_overlayer_lowered  }
0x9b: {  	s22 =	simm.s32 $0x1BFF;
	s21 =	sshll.u32 s5, $0x1;
	s2 =	sadd.s32 s19, s18  }
0x9c: {  	s6 =	simm.s32 $0x0;
	s20 =	sshll.u32 s4, $0x1;
	s4 =	sadd.s32 s21, s2  }
0x9d: {  	[timem:s6], [sflag:s22] =	dma.local [hbm:s4], s20  }
0x9e: {  	_ =	swait.ge [sflag:s22], s20  }
0x9f: {  	s3 =	ssub.s32 $0x0, s20;
	[sflag:s22] =	ssyncset.done $0x0  }
0xa0: {  	[sflag:s22] =	ssyncadd.s32 s3;
	_ =	sdelay $0x1  }
0xa1: {  	s23 =	simm.s32 $0x1B8B  }
0xa2: {  	_ =	swait.ge [sflag:s23], $0x1  }
0xa3: {  	[sflag:s23] =	ssyncset.done $0x0  }
0xa4: {  	s25 =	simm.s32 $0x1B8E;
	s24 =	sld [smem:$0x3FFE];
	[sflag:s23] =	ssyncadd.s32 $0xFFFFFFFF  }
0xa5: {  	s26 =	simm.s32 $execute0_lowered;
	[smem:$0x3FD2] =	sst s25  }
0xa6: {  	s4 =	sshll.u32 s26, $0x1;
	_ =	strace $0x80000049;
	[dreg:$0x1] =	wrdreg $0xFFFFFFFF  }
0xa7: {  	s28 =	simm.s32 $_size_execute0_lowered;
	s2 =	sadd.s32 s2, s4;
	[dreg:$0x0] =	wrdreg $0x0  }
0xa8: {  	s4 =	sshll.u32 s28, $0x1;
	[dreg:$0x2] =	wrdreg s2  }
0xa9: {  	[dreg:$0x3] =	wrdreg s4  }
0xaa: {  	[dreg:$0x4] =	wrdreg $0xC0  }
0xab: {  	_ =	task [dreg:s6], $0x5FFFF  }
0xac: {  	[dreg:$0x1] =	wrdreg $0xFFFFFFFF  }
0xad: {  	[dreg:$0x0] =	wrdreg $0x60  }
0xae: {  	[dreg:$0x2] =	wrdreg s24  }
0xaf: {  	[dreg:$0x3] =	wrdreg $0x0  }
0xb0: {  	[dreg:$0x4] =	wrdreg $0x9  }
0xb1: {  	_ =	task.clear_ibuf [dreg:s6], $0x5FFFF;
	_ =	strace $0x90000049  }
0xb2: {  	s29 =	simm.s32 $0x9;
	_ =	strace $0x8000004B  }
0xb3: {  	_ =	swait.ge [sflag:s29], $0x1  }
0xb4: {  	[sflag:s29] =	ssyncadd.s32 $0xFFFFFFFF  }
0xb5: {  	_ =	strace $0x9000004B  }
0xb6: {  	_ =	sfence  }
0xb7: {  	s30 =	sld [smem:$0x0];
	_ =	sdelay $0x2  }
0xb8: {  	s31 =	sshll.u32 s1, $0xD;
	s1 =	sshrl.u32 s1, $0x2  }
0xb9: {  	s3 =	sand.u32 $0x4000, s31;
	s1 =	sadd.s32 s1, s30  }
0xba: {  	s0 =	sor.u32 s3, s0;
	s1 =	sshll.u32 s1, $0x11  }
0xbb: {  	s0 =	sor.u32 s1, s0  }
0xbc: {  	s0 =	sadd.s32 $0x8F2B, s0  }
0xbd: {  	[sflag:s0] =	ssyncadd.remote.s32 $0x1  }
0xbe: {  	_ =	sfence.sel $0xFFFF  }
0xbf: {  	[dreg:$0x0] =	wrdreg $0xFFFFFFFF;
	(pc) =	sbr.abs _section_cstart, $3  }
0xc0: {  	[dreg:$0x1] =	wrdreg $0xFFFFFFFF  }
0xc1: {  	_ =	task.clear_ibuf [dreg:s6], $0x2FFFF;
	_ =	strace $0x9FFFFFFF  }
0xc2: {  	(tm) =	ssettm $0x7FFFFFFF  }
0xc3: {  	_ =	shalt  }
tec
execute0_lowered:
.L_overlay_start_1:
0x0: {  	(tag) =	ssettag $0x1  }
0x1: {  	s0 =	rddreg [dreg:$0x0];
	s2 =	srdreg.scid  }
0x2: {  	s1 =	simm.s32 $0x0;
	s6 =	stileid.u32;
	s30 =	simm.s32 $0x18F00  }
0x3: {  	s31 =	simm.s32 $0x2;
	s2 =	sand.u32 $0x1, s2;
	[smem:$0x7FF] =	sst s1  }
0x4: {  	s3 =	sshll.u32 s6, $0x1;
	s10 =	smul.u32 $0x14000, s6;
	s13 =	sadd.s32 $0x8E400, s0  }
0x5: {  	s4 =	ssub.s32 $0x2, s2;
	s3 =	sor.u32 s2, s3;
	s2 =	smul.u32 $0x140000, s2  }
0x6: {  	s5 =	sshrl.u32 s4, $0x1;
	s3 =	smul.u32 $0x4F0, s3;
	s17 =	sor.u32 $0x2000, s10  }
0x7: {  	s18 =	sadd.s32 $0x4000, s10;
	s19 =	sadd.s32 $0x6000, s10;
	s20 =	sadd.s32 $0x8000, s10  }
0x8: {  	s21 =	sadd.s32 $0xA000, s10;
	s22 =	sadd.s32 $0xC000, s10;
	s23 =	sadd.s32 $0xE000, s10  }
0x9: {  	s24 =	sadd.s32 $0x10000, s10;
	s25 =	sadd.s32 $0x12000, s10;
	s4 =	ssub.s32 s4, s5  }
0xa: {  	s8 =	sadd.s32 s10, s2;
	s9 =	sadd.s32 s2, s17;
	s12 =	sadd.s32 s2, s18  }
0xb: {  	s14 =	sadd.s32 s2, s19;
	s7 =	sadd.s32 s2, s20;
	s5 =	sshrl.u32 s8, $0x3  }
0xc: {  	s11 =	sshrl.u32 s9, $0x3;
	s6 =	sshrl.u32 s14, $0x3;
	s16 =	sshrl.u32 s7, $0x3  }
0xd: {  	s8 =	sadd.s32 s2, s22;
	s9 =	sadd.s32 s2, s23;
	s14 =	sadd.s32 $0x2000, s0  }
0xe: {  	s29 =	smax.u32 s4, $0x1;
	s5 =	sadd.s32 s13, s5;
	s15 =	sadd.s32 s13, s6  }
0xf: {  	s26 =	sadd.s32 s13, s16;
	s8 =	sshrl.u32 s8, $0x3;
	[dreg:$0x3] =	wrdreg s5  }
0x10: {  	s9 =	sshrl.u32 s9, $0x3;
	s5 =	sadd.s32 s13, s11;
	[dreg:$0x6] =	wrdreg s15  }
0x11: {  	[dreg:$0x7] =	wrdreg s26;
	s8 =	sadd.s32 s13, s8;
	s9 =	sadd.s32 s13, s9  }
0x12: {  	s11 =	sadd.s32 s2, s24;
	s15 =	sadd.s32 $0x3E000, s0;
	[dreg:$0x4] =	wrdreg s5  }
0x13: {  	s5 =	sshrl.u32 s12, $0x3;
	s12 =	sshrl.u32 s11, $0x3;
	s11 =	rddreg [dreg:$0x1]  }
0x14: {  	s5 =	sadd.s32 s13, s5;
	s12 =	sadd.s32 s13, s12;
	s16 =	sadd.s32 s10, s11  }
0x15: {  	s17 =	sadd.s32 s17, s11;
	s18 =	sadd.s32 s18, s11;
	s19 =	sadd.s32 s19, s11  }
0x16: {  	s20 =	sadd.s32 s20, s11;
	s22 =	sadd.s32 s22, s11;
	s23 =	sadd.s32 s23, s11  }
0x17: {  	s24 =	sadd.s32 s24, s11;
	s10 =	simm.s32 $0x40;
	[dreg:$0x5] =	wrdreg s5  }
0x18: {  	s5 =	sadd.s32 s2, s21;
	s2 =	sadd.s32 s2, s25;
	s21 =	sadd.s32 s21, s11  }
0x19: {  	s25 =	sadd.s32 s25, s11;
	s7 =	sshrl.u32 s5, $0x3;
	s2 =	sshrl.u32 s2, $0x3  }
0x1a: {  	s6 =	sadd.s32 s13, s7;
	s13 =	sadd.s32 s13, s2;
	s7 =	sadd.s32 s3, s0  }
0x1b: {  	s0 =	simm.s32 $0x1;
	s2 =	simm.s32 $0x0;
	[dreg:$0x8] =	wrdreg s6  }
0x1c: {  	s26 =	sadd.s32 $0x34000, s7;
	s28 =	sadd.s32 $0x2A200, s7;
	_ =	strace $0x8000004A  }
.LBB2_1:
0x1d: {  	[tilespmem:s30], [sflag:$0x2] =	stream.linear.gather [hbm4b:s15+s1], $0x2000, $0x38;
	[tilespmem:$0x1AF00] =	vst v63  }
0x1e: {  	_ =	swait.ge [sflag:s31], $0x2000  }
0x1f: {  	[sflag:s31] =	ssyncset.done $0x0  }
0x20: {  	[sflag:s31] =	ssyncadd.s32 $0xFFFFE000  }
0x21: {  	[spmem:s16] =	stream.linear.scatter [tilespmem:s30], [sflag:$0x2], $0x2000, $0x38;
	[tilespmem:$0x1AF00] =	vst v63  }
0x22: {  	_ =	swait.ge [sflag:s31], $0x2000  }
0x23: {  	[sflag:s31] =	ssyncset.done $0x0  }
0x24: {  	[sflag:s31] =	ssyncadd.s32 $0xFFFFE000  }
0x25: {  	[spmem:s17] =	stream.linear.scatter [tilespmem:s30], [sflag:$0x2], $0x2000, $0x38;
	[tilespmem:$0x1AF00] =	vst v63  }
0x26: {  	_ =	swait.ge [sflag:s31], $0x2000  }
0x27: {  	[sflag:s31] =	ssyncset.done $0x0  }
0x28: {  	[sflag:s31] =	ssyncadd.s32 $0xFFFFE000  }
0x29: {  	[spmem:s18] =	stream.linear.scatter [tilespmem:s30], [sflag:$0x2], $0x2000, $0x38;
	[tilespmem:$0x1AF00] =	vst v63  }
0x2a: {  	_ =	swait.ge [sflag:s31], $0x2000  }
0x2b: {  	[sflag:s31] =	ssyncset.done $0x0  }
0x2c: {  	[sflag:s31] =	ssyncadd.s32 $0xFFFFE000  }
0x2d: {  	[spmem:s19] =	stream.linear.scatter [tilespmem:s30], [sflag:$0x2], $0x2000, $0x38;
	[tilespmem:$0x1AF00] =	vst v63  }
0x2e: {  	_ =	swait.ge [sflag:s31], $0x2000  }
0x2f: {  	[sflag:s31] =	ssyncset.done $0x0  }
0x30: {  	[sflag:s31] =	ssyncadd.s32 $0xFFFFE000  }
0x31: {  	[spmem:s20] =	stream.linear.scatter [tilespmem:s30], [sflag:$0x2], $0x2000, $0x38;
	[tilespmem:$0x1AF00] =	vst v63  }
0x32: {  	_ =	swait.ge [sflag:s31], $0x2000  }
0x33: {  	[sflag:s31] =	ssyncset.done $0x0  }
0x34: {  	[sflag:s31] =	ssyncadd.s32 $0xFFFFE000  }
0x35: {  	[spmem:s21] =	stream.linear.scatter [tilespmem:s30], [sflag:$0x2], $0x2000, $0x38;
	[tilespmem:$0x1AF00] =	vst v63  }
0x36: {  	_ =	swait.ge [sflag:s31], $0x2000  }
0x37: {  	[sflag:s31] =	ssyncset.done $0x0  }
0x38: {  	[sflag:s31] =	ssyncadd.s32 $0xFFFFE000  }
0x39: {  	[spmem:s22] =	stream.linear.scatter [tilespmem:s30], [sflag:$0x2], $0x2000, $0x38;
	[tilespmem:$0x1AF00] =	vst v63  }
0x3a: {  	_ =	swait.ge [sflag:s31], $0x2000  }
0x3b: {  	[sflag:s31] =	ssyncset.done $0x0  }
0x3c: {  	[sflag:s31] =	ssyncadd.s32 $0xFFFFE000  }
0x3d: {  	[spmem:s23] =	stream.linear.scatter [tilespmem:s30], [sflag:$0x2], $0x2000, $0x38;
	[tilespmem:$0x1AF00] =	vst v63  }
0x3e: {  	_ =	swait.ge [sflag:s31], $0x2000  }
0x3f: {  	[sflag:s31] =	ssyncset.done $0x0  }
0x40: {  	[sflag:s31] =	ssyncadd.s32 $0xFFFFE000  }
0x41: {  	[spmem:s24] =	stream.linear.scatter [tilespmem:s30], [sflag:$0x2], $0x2000, $0x38;
	[tilespmem:$0x1AF00] =	vst v63  }
0x42: {  	_ =	swait.ge [sflag:s31], $0x2000  }
0x43: {  	[sflag:s31] =	ssyncset.done $0x0  }
0x44: {  	[sflag:s31] =	ssyncadd.s32 $0xFFFFE000  }
0x45: {  	[spmem:s25] =	stream.linear.scatter [tilespmem:s30], [sflag:$0x2], $0x2000, $0x38;
	[tilespmem:$0x1AF00] =	vst v63  }
0x46: {  	_ =	swait.ge [sflag:s31], $0x2000  }
0x47: {  	[sflag:s31] =	ssyncset.done $0x0  }
0x48: {  	[sflag:s31] =	ssyncadd.s32 $0xFFFFE000  }
0x49: {  	s3 =	simm.s32 $0x14000;
	[bflag:$0x0] =	sbarrier.arrive $0xFFFF  }
0x4a: {  	[tilespmem:s3], [sflag:$0x2] =	stream.linear.gather [hbm4b:s26+s1], $0x2780, $0x38;
	[tilespmem:$0x1AF00] =	vst v63  }
0x4b: {  	_ =	swait.ge [sflag:s31], $0x2780  }
0x4c: {  	[sflag:s31] =	ssyncset.done $0x0  }
0x4d: {  	s5 =	simm.s32 $0x16780;
	[sflag:s31] =	ssyncadd.s32 $0xFFFFD880  }
0x4e: {  	[tilespmem:s5], [sflag:$0x2] =	stream.linear.gather [hbm4b:s28+s1], $0x2780, $0x38;
	[tilespmem:$0x1AF00] =	vst v63  }
0x4f: {  	_ =	swait.ge [sflag:s31], $0x2780  }
0x50: {  	[sflag:s31] =	ssyncset.done $0x0  }
0x51: {  	s6 =	simm.s32 $0x14000;
	[sflag:s31] =	ssyncadd.s32 $0xFFFFD880  }
0x52: {  	[tilespmem:s30], [sflag:$0x1] =	stream.indirect.gather [hbm4b:s14+s10], $0x80, s6, s10, $0xb8;
	[tilespmem:$0x1AF00] =	vst v63  }
0x53: {  	_ =	swait.ge [sflag:s0], $0x2000  }
0x54: {  	[sflag:s0] =	ssyncset.done $0x0  }
0x55: {  	s7 =	simm.s32 $0x16780;
	[sflag:s0] =	ssyncadd.s32 $0xFFFFE000  }
0x56: {  	[spmem:s11] =	stream.indirect.scatter.add.f32 [tilespmem:s30], [sflag:$0x2], $0x80, s7, s10, $0xb8;
	[tilespmem:$0x1AF00] =	vst v63  }
0x57: {  	_ =	swait.ge [sflag:s31], $0x2000  }
0x58: {  	s4 =	simm.s32 $0x200;
	s3 =	simm.s32 $0x40;
	[sflag:s31] =	ssyncset.done $0x0  }
.LBB2_2:
0x59: {  	s5 =	sadd.s32 $0x14000, s3  }
0x5a: {  	[sflag:s31] =	ssyncadd.s32 $0xFFFFE000;
	s6 =	smov.u32 s4;
	s7 =	sadd.s32 $0x100, s4  }
0x5b: {  	[tilespmem:s30], [sflag:$0x1] =	stream.indirect.gather [hbm4b:s14+s10], $0x80, s5, s10, $0xb8;
	[tilespmem:$0x1AF00] =	vst v63  }
0x5c: {  	p0 =	sne.s32 s4, $0x9D00;
	_ =	swait.ge [sflag:s0], $0x2000  }
.Ltmp0:
0x5d: {  	[sflag:s0] =	ssyncset.done $0x0;
	(pc) =	sbr.rel @p0 .LBB2_2-.Ltmp0, $4  }
0x5e: {  	s3 =	sadd.s32 $0x16780, s3;
	[sflag:s0] =	ssyncadd.s32 $0xFFFFE000  }
0x5f: {  	[spmem:s11] =	stream.indirect.scatter.add.f32 [tilespmem:s30], [sflag:$0x2], $0x80, s3, s10, $0xb8;
	[tilespmem:$0x1AF00] =	vst v63  }
0x60: {  	_ =	swait.ge [sflag:s31], $0x2000  }
0x61: {  	s4 =	smov.u32 s7;
	s3 =	sshra.s32 s6, $0x2;
	[sflag:s31] =	ssyncset.done $0x0  }
0x62: {  	s4 =	sadd.s32 $0x14000, s3;
	[sflag:s31] =	ssyncadd.s32 $0xFFFFE000  }
0x63: {  	[tilespmem:s30], [sflag:$0x1] =	stream.indirect.gather [hbm4b:s14+s10], $0x80, s4, s10, $0xb8;
	[tilespmem:$0x1AF00] =	vst v63  }
0x64: {  	_ =	swait.ge [sflag:s0], $0x2000  }
0x65: {  	[sflag:s0] =	ssyncset.done $0x0  }
0x66: {  	s5 =	sadd.s32 $0x16780, s3;
	[sflag:s0] =	ssyncadd.s32 $0xFFFFE000  }
0x67: {  	[spmem:s11] =	stream.indirect.scatter.add.f32 [tilespmem:s30], [sflag:$0x2], $0x80, s5, s10, $0xb8;
	[tilespmem:$0x1AF00] =	vst v63  }
0x68: {  	_ =	swait.ge [sflag:s31], $0x2000  }
0x69: {  	[sflag:s31] =	ssyncset.done $0x0  }
0x6a: {  	[sflag:s31] =	ssyncadd.s32 $0xFFFFE000  }
0x6b: {  	[bflag:$0x0] =	sbarrier.arrive $0xFFFF  }
0x6c: {  	[tilespmem:s30], [sflag:$0x2] =	stream.linear.gather [spmem:s16], $0x2000, $0x38;
	[tilespmem:$0x1AF00] =	vst v63  }
0x6d: {  	_ =	swait.ge [sflag:s31], $0x2000  }
0x6e: {  	[sflag:s31] =	ssyncset.done $0x0  }
0x6f: {  	s6 =	rddreg [dreg:$0x3];
	[sflag:s31] =	ssyncadd.s32 $0xFFFFE000  }
0x70: {  	[hbm4b:s6+s1] =	stream.linear.scatter [tilespmem:s30], [sflag:$0x2], $0x2000, $0x38;
	[tilespmem:$0x1AF00] =	vst v63  }
0x71: {  	_ =	swait.ge [sflag:s31], $0x2000  }
0x72: {  	[sflag:s31] =	ssyncset.done $0x0  }
0x73: {  	[sflag:s31] =	ssyncadd.s32 $0xFFFFE000  }
0x74: {  	[tilespmem:s30], [sflag:$0x2] =	stream.linear.gather [spmem:s17], $0x2000, $0x38;
	[tilespmem:$0x1AF00] =	vst v63  }
0x75: {  	_ =	swait.ge [sflag:s31], $0x2000  }
0x76: {  	[sflag:s31] =	ssyncset.done $0x0  }
0x77: {  	s7 =	rddreg [dreg:$0x4];
	[sflag:s31] =	ssyncadd.s32 $0xFFFFE000  }
0x78: {  	[hbm4b:s7+s1] =	stream.linear.scatter [tilespmem:s30], [sflag:$0x2], $0x2000, $0x38;
	[tilespmem:$0x1AF00] =	vst v63  }
0x79: {  	_ =	swait.ge [sflag:s31], $0x2000  }
0x7a: {  	[sflag:s31] =	ssyncset.done $0x0  }
0x7b: {  	[sflag:s31] =	ssyncadd.s32 $0xFFFFE000  }
0x7c: {  	[tilespmem:s30], [sflag:$0x2] =	stream.linear.gather [spmem:s18], $0x2000, $0x38;
	[tilespmem:$0x1AF00] =	vst v63  }
0x7d: {  	_ =	swait.ge [sflag:s31], $0x2000  }
0x7e: {  	[sflag:s31] =	ssyncset.done $0x0  }
0x7f: {  	s4 =	rddreg [dreg:$0x5];
	[sflag:s31] =	ssyncadd.s32 $0xFFFFE000  }
0x80: {  	[hbm4b:s4+s1] =	stream.linear.scatter [tilespmem:s30], [sflag:$0x2], $0x2000, $0x38;
	[tilespmem:$0x1AF00] =	vst v63  }
0x81: {  	_ =	swait.ge [sflag:s31], $0x2000  }
0x82: {  	[sflag:s31] =	ssyncset.done $0x0  }
0x83: {  	[sflag:s31] =	ssyncadd.s32 $0xFFFFE000  }
0x84: {  	[tilespmem:s30], [sflag:$0x2] =	stream.linear.gather [spmem:s19], $0x2000, $0x38;
	[tilespmem:$0x1AF00] =	vst v63  }
0x85: {  	_ =	swait.ge [sflag:s31], $0x2000  }
0x86: {  	[sflag:s31] =	ssyncset.done $0x0  }
0x87: {  	s5 =	rddreg [dreg:$0x6];
	[sflag:s31] =	ssyncadd.s32 $0xFFFFE000  }
0x88: {  	[hbm4b:s5+s1] =	stream.linear.scatter [tilespmem:s30], [sflag:$0x2], $0x2000, $0x38;
	[tilespmem:$0x1AF00] =	vst v63  }
0x89: {  	_ =	swait.ge [sflag:s31], $0x2000  }
0x8a: {  	[sflag:s31] =	ssyncset.done $0x0  }
0x8b: {  	[sflag:s31] =	ssyncadd.s32 $0xFFFFE000  }
0x8c: {  	[tilespmem:s30], [sflag:$0x2] =	stream.linear.gather [spmem:s20], $0x2000, $0x38;
	[tilespmem:$0x1AF00] =	vst v63  }
0x8d: {  	_ =	swait.ge [sflag:s31], $0x2000  }
0x8e: {  	[sflag:s31] =	ssyncset.done $0x0  }
0x8f: {  	s6 =	rddreg [dreg:$0x7];
	[sflag:s31] =	ssyncadd.s32 $0xFFFFE000  }
0x90: {  	[hbm4b:s6+s1] =	stream.linear.scatter [tilespmem:s30], [sflag:$0x2], $0x2000, $0x38;
	[tilespmem:$0x1AF00] =	vst v63  }
0x91: {  	_ =	swait.ge [sflag:s31], $0x2000  }
0x92: {  	[sflag:s31] =	ssyncset.done $0x0  }
0x93: {  	[sflag:s31] =	ssyncadd.s32 $0xFFFFE000  }
0x94: {  	[tilespmem:s30], [sflag:$0x2] =	stream.linear.gather [spmem:s21], $0x2000, $0x38;
	[tilespmem:$0x1AF00] =	vst v63  }
0x95: {  	_ =	swait.ge [sflag:s31], $0x2000  }
0x96: {  	[sflag:s31] =	ssyncset.done $0x0  }
0x97: {  	s7 =	rddreg [dreg:$0x8];
	[sflag:s31] =	ssyncadd.s32 $0xFFFFE000  }
0x98: {  	[hbm4b:s7+s1] =	stream.linear.scatter [tilespmem:s30], [sflag:$0x2], $0x2000, $0x38;
	[tilespmem:$0x1AF00] =	vst v63  }
0x99: {  	_ =	swait.ge [sflag:s31], $0x2000  }
0x9a: {  	[sflag:s31] =	ssyncset.done $0x0  }
0x9b: {  	[sflag:s31] =	ssyncadd.s32 $0xFFFFE000  }
0x9c: {  	[tilespmem:s30], [sflag:$0x2] =	stream.linear.gather [spmem:s22], $0x2000, $0x38;
	[tilespmem:$0x1AF00] =	vst v63  }
0x9d: {  	_ =	swait.ge [sflag:s31], $0x2000  }
0x9e: {  	[sflag:s31] =	ssyncset.done $0x0  }
0x9f: {  	[sflag:s31] =	ssyncadd.s32 $0xFFFFE000  }
0xa0: {  	[hbm4b:s8+s1] =	stream.linear.scatter [tilespmem:s30], [sflag:$0x2], $0x2000, $0x38;
	[tilespmem:$0x1AF00] =	vst v63  }
0xa1: {  	_ =	swait.ge [sflag:s31], $0x2000  }
0xa2: {  	[sflag:s31] =	ssyncset.done $0x0  }
0xa3: {  	[sflag:s31] =	ssyncadd.s32 $0xFFFFE000  }
0xa4: {  	[tilespmem:s30], [sflag:$0x2] =	stream.linear.gather [spmem:s23], $0x2000, $0x38;
	[tilespmem:$0x1AF00] =	vst v63  }
0xa5: {  	_ =	swait.ge [sflag:s31], $0x2000  }
0xa6: {  	[sflag:s31] =	ssyncset.done $0x0  }
0xa7: {  	[sflag:s31] =	ssyncadd.s32 $0xFFFFE000  }
0xa8: {  	[hbm4b:s9+s1] =	stream.linear.scatter [tilespmem:s30], [sflag:$0x2], $0x2000, $0x38;
	[tilespmem:$0x1AF00] =	vst v63  }
0xa9: {  	_ =	swait.ge [sflag:s31], $0x2000  }
0xaa: {  	[sflag:s31] =	ssyncset.done $0x0  }
0xab: {  	[sflag:s31] =	ssyncadd.s32 $0xFFFFE000  }
0xac: {  	[tilespmem:s30], [sflag:$0x2] =	stream.linear.gather [spmem:s24], $0x2000, $0x38;
	[tilespmem:$0x1AF00] =	vst v63  }
0xad: {  	_ =	swait.ge [sflag:s31], $0x2000  }
0xae: {  	[sflag:s31] =	ssyncset.done $0x0  }
0xaf: {  	[sflag:s31] =	ssyncadd.s32 $0xFFFFE000  }
0xb0: {  	[hbm4b:s12+s1] =	stream.linear.scatter [tilespmem:s30], [sflag:$0x2], $0x2000, $0x38;
	[tilespmem:$0x1AF00] =	vst v63  }
0xb1: {  	_ =	swait.ge [sflag:s31], $0x2000  }
0xb2: {  	[sflag:s31] =	ssyncset.done $0x0  }
0xb3: {  	[sflag:s31] =	ssyncadd.s32 $0xFFFFE000  }
0xb4: {  	[tilespmem:s30], [sflag:$0x2] =	stream.linear.gather [spmem:s25], $0x2000, $0x38;
	[tilespmem:$0x1AF00] =	vst v63  }
0xb5: {  	s2 =	sadd.s32 $0x1, s2;
	_ =	swait.ge [sflag:s31], $0x2000  }
0xb6: {  	p0 =	sne.s32 s2, s29;
	[sflag:s31] =	ssyncset.done $0x0  }
.Ltmp1:
0xb7: {  	[sflag:s31] =	ssyncadd.s32 $0xFFFFE000;
	(pc) =	sbr.rel @p0 .LBB2_1-.Ltmp1, $4  }
0xb8: {  	[hbm4b:s13+s1] =	stream.linear.scatter [tilespmem:s30], [sflag:$0x2], $0x2000, $0x38;
	[tilespmem:$0x1AF00] =	vst v63  }
0xb9: {  	_ =	swait.ge [sflag:s31], $0x2000  }
0xba: {  	[sflag:s31] =	ssyncset.done $0x0  }
0xbb: {  	[sflag:s31] =	ssyncadd.s32 $0xFFFFE000  }
0xbc: {  	_ =	sfence.sel $0x180000  }
0xbd: {  	[bflag:$0x0] =	sbarrier.arrive $0xFFFF  }
0xbe: {  	_ =	strace $0x9000004A  }
0xbf: {  	s0 =	stileid.u32;
	[bflag:$0x2] =	sbarrier.arrive $0xFFFF  }
0xc0: {  	p0 =	sne.s32 s0, $0x0;
	s0 =	rddreg [dreg:$0x2]  }
0xc1: {  	s0 =	sadd.s32 @!p0 $0x100000, s0  }
0xc2: {  	[sflag:s0] =	ssyncadd.tile.s32 @!p0 $0x1;
	_ =	shalt  }
.Lfunc_end2:
_tile_overlayer_lowered:
.L_overlay_start_2:
0xc3: {  	(tag) =	ssettag $0x2  }
0xc4: {  	s0 =	rddreg [dreg:$0x0];
	s2 =	stileid.u32  }
0xc5: {  	s1 =	rddreg [dreg:$0x1];
	p0 =	sne.s32 s2, $0x0  }
0xc6: {  	s3 =	rddreg [dreg:$0x2];
	[bflag:$0x3] =	sbarrier.arrive $0xFFFF;
	s2 =	simm.s32 @!p0 $0x1C02  }
0xc7: {  	[timem:s3], [sflag:s2] =	dma.local @!p0 [hbm:s0], s1  }
0xc8: {  	s0 =	simm.s32 @!p0 $0x2  }
0xc9: {  	_ =	swait.ge @!p0 [sflag:s0], s1  }
0xca: {  	s1 =	ssub.s32 @!p0 $0x0, s1;
	[sflag:s0] =	ssyncset.done @!p0 $0x0  }
0xcb: {  	[sflag:s0] =	ssyncadd.s32 @!p0 s1  }
0xcc: {  	[bflag:$0x3] =	sbarrier.arrive $0xFFFF  }
0xcd: {  	_ =	shalt  }

</sc_bundles>
